<compile_context>
chip_gen: v7x
topology: tpu7x:2x2x1
jax: 0.10.2.dev20260603
libtpu: 0.0.44.dev20260713+nightly
codegen_flags: <defaults>
</compile_context>

<pallas_src>
import functools

import ml_dtypes
import numpy as np
import jax
import jax.numpy as jnp
from jax import lax
from jax.experimental import pallas as pl
from jax.experimental.pallas import tpu as pltpu
from jax.experimental.pallas import tpu_sc as plsc

_B, _C, _H, _W = 8, 3, 384, 384
_P, _PD, _HID, _NP = 16, 24, 768, 576
_PEX = 584
_NW = 32
_TPW = _B * _NP // _NW
_K = 24
_NCH = _TPW // _K
_MROWS = 24 * _W


def _build_static():
    hs = [24, 20, 16, 24, 12, 18, 24, 22]
    ws = [24, 24, 20, 16, 24, 18, 22, 24]
    m = np.zeros((_B, _H, _W), dtype=np.int32)
    for i, (h, w) in enumerate(zip(hs, ws)):
        m[i, : h * _P, : w * _P] = 1
    idx_h = (np.arange(_PD) * _H) // _PD
    idx_w = (np.arange(_PD) * _W) // _PD
    mask_patch = m[:, idx_h][:, :, idx_w]
    xh = mask_patch.sum(axis=1)[:, 0]
    xw = mask_patch.sum(axis=2)[:, 0]
    max_len = int((xh.astype(np.int64) * xw.astype(np.int64)).max())
    rng = np.random.RandomState(0)
    sel = np.zeros((_B, max_len), dtype=np.int64)
    for i in range(_B):
        flat = mask_patch[i].reshape(-1)
        valid = np.nonzero(flat)[0]
        nonvalid = np.nonzero(1 - flat)[0]
        v = valid.shape[0]
        p = max_len - v
        if p <= 0:
            choice = rng.permutation(v)[:max_len]
            sel[i] = valid[choice]
        else:
            pad = rng.randint(0, nonvalid.shape[0], size=p)
            sel[i] = np.concatenate([valid, nonvalid[pad]])

    M = np.zeros((_B, _PEX, _PEX), dtype=np.float64)
    for i in range(_B):
        h, w = int(xh[i]), int(xw[i])
        M[i, 0, 0] = 1.0
        M[i, 0, 577] = 1.0
        ys = np.zeros(h) if h == 1 else np.arange(h) * ((_PD - 1) / (h - 1))
        xs = np.zeros(w) if w == 1 else np.arange(w) * ((_PD - 1) / (w - 1))
        y0 = np.floor(ys).astype(np.int64)
        y1 = np.clip(y0 + 1, 0, _PD - 1)
        wy = ys - y0
        x0 = np.floor(xs).astype(np.int64)
        x1 = np.clip(x0 + 1, 0, _PD - 1)
        wx = xs - x0
        for t in range(_NP):
            s = int(sel[i, t])
            r, c = s // _PD, s % _PD
            if r < h and c < w:
                row = 1 + t
                M[i, row, 1 + y0[r] * _PD + x0[c]] += (1 - wy[r]) * (1 - wx[c])
                M[i, row, 1 + y0[r] * _PD + x1[c]] += (1 - wy[r]) * wx[c]
                M[i, row, 1 + y1[r] * _PD + x0[c]] += wy[r] * (1 - wx[c])
                M[i, row, 1 + y1[r] * _PD + x1[c]] += wy[r] * wx[c]
    M = M.astype(ml_dtypes.bfloat16)

    sel32 = sel.astype(np.int32)
    r = np.arange(_B * _PEX)
    bb, jj = r // _PEX, r % _PEX
    tok = (jj >= 1) & (jj <= _NP)
    eidx = np.where(tok, bb * _PEX + sel32[bb, np.clip(jj - 1, 0, _NP - 1)],
                    bb * _PEX + _NP).astype(np.int32)
    R = np.zeros((_PD, _H), dtype=ml_dtypes.bfloat16)
    R[np.arange(_PD), np.arange(_PD) * _P] = 1
    Cm = np.zeros((_W, _PD), dtype=ml_dtypes.bfloat16)
    Cm[np.arange(_PD) * _P, np.arange(_PD)] = 1
    GmT = np.zeros((_B, _NP, 640), dtype=ml_dtypes.bfloat16)
    for b in range(_B):
        GmT[b, sel32[b], 1 + np.arange(_NP)] = 1
    patch_index = np.stack([sel32 // _PD, sel32 % _PD], axis=-1).astype(np.int32)
    return M, eidx, R, Cm, GmT, patch_index


_M_NP, _EIDX_NP, _R_NP, _C_NP, _GMT_NP, _PATCH_INDEX_NP = _build_static()


def _emb_body(p_ref, w_ref, b_ref, emb_ref):
    pb = (
        p_ref[0]
        .astype(jnp.bfloat16)
        .reshape(_C, _PD, _P, _PD, _P)
        .transpose(1, 3, 0, 2, 4)
        .reshape(_NP, _C * _P * _P)
    )
    emb_ref[: _NP, :] = (
        jax.lax.dot_general(pb, w_ref[...], (((1,), (1,)), ((), ())),
                            preferred_element_type=jnp.float32)
        + b_ref[...]
    )
    emb_ref[_NP :, :] = jnp.zeros((_PEX - _NP, _HID), jnp.float32)


_emb_call = pl.pallas_call(
    _emb_body,
    grid=(_B,),
    in_specs=[
        pl.BlockSpec((1, _C, _H, _W), lambda b: (b, 0, 0, 0)),
        pl.BlockSpec((_HID, _HID), lambda b: (0, 0)),
        pl.BlockSpec((1, _HID), lambda b: (0, 0)),
    ],
    out_specs=pl.BlockSpec((_PEX, _HID), lambda b: (b, 0)),
    out_shape=jax.ShapeDtypeStruct((_B * _PEX, _HID), jnp.float32),
)


def _pos_body(m_ref, pe_ref, cls_ref, pm_ref, r_ref, c_ref, gmt_ref,
              pos_ref, maskp_ref):
    pex = jnp.concatenate(
        [pe_ref[...], cls_ref[...], jnp.zeros((_PEX - 578, _HID), jnp.float32)],
        axis=0,
    ).astype(jnp.bfloat16)
    pos_ref[...] = jnp.dot(m_ref[0], pex, preferred_element_type=jnp.float32)
    pmf = pm_ref[0].astype(jnp.bfloat16)
    pc = jnp.dot(pmf, c_ref[...], preferred_element_type=jnp.float32)
    m24 = jnp.dot(r_ref[...], pc.astype(jnp.bfloat16),
                  preferred_element_type=jnp.float32)
    v576 = jnp.concatenate(
        [m24[i : i + 1, :] for i in range(_PD)], axis=1
    ).astype(jnp.bfloat16)
    mrow = jnp.dot(v576, gmt_ref[0], preferred_element_type=jnp.float32)
    lanes = jax.lax.broadcasted_iota(jnp.int32, (1, 640), 1)
    maskp_ref[0] = (mrow + jnp.where(lanes == 0, 1.0, 0.0)).astype(jnp.int32)


_pos_call = pl.pallas_call(
    _pos_body,
    grid=(_B,),
    in_specs=[
        pl.BlockSpec((1, _PEX, _PEX), lambda b: (b, 0, 0)),
        pl.BlockSpec((577, _HID), lambda b: (0, 0)),
        pl.BlockSpec((1, _HID), lambda b: (0, 0)),
        pl.BlockSpec((1, _H, _W), lambda b: (b, 0, 0)),
        pl.BlockSpec((_PD, _H), lambda b: (0, 0)),
        pl.BlockSpec((_W, _PD), lambda b: (0, 0)),
        pl.BlockSpec((1, _NP, 640), lambda b: (b, 0, 0)),
    ],
    out_specs=[
        pl.BlockSpec((_PEX, _HID), lambda b: (b, 0)),
        pl.BlockSpec((1, 1, 640), lambda b: (b, 0, 0)),
    ],
    out_shape=[
        jax.ShapeDtypeStruct((_B * _PEX, _HID), jnp.float32),
        jax.ShapeDtypeStruct((_B, 1, 640), jnp.int32),
    ],
)


_RROWS = _B * _PEX
_RPW = _RROWS // _NW // 8 * 8
_NW0 = _NW - (_RROWS - _RPW * _NW) // 8


@functools.partial(
    pl.kernel,
    out_type=jax.ShapeDtypeStruct((_RROWS, _HID), jnp.float32),
    mesh=plsc.VectorSubcoreMesh(core_axis_name="c", subcore_axis_name="s"),
    scratch_types=[
        pltpu.VMEM((_RPW + 8,), jnp.int32),
        pltpu.VMEM((2, _K, _HID), jnp.float32),
        pltpu.VMEM((2, _K, _HID), jnp.float32),
        pltpu.SemaphoreType.DMA,
        pltpu.SemaphoreType.DMA,
        pltpu.SemaphoreType.DMA,
        pltpu.SemaphoreType.DMA,
        pltpu.SemaphoreType.DMA,
        pltpu.SemaphoreType.DMA,
    ],
)
def _sc_gather(emb_hbm, pos_hbm, eidx_hbm,
               x_hbm, eix, buf, bufe,
               semp0, semp1, seme0, seme1, sems0, sems1):
    wid = lax.axis_index("s") * 2 + lax.axis_index("c")
    lo = jnp.where(wid < _NW0, _RPW * wid,
                   _RPW * _NW0 + (_RPW + 8) * (wid - _NW0))
    has_tail = wid >= _NW0
    semp = (semp0, semp1)
    seme = (seme0, seme1)
    sems = (sems0, sems1)

    pltpu.sync_copy(eidx_hbm.at[pl.ds(lo, _RPW + 8)], eix)

    def _rows_add(slot, nrows):
        def body(i, carry):
            r = i // 6
            ob = (i % 6) * 128
            for u in range(8):
                o = ob + u * 16
                buf[slot, r, pl.ds(o, 16)] = (
                    buf[slot, r, pl.ds(o, 16)] + bufe[slot, r, pl.ds(o, 16)]
                )
            return carry
        lax.fori_loop(0, nrows * 6, body, None)

    def _issue(c, slot):
        cp_p = pltpu.async_copy(
            pos_hbm.at[pl.ds(lo + c * _K, _K)], buf.at[slot], semp[slot])
        cp_e = pltpu.async_copy(
            emb_hbm.at[eix.at[pl.ds(c * _K, _K)]], bufe.at[slot], seme[slot])
        return cp_p, cp_e

    pending = {0: _issue(0, 0)}
    store_pending = [None, None]
    for c in range(_NCH):
        slot = c & 1
        if c + 1 < _NCH:
            nslot = (c + 1) & 1
            if store_pending[nslot] is not None:
                store_pending[nslot].wait()
                store_pending[nslot] = None
            pending[c + 1] = _issue(c + 1, nslot)
        cp_p, cp_e = pending.pop(c)
        cp_p.wait()
        cp_e.wait()
        _rows_add(slot, _K)
        store_pending[slot] = pltpu.async_copy(
            buf.at[slot], x_hbm.at[pl.ds(lo + c * _K, _K)], sems[slot])
    for slot in (0, 1):
        if store_pending[slot] is not None:
            store_pending[slot].wait()

    @pl.when(has_tail)
    def _():
        cp_p = pltpu.async_copy(pos_hbm.at[pl.ds(lo + _RPW, 8)],
                                buf.at[0, pl.ds(0, 8)], semp0)
        cp_e = pltpu.async_copy(emb_hbm.at[eix.at[pl.ds(_RPW, 8)]],
                                bufe.at[0, pl.ds(0, 8)], seme0)
        cp_p.wait()
        cp_e.wait()
        _rows_add(0, 8)
        pltpu.sync_copy(buf.at[0, pl.ds(0, 8)], x_hbm.at[pl.ds(lo + _RPW, 8)])


def kernel(pixel_values, pixel_mask, proj_w, proj_b, cls_token, position_embeddings):
    w2 = proj_w.reshape(_HID, _C * _P * _P).astype(jnp.bfloat16)
    posf, maskp3 = _pos_call(jnp.asarray(_M_NP),
                             position_embeddings[0], cls_token[0],
                             pixel_mask,
                             jnp.asarray(_R_NP), jnp.asarray(_C_NP),
                             jnp.asarray(_GMT_NP))
    emb = _emb_call(pixel_values, w2, proj_b.reshape(1, _HID))
    x_pad = _sc_gather(
        emb,
        posf,
        jnp.asarray(_EIDX_NP),
    )
    x = x_pad.reshape(_B, _PEX, _HID)[:, :577, :]
    x_mask = maskp3.reshape(_B, 640)[:, :577]
    return (x, x_mask, jnp.asarray(_PATCH_INDEX_NP))

# --- scband reference (transcript-rebuilt; emitter-appended) ---
"""Pipeline reference for scband-beit-embeddings-75677323755711 (READ-ONLY COPY).

The authoritative reference and input builder live on the scoring server;
editing this copy changes nothing except your own understanding.
"""

import jax, jax.numpy as jnp
import numpy as np

B, C, H, W = 8, 3, 384, 384
P = 16
PD = H // P  # 24 patches per side
HID = 768
NP_ = PD * PD  # 576


def _make_mask():
    # ragged valid regions (ViLT-style): per-sample (h,w) in patch units * P pixels
    hs = [24, 20, 16, 24, 12, 18, 24, 22]
    ws = [24, 24, 20, 16, 24, 18, 22, 24]
    m = np.zeros((B, H, W), dtype=np.int32)
    for i, (h, w) in enumerate(zip(hs, ws)):
        m[i, : h * P, : w * P] = 1
    return m


def setup_inputs(seed: int = 0):
    key = jax.random.key(seed)
    k1, k2, k3, k4, k5 = jax.random.split(key, 5)
    pixel_values = jax.random.normal(k1, (B, C, H, W), dtype=jnp.float32)
    pixel_mask = jnp.asarray(_make_mask())
    proj_w = jax.random.normal(k2, (HID, C, P, P), dtype=jnp.float32) * 0.02
    proj_b = jax.random.normal(k3, (HID,), dtype=jnp.float32) * 0.02
    cls_token = jax.random.normal(k4, (1, 1, HID), dtype=jnp.float32) * 0.02
    position_embeddings = jax.random.normal(k5, (1, NP_ + 1, HID), dtype=jnp.float32) * 0.02
    return {"pixel_values": pixel_values, "pixel_mask": pixel_mask,
            "proj_w": proj_w, "proj_b": proj_b,
            "cls_token": cls_token, "position_embeddings": position_embeddings}


def _bilinear_ac(img, oh, ow):
    # bilinear resize with align_corners=True; img: [1, C, h, w]
    _, c, h, w = img.shape
    ys = jnp.zeros((oh,)) if oh == 1 else jnp.arange(oh) * ((h - 1) / (oh - 1))
    xs = jnp.zeros((ow,)) if ow == 1 else jnp.arange(ow) * ((w - 1) / (ow - 1))
    y0 = jnp.floor(ys).astype(jnp.int32)
    y1 = jnp.clip(y0 + 1, 0, h - 1)
    x0 = jnp.floor(xs).astype(jnp.int32)
    x1 = jnp.clip(x0 + 1, 0, w - 1)
    wy = (ys - y0)[None, None, :, None]
    wx = (xs - x0)[None, None, None, :]
    r0 = img[:, :, y0, :]
    r1 = img[:, :, y1, :]
    v00 = r0[:, :, :, x0]
    v01 = r0[:, :, :, x1]
    v10 = r1[:, :, :, x0]
    v11 = r1[:, :, :, x1]
    top = v00 * (1 - wx) + v01 * wx
    bot = v10 * (1 - wx) + v11 * wx
    return top * (1 - wy) + bot * wy


def _select_indices(mask_patch):
    # mask_patch: np.int array [B, PD, PD]; mirrors torch nonzero/multinomial selection
    xh = mask_patch.sum(axis=1)[:, 0]
    xw = mask_patch.sum(axis=2)[:, 0]
    max_len = int((xh.astype(np.int64) * xw.astype(np.int64)).max())
    rng = np.random.RandomState(0)
    sel = np.zeros((B, max_len), dtype=np.int64)
    for i in range(B):
        flat = mask_patch[i].reshape(-1)
        valid = np.nonzero(flat)[0]
        nonvalid = np.nonzero(1 - flat)[0]
        v = valid.shape[0]
        p = max_len - v
        if p <= 0:
            choice = rng.permutation(v)[:max_len]
            sel[i] = valid[choice]
        else:
            pad = rng.randint(0, nonvalid.shape[0], size=p)
            sel[i] = np.concatenate([valid, nonvalid[pad]])
    return sel, xh.astype(np.int64), xw.astype(np.int64), max_len


def reference(pixel_values, pixel_mask, proj_w, proj_b, cls_token, position_embeddings):
    # patch embedding (conv stride=patch)
    x = jax.lax.conv_general_dilated(pixel_values, proj_w, (P, P), 'VALID',
                                     dimension_numbers=('NCHW', 'OIHW', 'NCHW'))
    x = x + proj_b[None, :, None, None]  # [B, HID, PD, PD]
    height = width = PD
    # nearest interpolation of pixel mask to patch grid (torch F.interpolate nearest)
    idx_h = (np.arange(PD) * H) // PD
    idx_w = (np.arange(PD) * W) // PD
    mask_patch_static = _make_mask()[:, idx_h][:, :, idx_w]
    mask_patch = pixel_mask[:, idx_h][:, :, idx_w]
    sel, xh, xw, max_len = _select_indices(mask_patch_static)
    # per-sample bilinear (align_corners) resize of spatial position embeddings + pad
    spatial_pos = jnp.transpose(position_embeddings[:, 1:, :], (0, 2, 1)).reshape(1, HID, PD, PD)
    pos_list = []
    for i in range(B):
        h, w = int(xh[i]), int(xw[i])
        pe = _bilinear_ac(spatial_pos, h, w)
        pe = jnp.pad(pe, ((0, 0), (0, 0), (0, height - h), (0, width - w)))
        pos_list.append(pe)
    pos_embed = jnp.concatenate(pos_list, axis=0)  # [B, HID, PD, PD]
    pos_embed = jnp.transpose(pos_embed.reshape(B, HID, -1), (0, 2, 1))  # [B, NP, HID]
    x = jnp.transpose(x.reshape(B, HID, -1), (0, 2, 1))  # [B, NP, HID]
    gy, gx = jnp.meshgrid(jnp.arange(PD), jnp.arange(PD), indexing='ij')
    patch_index = jnp.stack([gy, gx], axis=-1).reshape(-1, 2)
    patch_index = jnp.broadcast_to(patch_index[None], (B, NP_, 2))
    x_mask_flat = mask_patch.reshape(B, -1)
    sel_j = jnp.asarray(sel)
    x = jnp.take_along_axis(x, sel_j[:, :, None], axis=1)
    x_mask_sel = jnp.take_along_axis(x_mask_flat, sel_j, axis=1)
    patch_index = jnp.take_along_axis(patch_index, sel_j[:, :, None], axis=1)
    pos_embed = jnp.take_along_axis(pos_embed, sel_j[:, :, None], axis=1)
    cls = jnp.broadcast_to(cls_token, (B, 1, HID))
    x = jnp.concatenate([cls, x], axis=1)
    cls_pos = jnp.broadcast_to(position_embeddings[:, 0:1, :], (B, 1, HID))
    pos_embed = jnp.concatenate([cls_pos, pos_embed], axis=1)
    x = x + pos_embed  # dropout p=0.0 -> identity
    x_mask_out = jnp.concatenate([jnp.ones((B, 1), dtype=x_mask_sel.dtype), x_mask_sel], axis=1)
    return (x, x_mask_out, patch_index)

if __name__ == "__main__":
    import jax
    _d = setup_inputs()
    print(jax.jit(kernel)(*tuple(_d.values())))

</pallas_src>

<mosaic_0001>
#map = affine_map<(d0, d1) -> (0, 0)>
#map1 = affine_map<(d0, d1) -> (0)>
module attributes {stable_mosaic.version = 14 : i64} {
  func.func @_sc_gather(%arg0: i32, %arg1: i32, %arg2: memref<4672x768xf32, #tpu.memory_space<hbm>>, %arg3: memref<4672x768xf32, #tpu.memory_space<hbm>>, %arg4: memref<4672xi32, #tpu.memory_space<hbm>>, %arg5: memref<4672x768xf32, #tpu.memory_space<hbm>>, %arg6: memref<152xi32, #tpu.memory_space<vmem>>, %arg7: memref<2x24x768xf32, #tpu.memory_space<vmem>>, %arg8: memref<2x24x768xf32, #tpu.memory_space<vmem>>, %arg9: memref<!tpu.dma_semaphore, #tpu.memory_space<semaphore_mem>>, %arg10: memref<!tpu.dma_semaphore, #tpu.memory_space<semaphore_mem>>, %arg11: memref<!tpu.dma_semaphore, #tpu.memory_space<semaphore_mem>>, %arg12: memref<!tpu.dma_semaphore, #tpu.memory_space<semaphore_mem>>, %arg13: memref<!tpu.dma_semaphore, #tpu.memory_space<semaphore_mem>>, %arg14: memref<!tpu.dma_semaphore, #tpu.memory_space<semaphore_mem>>) attributes {dimension_semantics = [#tpu.dimension_semantics<core_parallel>, #tpu.dimension_semantics<subcore_parallel>], iteration_bounds = array<i64: 2, 16>, scalar_prefetch = 0 : i64, scratch_operands = 9 : i64, tpu.core_type = #tpu.core_type<sc_vector_subcore>, window_params = [{transform_indices = #map}, {transform_indices = #map}, {transform_indices = #map1}, {transform_indices = #map}]} {
    %mul3A = arith.constant 2 : i32
    %mul3A_0 = arith.muli %arg1, %mul3A : i32
    %add3A = arith.addi %mul3A_0, %arg0 : i32
    %lt3A = arith.constant 24 : i32
    %lt3A_1 = arith.cmpi slt, %add3A, %lt3A : i32
    %mul3A_2 = arith.constant 144 : i32
    %mul3A_3 = arith.muli %mul3A_2, %add3A : i32
    %sub3A = arith.constant 24 : i32
    %sub3A_4 = arith.subi %add3A, %sub3A : i32
    %mul3A_5 = arith.constant 152 : i32
    %mul3A_6 = arith.muli %mul3A_5, %sub3A_4 : i32
    %add3A_7 = arith.constant 3456 : i32
    %add3A_8 = arith.addi %add3A_7, %mul3A_6 : i32
    %select_n3A = arith.select %lt3A_1, %mul3A_3, %add3A_8 : i32
    %ge3A = arith.constant 24 : i32
    %ge3A_9 = arith.cmpi sge, %add3A, %ge3A : i32
    "tpu.region"() ({
      %run_scoped3A = tpu.sem_alloc : memref<!tpu.dma_semaphore, #tpu.memory_space<semaphore_mem>>
      %dma_start3A_494 = tpu.memref_slice %arg4[%select_n3A] : memref<4672xi32, #tpu.memory_space<hbm>> -> memref<152xi32, #tpu.memory_space<hbm>>
      %dma_start3A_495 = tpu.memref_slice %arg4[%select_n3A] : memref<4672xi32, #tpu.memory_space<hbm>> -> memref<152xi32, #tpu.memory_space<hbm>>
      tpu.enqueue_dma source(%dma_start3A_495 : memref<152xi32, #tpu.memory_space<hbm>>) target(%arg6 : memref<152xi32, #tpu.memory_space<vmem>>) target_semaphore(%run_scoped3A : memref<!tpu.dma_semaphore, #tpu.memory_space<semaphore_mem>>)
      %dma_wait3A_496 = tpu.memref_slice %arg4[%select_n3A] : memref<4672xi32, #tpu.memory_space<hbm>> -> memref<152xi32, #tpu.memory_space<hbm>>
      %dma_wait3A_497 = tpu.memref_slice %arg4[%select_n3A] : memref<4672xi32, #tpu.memory_space<hbm>> -> memref<152xi32, #tpu.memory_space<hbm>>
      tpu.wait_dma2 semaphore(%run_scoped3A : memref<!tpu.dma_semaphore, #tpu.memory_space<semaphore_mem>>) src(%dma_wait3A_497 : memref<152xi32, #tpu.memory_space<hbm>>) dst(%arg6 : memref<152xi32, #tpu.memory_space<vmem>>)
      tpu.yield
    }) : () -> ()
    %add3A_10 = arith.constant 0 : i32
    %add3A_11 = arith.addi %select_n3A, %add3A_10 : i32
    %dma_start3A = arith.constant 0 : i32
    %dma_start3A_12 = arith.constant 0 : i32
    %dma_start3A_13 = arith.constant 0 : i32
    %dma_start3A_14 = tpu.memref_slice %arg7[%dma_start3A, %dma_start3A_12, %dma_start3A_13] : memref<2x24x768xf32, #tpu.memory_space<vmem>> -> memref<1x24x768xf32, #tpu.memory_space<vmem>>
    %dma_start3A_15 = tpu.memref_squeeze %dma_start3A_14 : memref<1x24x768xf32, #tpu.memory_space<vmem>> -> memref<24x768xf32, #tpu.memory_space<vmem>>
    %dma_start3A_16 = arith.constant 0 : i32
    %dma_start3A_17 = tpu.memref_slice %arg3[%add3A_11, %dma_start3A_16] : memref<4672x768xf32, #tpu.memory_space<hbm>> -> memref<24x768xf32, #tpu.memory_space<hbm>>
    %dma_start3A_18 = arith.constant 0 : i32
    %dma_start3A_19 = arith.constant 0 : i32
    %dma_start3A_20 = tpu.memref_slice %arg7[%dma_start3A, %dma_start3A_18, %dma_start3A_19] : memref<2x24x768xf32, #tpu.memory_space<vmem>> -> memref<1x24x768xf32, #tpu.memory_space<vmem>>
    %dma_start3A_21 = tpu.memref_squeeze %dma_start3A_20 : memref<1x24x768xf32, #tpu.memory_space<vmem>> -> memref<24x768xf32, #tpu.memory_space<vmem>>
    %dma_start3A_22 = arith.constant 0 : i32
    %dma_start3A_23 = tpu.memref_slice %arg3[%add3A_11, %dma_start3A_22] : memref<4672x768xf32, #tpu.memory_space<hbm>> -> memref<24x768xf32, #tpu.memory_space<hbm>>
    tpu.enqueue_dma source(%dma_start3A_23 : memref<24x768xf32, #tpu.memory_space<hbm>>) target(%dma_start3A_21 : memref<24x768xf32, #tpu.memory_space<vmem>>) target_semaphore(%arg9 : memref<!tpu.dma_semaphore, #tpu.memory_space<semaphore_mem>>)
    %dma_start3A_24 = arith.constant 0 : i32
    %dma_start3A_25 = arith.constant 0 : i32
    %dma_start3A_26 = arith.constant 0 : i32
    %dma_start3A_27 = tpu.memref_slice %arg8[%dma_start3A_24, %dma_start3A_25, %dma_start3A_26] : memref<2x24x768xf32, #tpu.memory_space<vmem>> -> memref<1x24x768xf32, #tpu.memory_space<vmem>>
    %dma_start3A_28 = tpu.memref_squeeze %dma_start3A_27 : memref<1x24x768xf32, #tpu.memory_space<vmem>> -> memref<24x768xf32, #tpu.memory_space<vmem>>
    %dma_start3A_29 = arith.constant 0 : i32
    %dma_start3A_30 = tpu.memref_slice %arg6[%dma_start3A_29] : memref<152xi32, #tpu.memory_space<vmem>> -> memref<24xi32, #tpu.memory_space<vmem>>
    %dma_start3A_31 = arith.constant 0 : i32
    %dma_start3A_32 = arith.constant 0 : i32
    %dma_start3A_33 = tpu.memref_slice %arg2[%dma_start3A_31, %dma_start3A_32] : memref<4672x768xf32, #tpu.memory_space<hbm>> -> memref<4672x768xf32, #tpu.memory_space<hbm>>
    tpu.enqueue_indirect_dma source(%dma_start3A_33 : memref<4672x768xf32, #tpu.memory_space<hbm>>) target(%dma_start3A_28 : memref<24x768xf32, #tpu.memory_space<vmem>>) offsets(%dma_start3A_30 : memref<24xi32, #tpu.memory_space<vmem>>) semaphore(%arg11 : memref<!tpu.dma_semaphore, #tpu.memory_space<semaphore_mem>>)
    %add3A_34 = arith.constant 24 : i32
    %add3A_35 = arith.addi %select_n3A, %add3A_34 : i32
    %dma_start3A_36 = arith.constant 1 : i32
    %dma_start3A_37 = arith.constant 0 : i32
    %dma_start3A_38 = arith.constant 0 : i32
    %dma_start3A_39 = tpu.memref_slice %arg7[%dma_start3A_36, %dma_start3A_37, %dma_start3A_38] : memref<2x24x768xf32, #tpu.memory_space<vmem>> -> memref<1x24x768xf32, #tpu.memory_space<vmem>>
    %dma_start3A_40 = tpu.memref_squeeze %dma_start3A_39 : memref<1x24x768xf32, #tpu.memory_space<vmem>> -> memref<24x768xf32, #tpu.memory_space<vmem>>
    %dma_start3A_41 = arith.constant 0 : i32
    %dma_start3A_42 = tpu.memref_slice %arg3[%add3A_35, %dma_start3A_41] : memref<4672x768xf32, #tpu.memory_space<hbm>> -> memref<24x768xf32, #tpu.memory_space<hbm>>
    %dma_start3A_43 = arith.constant 0 : i32
    %dma_start3A_44 = arith.constant 0 : i32
    %dma_start3A_45 = tpu.memref_slice %arg7[%dma_start3A_36, %dma_start3A_43, %dma_start3A_44] : memref<2x24x768xf32, #tpu.memory_space<vmem>> -> memref<1x24x768xf32, #tpu.memory_space<vmem>>
    %dma_start3A_46 = tpu.memref_squeeze %dma_start3A_45 : memref<1x24x768xf32, #tpu.memory_space<vmem>> -> memref<24x768xf32, #tpu.memory_space<vmem>>
    %dma_start3A_47 = arith.constant 0 : i32
    %dma_start3A_48 = tpu.memref_slice %arg3[%add3A_35, %dma_start3A_47] : memref<4672x768xf32, #tpu.memory_space<hbm>> -> memref<24x768xf32, #tpu.memory_space<hbm>>
    tpu.enqueue_dma source(%dma_start3A_48 : memref<24x768xf32, #tpu.memory_space<hbm>>) target(%dma_start3A_46 : memref<24x768xf32, #tpu.memory_space<vmem>>) target_semaphore(%arg10 : memref<!tpu.dma_semaphore, #tpu.memory_space<semaphore_mem>>)
    %dma_start3A_49 = arith.constant 1 : i32
    %dma_start3A_50 = arith.constant 0 : i32
    %dma_start3A_51 = arith.constant 0 : i32
    %dma_start3A_52 = tpu.memref_slice %arg8[%dma_start3A_49, %dma_start3A_50, %dma_start3A_51] : memref<2x24x768xf32, #tpu.memory_space<vmem>> -> memref<1x24x768xf32, #tpu.memory_space<vmem>>
    %dma_start3A_53 = tpu.memref_squeeze %dma_start3A_52 : memref<1x24x768xf32, #tpu.memory_space<vmem>> -> memref<24x768xf32, #tpu.memory_space<vmem>>
    %dma_start3A_54 = arith.constant 24 : i32
    %dma_start3A_55 = tpu.memref_slice %arg6[%dma_start3A_54] : memref<152xi32, #tpu.memory_space<vmem>> -> memref<24xi32, #tpu.memory_space<vmem>>
    %dma_start3A_56 = arith.constant 0 : i32
    %dma_start3A_57 = arith.constant 0 : i32
    %dma_start3A_58 = tpu.memref_slice %arg2[%dma_start3A_56, %dma_start3A_57] : memref<4672x768xf32, #tpu.memory_space<hbm>> -> memref<4672x768xf32, #tpu.memory_space<hbm>>
    tpu.enqueue_indirect_dma source(%dma_start3A_58 : memref<4672x768xf32, #tpu.memory_space<hbm>>) target(%dma_start3A_53 : memref<24x768xf32, #tpu.memory_space<vmem>>) offsets(%dma_start3A_55 : memref<24xi32, #tpu.memory_space<vmem>>) semaphore(%arg12 : memref<!tpu.dma_semaphore, #tpu.memory_space<semaphore_mem>>)
    %dma_wait3A = arith.constant 0 : i32
    %dma_wait3A_59 = arith.constant 0 : i32
    %dma_wait3A_60 = arith.constant 0 : i32
    %dma_wait3A_61 = tpu.memref_slice %arg7[%dma_wait3A, %dma_wait3A_59, %dma_wait3A_60] : memref<2x24x768xf32, #tpu.memory_space<vmem>> -> memref<1x24x768xf32, #tpu.memory_space<vmem>>
    %dma_wait3A_62 = tpu.memref_squeeze %dma_wait3A_61 : memref<1x24x768xf32, #tpu.memory_space<vmem>> -> memref<24x768xf32, #tpu.memory_space<vmem>>
    %dma_wait3A_63 = arith.constant 0 : i32
    %dma_wait3A_64 = tpu.memref_slice %arg3[%add3A_11, %dma_wait3A_63] : memref<4672x768xf32, #tpu.memory_space<hbm>> -> memref<24x768xf32, #tpu.memory_space<hbm>>
    %dma_wait3A_65 = arith.constant 0 : i32
    %dma_wait3A_66 = arith.constant 0 : i32
    %dma_wait3A_67 = tpu.memref_slice %arg7[%dma_wait3A, %dma_wait3A_65, %dma_wait3A_66] : memref<2x24x768xf32, #tpu.memory_space<vmem>> -> memref<1x24x768xf32, #tpu.memory_space<vmem>>
    %dma_wait3A_68 = tpu.memref_squeeze %dma_wait3A_67 : memref<1x24x768xf32, #tpu.memory_space<vmem>> -> memref<24x768xf32, #tpu.memory_space<vmem>>
    %dma_wait3A_69 = arith.constant 0 : i32
    %dma_wait3A_70 = tpu.memref_slice %arg3[%add3A_11, %dma_wait3A_69] : memref<4672x768xf32, #tpu.memory_space<hbm>> -> memref<24x768xf32, #tpu.memory_space<hbm>>
    tpu.wait_dma2 semaphore(%arg9 : memref<!tpu.dma_semaphore, #tpu.memory_space<semaphore_mem>>) src(%dma_wait3A_70 : memref<24x768xf32, #tpu.memory_space<hbm>>) dst(%dma_wait3A_68 : memref<24x768xf32, #tpu.memory_space<vmem>>)
    %dma_wait3A_71 = arith.constant 0 : i32
    %dma_wait3A_72 = arith.constant 0 : i32
    %dma_wait3A_73 = arith.constant 0 : i32
    %dma_wait3A_74 = tpu.memref_slice %arg8[%dma_wait3A_71, %dma_wait3A_72, %dma_wait3A_73] : memref<2x24x768xf32, #tpu.memory_space<vmem>> -> memref<1x24x768xf32, #tpu.memory_space<vmem>>
    %dma_wait3A_75 = tpu.memref_squeeze %dma_wait3A_74 : memref<1x24x768xf32, #tpu.memory_space<vmem>> -> memref<24x768xf32, #tpu.memory_space<vmem>>
    %dma_wait3A_76 = arith.constant 0 : i32
    %dma_wait3A_77 = tpu.memref_slice %arg6[%dma_wait3A_76] : memref<152xi32, #tpu.memory_space<vmem>> -> memref<24xi32, #tpu.memory_space<vmem>>
    %dma_wait3A_78 = arith.constant 0 : i32
    %dma_wait3A_79 = arith.constant 0 : i32
    %dma_wait3A_80 = tpu.memref_slice %arg2[%dma_wait3A_78, %dma_wait3A_79] : memref<4672x768xf32, #tpu.memory_space<hbm>> -> memref<4672x768xf32, #tpu.memory_space<hbm>>
    tpu.wait_indirect_dma semaphore(%arg11 : memref<!tpu.dma_semaphore, #tpu.memory_space<semaphore_mem>>) src(%dma_wait3A_80 : memref<4672x768xf32, #tpu.memory_space<hbm>>) dst(%dma_wait3A_75 : memref<24x768xf32, #tpu.memory_space<vmem>>)
    %scan3A = arith.constant 0 : i32
    %scan3A_81 = arith.constant 144 : i32
    %scan3A_82 = arith.addi %scan3A, %scan3A_81 : i32
    %scan3A_83 = arith.constant 1 : i32
    scf.for %scan3A_494 = %scan3A to %scan3A_82 step %scan3A_83  : i32 {
      %jit3A = arith.constant 6 : i32
      %div3A = arith.divsi %scan3A_494, %jit3A : i32
      %sign3A = arith.constant 0 : i32
      %sign3A_495 = arith.cmpi sgt, %scan3A_494, %sign3A : i32
      %sign3A_496 = arith.extui %sign3A_495 : i1 to i32
      %sign3A_497 = arith.constant 0 : i32
      %sign3A_498 = arith.cmpi slt, %scan3A_494, %sign3A_497 : i32
      %sign3A_499 = arith.extui %sign3A_498 : i1 to i32
      %sign3A_500 = arith.subi %sign3A_496, %sign3A_499 : i32
      %sign3A_501 = arith.constant 0 : i32
      %sign3A_502 = arith.cmpi sgt, %jit3A, %sign3A_501 : i32
      %sign3A_503 = arith.extui %sign3A_502 : i1 to i32
      %sign3A_504 = arith.constant 0 : i32
      %sign3A_505 = arith.cmpi slt, %jit3A, %sign3A_504 : i32
      %sign3A_506 = arith.extui %sign3A_505 : i1 to i32
      %sign3A_507 = arith.subi %sign3A_503, %sign3A_506 : i32
      %ne3A = arith.cmpi ne, %sign3A_500, %sign3A_507 : i32
      %rem3A = arith.remsi %scan3A_494, %jit3A : i32
      %ne3A_508 = arith.constant 0 : i32
      %ne3A_509 = arith.cmpi ne, %rem3A, %ne3A_508 : i32
      %and3A = arith.andi %ne3A, %ne3A_509 : i1
      %sub3A_510 = arith.constant 1 : i32
      %sub3A_511 = arith.subi %div3A, %sub3A_510 : i32
      %select_n3A_512 = arith.select %and3A, %sub3A_511, %div3A : i32
      %jit3A_513 = arith.constant 6 : i32
      %eq3A = arith.constant 0 : i32
      %eq3A_514 = arith.cmpi eq, %jit3A_513, %eq3A : i32
      %jit3A_515 = arith.constant 1 : i32
      %select_n3A_516 = arith.select %eq3A_514, %jit3A_515, %jit3A_513 : i32
      %rem3A_517 = arith.remsi %scan3A_494, %select_n3A_516 : i32
      %ne3A_518 = arith.constant 0 : i32
      %ne3A_519 = arith.cmpi ne, %rem3A_517, %ne3A_518 : i32
      %lt3A_520 = arith.constant 0 : i32
      %lt3A_521 = arith.cmpi slt, %rem3A_517, %lt3A_520 : i32
      %lt3A_522 = arith.constant 0 : i32
      %lt3A_523 = arith.cmpi slt, %select_n3A_516, %lt3A_522 : i32
      %ne3A_524 = arith.xori %lt3A_521, %lt3A_523 : i1
      %and3A_525 = arith.andi %ne3A_524, %ne3A_519 : i1
      %add3A_526 = arith.addi %rem3A_517, %select_n3A_516 : i32
      %select_n3A_527 = arith.select %and3A_525, %add3A_526, %rem3A_517 : i32
      %mul3A_528 = arith.constant 128 : i32
      %mul3A_529 = arith.muli %select_n3A_527, %mul3A_528 : i32
      %add3A_530 = arith.constant 0 : i32
      %add3A_531 = arith.addi %mul3A_529, %add3A_530 : i32
      %get3A = arith.constant 0 : i32
      %get3A_532 = arith.index_cast %get3A : i32 to index
      %get3A_533 = arith.index_cast %select_n3A_512 : i32 to index
      %get3A_534 = arith.index_cast %add3A_531 : i32 to index
      %get3A_535 = tpu.vector_load %arg7[%get3A_532, %get3A_533, %get3A_534] {strides = array<i32>} : memref<2x24x768xf32, #tpu.memory_space<vmem>>, vector<1x1x16xf32>,
      %get3A_536 = vector.shape_cast %get3A_535 : vector<1x1x16xf32> to vector<16xf32>
      %get3A_537 = arith.constant 0 : i32
      %get3A_538 = arith.index_cast %get3A_537 : i32 to index
      %get3A_539 = arith.index_cast %select_n3A_512 : i32 to index
      %get3A_540 = arith.index_cast %add3A_531 : i32 to index
      %get3A_541 = tpu.vector_load %arg8[%get3A_538, %get3A_539, %get3A_540] {strides = array<i32>} : memref<2x24x768xf32, #tpu.memory_space<vmem>>, vector<1x1x16xf32>,
      %get3A_542 = vector.shape_cast %get3A_541 : vector<1x1x16xf32> to vector<16xf32>
      %add3A_543 = arith.addf %get3A_536, %get3A_542 : vector<16xf32>
      %swap3A = arith.constant 0 : i32
      %swap3A_544 = arith.index_cast %swap3A : i32 to index
      %swap3A_545 = arith.index_cast %select_n3A_512 : i32 to index
      %swap3A_546 = arith.index_cast %add3A_531 : i32 to index
      %swap3A_547 = tpu.vector_load %arg7[%swap3A_544, %swap3A_545, %swap3A_546] {strides = array<i32>} : memref<2x24x768xf32, #tpu.memory_space<vmem>>, vector<1x1x16xf32>,
      %swap3A_548 = vector.shape_cast %swap3A_547 : vector<1x1x16xf32> to vector<16xf32>
      %swap3A_549 = vector.shape_cast %add3A_543 : vector<16xf32> to vector<1x1x16xf32>
      tpu.vector_store %arg7[%swap3A_544, %swap3A_545, %swap3A_546], %swap3A_549 {strides = array<i32>} : memref<2x24x768xf32, #tpu.memory_space<vmem>>, vector<1x1x16xf32>,
      %add3A_550 = arith.constant 16 : i32
      %add3A_551 = arith.addi %mul3A_529, %add3A_550 : i32
      %get3A_552 = arith.constant 0 : i32
      %get3A_553 = arith.index_cast %get3A_552 : i32 to index
      %get3A_554 = arith.index_cast %select_n3A_512 : i32 to index
      %get3A_555 = arith.index_cast %add3A_551 : i32 to index
      %get3A_556 = tpu.vector_load %arg7[%get3A_553, %get3A_554, %get3A_555] {strides = array<i32>} : memref<2x24x768xf32, #tpu.memory_space<vmem>>, vector<1x1x16xf32>,
      %get3A_557 = vector.shape_cast %get3A_556 : vector<1x1x16xf32> to vector<16xf32>
      %get3A_558 = arith.constant 0 : i32
      %get3A_559 = arith.index_cast %get3A_558 : i32 to index
      %get3A_560 = arith.index_cast %select_n3A_512 : i32 to index
      %get3A_561 = arith.index_cast %add3A_551 : i32 to index
      %get3A_562 = tpu.vector_load %arg8[%get3A_559, %get3A_560, %get3A_561] {strides = array<i32>} : memref<2x24x768xf32, #tpu.memory_space<vmem>>, vector<1x1x16xf32>,
      %get3A_563 = vector.shape_cast %get3A_562 : vector<1x1x16xf32> to vector<16xf32>
      %add3A_564 = arith.addf %get3A_557, %get3A_563 : vector<16xf32>
      %swap3A_565 = arith.constant 0 : i32
      %swap3A_566 = arith.index_cast %swap3A_565 : i32 to index
      %swap3A_567 = arith.index_cast %select_n3A_512 : i32 to index
      %swap3A_568 = arith.index_cast %add3A_551 : i32 to index
      %swap3A_569 = tpu.vector_load %arg7[%swap3A_566, %swap3A_567, %swap3A_568] {strides = array<i32>} : memref<2x24x768xf32, #tpu.memory_space<vmem>>, vector<1x1x16xf32>,
      %swap3A_570 = vector.shape_cast %swap3A_569 : vector<1x1x16xf32> to vector<16xf32>
      %swap3A_571 = vector.shape_cast %add3A_564 : vector<16xf32> to vector<1x1x16xf32>
      tpu.vector_store %arg7[%swap3A_566, %swap3A_567, %swap3A_568], %swap3A_571 {strides = array<i32>} : memref<2x24x768xf32, #tpu.memory_space<vmem>>, vector<1x1x16xf32>,
      %add3A_572 = arith.constant 32 : i32
      %add3A_573 = arith.addi %mul3A_529, %add3A_572 : i32
      %get3A_574 = arith.constant 0 : i32
      %get3A_575 = arith.index_cast %get3A_574 : i32 to index
      %get3A_576 = arith.index_cast %select_n3A_512 : i32 to index
      %get3A_577 = arith.index_cast %add3A_573 : i32 to index
      %get3A_578 = tpu.vector_load %arg7[%get3A_575, %get3A_576, %get3A_577] {strides = array<i32>} : memref<2x24x768xf32, #tpu.memory_space<vmem>>, vector<1x1x16xf32>,
      %get3A_579 = vector.shape_cast %get3A_578 : vector<1x1x16xf32> to vector<16xf32>
      %get3A_580 = arith.constant 0 : i32
      %get3A_581 = arith.index_cast %get3A_580 : i32 to index
      %get3A_582 = arith.index_cast %select_n3A_512 : i32 to index
      %get3A_583 = arith.index_cast %add3A_573 : i32 to index
      %get3A_584 = tpu.vector_load %arg8[%get3A_581, %get3A_582, %get3A_583] {strides = array<i32>} : memref<2x24x768xf32, #tpu.memory_space<vmem>>, vector<1x1x16xf32>,
      %get3A_585 = vector.shape_cast %get3A_584 : vector<1x1x16xf32> to vector<16xf32>
      %add3A_586 = arith.addf %get3A_579, %get3A_585 : vector<16xf32>
      %swap3A_587 = arith.constant 0 : i32
      %swap3A_588 = arith.index_cast %swap3A_587 : i32 to index
      %swap3A_589 = arith.index_cast %select_n3A_512 : i32 to index
      %swap3A_590 = arith.index_cast %add3A_573 : i32 to index
      %swap3A_591 = tpu.vector_load %arg7[%swap3A_588, %swap3A_589, %swap3A_590] {strides = array<i32>} : memref<2x24x768xf32, #tpu.memory_space<vmem>>, vector<1x1x16xf32>,
      %swap3A_592 = vector.shape_cast %swap3A_591 : vector<1x1x16xf32> to vector<16xf32>
      %swap3A_593 = vector.shape_cast %add3A_586 : vector<16xf32> to vector<1x1x16xf32>
      tpu.vector_store %arg7[%swap3A_588, %swap3A_589, %swap3A_590], %swap3A_593 {strides = array<i32>} : memref<2x24x768xf32, #tpu.memory_space<vmem>>, vector<1x1x16xf32>,
      %add3A_594 = arith.constant 48 : i32
      %add3A_595 = arith.addi %mul3A_529, %add3A_594 : i32
      %get3A_596 = arith.constant 0 : i32
      %get3A_597 = arith.index_cast %get3A_596 : i32 to index
      %get3A_598 = arith.index_cast %select_n3A_512 : i32 to index
      %get3A_599 = arith.index_cast %add3A_595 : i32 to index
      %get3A_600 = tpu.vector_load %arg7[%get3A_597, %get3A_598, %get3A_599] {strides = array<i32>} : memref<2x24x768xf32, #tpu.memory_space<vmem>>, vector<1x1x16xf32>,
      %get3A_601 = vector.shape_cast %get3A_600 : vector<1x1x16xf32> to vector<16xf32>
      %get3A_602 = arith.constant 0 : i32
      %get3A_603 = arith.index_cast %get3A_602 : i32 to index
      %get3A_604 = arith.index_cast %select_n3A_512 : i32 to index
      %get3A_605 = arith.index_cast %add3A_595 : i32 to index
      %get3A_606 = tpu.vector_load %arg8[%get3A_603, %get3A_604, %get3A_605] {strides = array<i32>} : memref<2x24x768xf32, #tpu.memory_space<vmem>>, vector<1x1x16xf32>,
      %get3A_607 = vector.shape_cast %get3A_606 : vector<1x1x16xf32> to vector<16xf32>
      %add3A_608 = arith.addf %get3A_601, %get3A_607 : vector<16xf32>
      %swap3A_609 = arith.constant 0 : i32
      %swap3A_610 = arith.index_cast %swap3A_609 : i32 to index
      %swap3A_611 = arith.index_cast %select_n3A_512 : i32 to index
      %swap3A_612 = arith.index_cast %add3A_595 : i32 to index
      %swap3A_613 = tpu.vector_load %arg7[%swap3A_610, %swap3A_611, %swap3A_612] {strides = array<i32>} : memref<2x24x768xf32, #tpu.memory_space<vmem>>, vector<1x1x16xf32>,
      %swap3A_614 = vector.shape_cast %swap3A_613 : vector<1x1x16xf32> to vector<16xf32>
      %swap3A_615 = vector.shape_cast %add3A_608 : vector<16xf32> to vector<1x1x16xf32>
      tpu.vector_store %arg7[%swap3A_610, %swap3A_611, %swap3A_612], %swap3A_615 {strides = array<i32>} : memref<2x24x768xf32, #tpu.memory_space<vmem>>, vector<1x1x16xf32>,
      %add3A_616 = arith.constant 64 : i32
      %add3A_617 = arith.addi %mul3A_529, %add3A_616 : i32
      %get3A_618 = arith.constant 0 : i32
      %get3A_619 = arith.index_cast %get3A_618 : i32 to index
      %get3A_620 = arith.index_cast %select_n3A_512 : i32 to index
      %get3A_621 = arith.index_cast %add3A_617 : i32 to index
      %get3A_622 = tpu.vector_load %arg7[%get3A_619, %get3A_620, %get3A_621] {strides = array<i32>} : memref<2x24x768xf32, #tpu.memory_space<vmem>>, vector<1x1x16xf32>,
      %get3A_623 = vector.shape_cast %get3A_622 : vector<1x1x16xf32> to vector<16xf32>
      %get3A_624 = arith.constant 0 : i32
      %get3A_625 = arith.index_cast %get3A_624 : i32 to index
      %get3A_626 = arith.index_cast %select_n3A_512 : i32 to index
      %get3A_627 = arith.index_cast %add3A_617 : i32 to index
      %get3A_628 = tpu.vector_load %arg8[%get3A_625, %get3A_626, %get3A_627] {strides = array<i32>} : memref<2x24x768xf32, #tpu.memory_space<vmem>>, vector<1x1x16xf32>,
      %get3A_629 = vector.shape_cast %get3A_628 : vector<1x1x16xf32> to vector<16xf32>
      %add3A_630 = arith.addf %get3A_623, %get3A_629 : vector<16xf32>
      %swap3A_631 = arith.constant 0 : i32
      %swap3A_632 = arith.index_cast %swap3A_631 : i32 to index
      %swap3A_633 = arith.index_cast %select_n3A_512 : i32 to index
      %swap3A_634 = arith.index_cast %add3A_617 : i32 to index
      %swap3A_635 = tpu.vector_load %arg7[%swap3A_632, %swap3A_633, %swap3A_634] {strides = array<i32>} : memref<2x24x768xf32, #tpu.memory_space<vmem>>, vector<1x1x16xf32>,
      %swap3A_636 = vector.shape_cast %swap3A_635 : vector<1x1x16xf32> to vector<16xf32>
      %swap3A_637 = vector.shape_cast %add3A_630 : vector<16xf32> to vector<1x1x16xf32>
      tpu.vector_store %arg7[%swap3A_632, %swap3A_633, %swap3A_634], %swap3A_637 {strides = array<i32>} : memref<2x24x768xf32, #tpu.memory_space<vmem>>, vector<1x1x16xf32>,
      %add3A_638 = arith.constant 80 : i32
      %add3A_639 = arith.addi %mul3A_529, %add3A_638 : i32
      %get3A_640 = arith.constant 0 : i32
      %get3A_641 = arith.index_cast %get3A_640 : i32 to index
      %get3A_642 = arith.index_cast %select_n3A_512 : i32 to index
      %get3A_643 = arith.index_cast %add3A_639 : i32 to index
      %get3A_644 = tpu.vector_load %arg7[%get3A_641, %get3A_642, %get3A_643] {strides = array<i32>} : memref<2x24x768xf32, #tpu.memory_space<vmem>>, vector<1x1x16xf32>,
      %get3A_645 = vector.shape_cast %get3A_644 : vector<1x1x16xf32> to vector<16xf32>
      %get3A_646 = arith.constant 0 : i32
      %get3A_647 = arith.index_cast %get3A_646 : i32 to index
      %get3A_648 = arith.index_cast %select_n3A_512 : i32 to index
      %get3A_649 = arith.index_cast %add3A_639 : i32 to index
      %get3A_650 = tpu.vector_load %arg8[%get3A_647, %get3A_648, %get3A_649] {strides = array<i32>} : memref<2x24x768xf32, #tpu.memory_space<vmem>>, vector<1x1x16xf32>,
      %get3A_651 = vector.shape_cast %get3A_650 : vector<1x1x16xf32> to vector<16xf32>
      %add3A_652 = arith.addf %get3A_645, %get3A_651 : vector<16xf32>
      %swap3A_653 = arith.constant 0 : i32
      %swap3A_654 = arith.index_cast %swap3A_653 : i32 to index
      %swap3A_655 = arith.index_cast %select_n3A_512 : i32 to index
      %swap3A_656 = arith.index_cast %add3A_639 : i32 to index
      %swap3A_657 = tpu.vector_load %arg7[%swap3A_654, %swap3A_655, %swap3A_656] {strides = array<i32>} : memref<2x24x768xf32, #tpu.memory_space<vmem>>, vector<1x1x16xf32>,
      %swap3A_658 = vector.shape_cast %swap3A_657 : vector<1x1x16xf32> to vector<16xf32>
      %swap3A_659 = vector.shape_cast %add3A_652 : vector<16xf32> to vector<1x1x16xf32>
      tpu.vector_store %arg7[%swap3A_654, %swap3A_655, %swap3A_656], %swap3A_659 {strides = array<i32>} : memref<2x24x768xf32, #tpu.memory_space<vmem>>, vector<1x1x16xf32>,
      %add3A_660 = arith.constant 96 : i32
      %add3A_661 = arith.addi %mul3A_529, %add3A_660 : i32
      %get3A_662 = arith.constant 0 : i32
      %get3A_663 = arith.index_cast %get3A_662 : i32 to index
      %get3A_664 = arith.index_cast %select_n3A_512 : i32 to index
      %get3A_665 = arith.index_cast %add3A_661 : i32 to index
      %get3A_666 = tpu.vector_load %arg7[%get3A_663, %get3A_664, %get3A_665] {strides = array<i32>} : memref<2x24x768xf32, #tpu.memory_space<vmem>>, vector<1x1x16xf32>,
      %get3A_667 = vector.shape_cast %get3A_666 : vector<1x1x16xf32> to vector<16xf32>
      %get3A_668 = arith.constant 0 : i32
      %get3A_669 = arith.index_cast %get3A_668 : i32 to index
      %get3A_670 = arith.index_cast %select_n3A_512 : i32 to index
      %get3A_671 = arith.index_cast %add3A_661 : i32 to index
      %get3A_672 = tpu.vector_load %arg8[%get3A_669, %get3A_670, %get3A_671] {strides = array<i32>} : memref<2x24x768xf32, #tpu.memory_space<vmem>>, vector<1x1x16xf32>,
      %get3A_673 = vector.shape_cast %get3A_672 : vector<1x1x16xf32> to vector<16xf32>
      %add3A_674 = arith.addf %get3A_667, %get3A_673 : vector<16xf32>
      %swap3A_675 = arith.constant 0 : i32
      %swap3A_676 = arith.index_cast %swap3A_675 : i32 to index
      %swap3A_677 = arith.index_cast %select_n3A_512 : i32 to index
      %swap3A_678 = arith.index_cast %add3A_661 : i32 to index
      %swap3A_679 = tpu.vector_load %arg7[%swap3A_676, %swap3A_677, %swap3A_678] {strides = array<i32>} : memref<2x24x768xf32, #tpu.memory_space<vmem>>, vector<1x1x16xf32>,
      %swap3A_680 = vector.shape_cast %swap3A_679 : vector<1x1x16xf32> to vector<16xf32>
      %swap3A_681 = vector.shape_cast %add3A_674 : vector<16xf32> to vector<1x1x16xf32>
      tpu.vector_store %arg7[%swap3A_676, %swap3A_677, %swap3A_678], %swap3A_681 {strides = array<i32>} : memref<2x24x768xf32, #tpu.memory_space<vmem>>, vector<1x1x16xf32>,
      %add3A_682 = arith.constant 112 : i32
      %add3A_683 = arith.addi %mul3A_529, %add3A_682 : i32
      %get3A_684 = arith.constant 0 : i32
      %get3A_685 = arith.index_cast %get3A_684 : i32 to index
      %get3A_686 = arith.index_cast %select_n3A_512 : i32 to index
      %get3A_687 = arith.index_cast %add3A_683 : i32 to index
      %get3A_688 = tpu.vector_load %arg7[%get3A_685, %get3A_686, %get3A_687] {strides = array<i32>} : memref<2x24x768xf32, #tpu.memory_space<vmem>>, vector<1x1x16xf32>,
      %get3A_689 = vector.shape_cast %get3A_688 : vector<1x1x16xf32> to vector<16xf32>
      %get3A_690 = arith.constant 0 : i32
      %get3A_691 = arith.index_cast %get3A_690 : i32 to index
      %get3A_692 = arith.index_cast %select_n3A_512 : i32 to index
      %get3A_693 = arith.index_cast %add3A_683 : i32 to index
      %get3A_694 = tpu.vector_load %arg8[%get3A_691, %get3A_692, %get3A_693] {strides = array<i32>} : memref<2x24x768xf32, #tpu.memory_space<vmem>>, vector<1x1x16xf32>,
      %get3A_695 = vector.shape_cast %get3A_694 : vector<1x1x16xf32> to vector<16xf32>
      %add3A_696 = arith.addf %get3A_689, %get3A_695 : vector<16xf32>
      %swap3A_697 = arith.constant 0 : i32
      %swap3A_698 = arith.index_cast %swap3A_697 : i32 to index
      %swap3A_699 = arith.index_cast %select_n3A_512 : i32 to index
      %swap3A_700 = arith.index_cast %add3A_683 : i32 to index
      %swap3A_701 = tpu.vector_load %arg7[%swap3A_698, %swap3A_699, %swap3A_700] {strides = array<i32>} : memref<2x24x768xf32, #tpu.memory_space<vmem>>, vector<1x1x16xf32>,
      %swap3A_702 = vector.shape_cast %swap3A_701 : vector<1x1x16xf32> to vector<16xf32>
      %swap3A_703 = vector.shape_cast %add3A_696 : vector<16xf32> to vector<1x1x16xf32>
      tpu.vector_store %arg7[%swap3A_698, %swap3A_699, %swap3A_700], %swap3A_703 {strides = array<i32>} : memref<2x24x768xf32, #tpu.memory_space<vmem>>, vector<1x1x16xf32>,
    }
    %scan3A_84 = arith.constant 144 : i32
    %add3A_85 = arith.constant 0 : i32
    %add3A_86 = arith.addi %select_n3A, %add3A_85 : i32
    %dma_start3A_87 = arith.constant 0 : i32
    %dma_start3A_88 = arith.constant 0 : i32
    %dma_start3A_89 = arith.constant 0 : i32
    %dma_start3A_90 = tpu.memref_slice %arg7[%dma_start3A_87, %dma_start3A_88, %dma_start3A_89] : memref<2x24x768xf32, #tpu.memory_space<vmem>> -> memref<1x24x768xf32, #tpu.memory_space<vmem>>
    %dma_start3A_91 = tpu.memref_squeeze %dma_start3A_90 : memref<1x24x768xf32, #tpu.memory_space<vmem>> -> memref<24x768xf32, #tpu.memory_space<vmem>>
    %dma_start3A_92 = arith.constant 0 : i32
    %dma_start3A_93 = tpu.memref_slice %arg5[%add3A_86, %dma_start3A_92] : memref<4672x768xf32, #tpu.memory_space<hbm>> -> memref<24x768xf32, #tpu.memory_space<hbm>>
    %dma_start3A_94 = arith.constant 0 : i32
    %dma_start3A_95 = tpu.memref_slice %arg5[%add3A_86, %dma_start3A_94] : memref<4672x768xf32, #tpu.memory_space<hbm>> -> memref<24x768xf32, #tpu.memory_space<hbm>>
    %dma_start3A_96 = arith.constant 0 : i32
    %dma_start3A_97 = arith.constant 0 : i32
    %dma_start3A_98 = tpu.memref_slice %arg7[%dma_start3A_87, %dma_start3A_96, %dma_start3A_97] : memref<2x24x768xf32, #tpu.memory_space<vmem>> -> memref<1x24x768xf32, #tpu.memory_space<vmem>>
    %dma_start3A_99 = tpu.memref_squeeze %dma_start3A_98 : memref<1x24x768xf32, #tpu.memory_space<vmem>> -> memref<24x768xf32, #tpu.memory_space<vmem>>
    tpu.enqueue_dma source(%dma_start3A_99 : memref<24x768xf32, #tpu.memory_space<vmem>>) target(%dma_start3A_95 : memref<24x768xf32, #tpu.memory_space<hbm>>) target_semaphore(%arg13 : memref<!tpu.dma_semaphore, #tpu.memory_space<semaphore_mem>>)
    %dma_wait3A_100 = arith.constant 0 : i32
    %dma_wait3A_101 = arith.constant 0 : i32
    %dma_wait3A_102 = arith.constant 0 : i32
    %dma_wait3A_103 = tpu.memref_slice %arg7[%dma_wait3A_100, %dma_wait3A_101, %dma_wait3A_102] : memref<2x24x768xf32, #tpu.memory_space<vmem>> -> memref<1x24x768xf32, #tpu.memory_space<vmem>>
    %dma_wait3A_104 = tpu.memref_squeeze %dma_wait3A_103 : memref<1x24x768xf32, #tpu.memory_space<vmem>> -> memref<24x768xf32, #tpu.memory_space<vmem>>
    %dma_wait3A_105 = arith.constant 0 : i32
    %dma_wait3A_106 = tpu.memref_slice %arg5[%add3A_86, %dma_wait3A_105] : memref<4672x768xf32, #tpu.memory_space<hbm>> -> memref<24x768xf32, #tpu.memory_space<hbm>>
    %dma_wait3A_107 = arith.constant 0 : i32
    %dma_wait3A_108 = tpu.memref_slice %arg5[%add3A_86, %dma_wait3A_107] : memref<4672x768xf32, #tpu.memory_space<hbm>> -> memref<24x768xf32, #tpu.memory_space<hbm>>
    %dma_wait3A_109 = arith.constant 0 : i32
    %dma_wait3A_110 = arith.constant 0 : i32
    %dma_wait3A_111 = tpu.memref_slice %arg7[%dma_wait3A_100, %dma_wait3A_109, %dma_wait3A_110] : memref<2x24x768xf32, #tpu.memory_space<vmem>> -> memref<1x24x768xf32, #tpu.memory_space<vmem>>
    %dma_wait3A_112 = tpu.memref_squeeze %dma_wait3A_111 : memref<1x24x768xf32, #tpu.memory_space<vmem>> -> memref<24x768xf32, #tpu.memory_space<vmem>>
    tpu.wait_dma2 semaphore(%arg13 : memref<!tpu.dma_semaphore, #tpu.memory_space<semaphore_mem>>) src(%dma_wait3A_112 : memref<24x768xf32, #tpu.memory_space<vmem>>) dst(%dma_wait3A_108 : memref<24x768xf32, #tpu.memory_space<hbm>>)
    %add3A_113 = arith.constant 48 : i32
    %add3A_114 = arith.addi %select_n3A, %add3A_113 : i32
    %dma_start3A_115 = arith.constant 0 : i32
    %dma_start3A_116 = arith.constant 0 : i32
    %dma_start3A_117 = arith.constant 0 : i32
    %dma_start3A_118 = tpu.memref_slice %arg7[%dma_start3A_115, %dma_start3A_116, %dma_start3A_117] : memref<2x24x768xf32, #tpu.memory_space<vmem>> -> memref<1x24x768xf32, #tpu.memory_space<vmem>>
    %dma_start3A_119 = tpu.memref_squeeze %dma_start3A_118 : memref<1x24x768xf32, #tpu.memory_space<vmem>> -> memref<24x768xf32, #tpu.memory_space<vmem>>
    %dma_start3A_120 = arith.constant 0 : i32
    %dma_start3A_121 = tpu.memref_slice %arg3[%add3A_114, %dma_start3A_120] : memref<4672x768xf32, #tpu.memory_space<hbm>> -> memref<24x768xf32, #tpu.memory_space<hbm>>
    %dma_start3A_122 = arith.constant 0 : i32
    %dma_start3A_123 = arith.constant 0 : i32
    %dma_start3A_124 = tpu.memref_slice %arg7[%dma_start3A_115, %dma_start3A_122, %dma_start3A_123] : memref<2x24x768xf32, #tpu.memory_space<vmem>> -> memref<1x24x768xf32, #tpu.memory_space<vmem>>
    %dma_start3A_125 = tpu.memref_squeeze %dma_start3A_124 : memref<1x24x768xf32, #tpu.memory_space<vmem>> -> memref<24x768xf32, #tpu.memory_space<vmem>>
    %dma_start3A_126 = arith.constant 0 : i32
    %dma_start3A_127 = tpu.memref_slice %arg3[%add3A_114, %dma_start3A_126] : memref<4672x768xf32, #tpu.memory_space<hbm>> -> memref<24x768xf32, #tpu.memory_space<hbm>>
    tpu.enqueue_dma source(%dma_start3A_127 : memref<24x768xf32, #tpu.memory_space<hbm>>) target(%dma_start3A_125 : memref<24x768xf32, #tpu.memory_space<vmem>>) target_semaphore(%arg9 : memref<!tpu.dma_semaphore, #tpu.memory_space<semaphore_mem>>)
    %dma_start3A_128 = arith.constant 0 : i32
    %dma_start3A_129 = arith.constant 0 : i32
    %dma_start3A_130 = arith.constant 0 : i32
    %dma_start3A_131 = tpu.memref_slice %arg8[%dma_start3A_128, %dma_start3A_129, %dma_start3A_130] : memref<2x24x768xf32, #tpu.memory_space<vmem>> -> memref<1x24x768xf32, #tpu.memory_space<vmem>>
    %dma_start3A_132 = tpu.memref_squeeze %dma_start3A_131 : memref<1x24x768xf32, #tpu.memory_space<vmem>> -> memref<24x768xf32, #tpu.memory_space<vmem>>
    %dma_start3A_133 = arith.constant 48 : i32
    %dma_start3A_134 = tpu.memref_slice %arg6[%dma_start3A_133] : memref<152xi32, #tpu.memory_space<vmem>> -> memref<24xi32, #tpu.memory_space<vmem>>
    %dma_start3A_135 = arith.constant 0 : i32
    %dma_start3A_136 = arith.constant 0 : i32
    %dma_start3A_137 = tpu.memref_slice %arg2[%dma_start3A_135, %dma_start3A_136] : memref<4672x768xf32, #tpu.memory_space<hbm>> -> memref<4672x768xf32, #tpu.memory_space<hbm>>
    tpu.enqueue_indirect_dma source(%dma_start3A_137 : memref<4672x768xf32, #tpu.memory_space<hbm>>) target(%dma_start3A_132 : memref<24x768xf32, #tpu.memory_space<vmem>>) offsets(%dma_start3A_134 : memref<24xi32, #tpu.memory_space<vmem>>) semaphore(%arg11 : memref<!tpu.dma_semaphore, #tpu.memory_space<semaphore_mem>>)
    %dma_wait3A_138 = arith.constant 1 : i32
    %dma_wait3A_139 = arith.constant 0 : i32
    %dma_wait3A_140 = arith.constant 0 : i32
    %dma_wait3A_141 = tpu.memref_slice %arg7[%dma_wait3A_138, %dma_wait3A_139, %dma_wait3A_140] : memref<2x24x768xf32, #tpu.memory_space<vmem>> -> memref<1x24x768xf32, #tpu.memory_space<vmem>>
    %dma_wait3A_142 = tpu.memref_squeeze %dma_wait3A_141 : memref<1x24x768xf32, #tpu.memory_space<vmem>> -> memref<24x768xf32, #tpu.memory_space<vmem>>
    %dma_wait3A_143 = arith.constant 0 : i32
    %dma_wait3A_144 = tpu.memref_slice %arg3[%add3A_35, %dma_wait3A_143] : memref<4672x768xf32, #tpu.memory_space<hbm>> -> memref<24x768xf32, #tpu.memory_space<hbm>>
    %dma_wait3A_145 = arith.constant 0 : i32
    %dma_wait3A_146 = arith.constant 0 : i32
    %dma_wait3A_147 = tpu.memref_slice %arg7[%dma_wait3A_138, %dma_wait3A_145, %dma_wait3A_146] : memref<2x24x768xf32, #tpu.memory_space<vmem>> -> memref<1x24x768xf32, #tpu.memory_space<vmem>>
    %dma_wait3A_148 = tpu.memref_squeeze %dma_wait3A_147 : memref<1x24x768xf32, #tpu.memory_space<vmem>> -> memref<24x768xf32, #tpu.memory_space<vmem>>
    %dma_wait3A_149 = arith.constant 0 : i32
    %dma_wait3A_150 = tpu.memref_slice %arg3[%add3A_35, %dma_wait3A_149] : memref<4672x768xf32, #tpu.memory_space<hbm>> -> memref<24x768xf32, #tpu.memory_space<hbm>>
    tpu.wait_dma2 semaphore(%arg10 : memref<!tpu.dma_semaphore, #tpu.memory_space<semaphore_mem>>) src(%dma_wait3A_150 : memref<24x768xf32, #tpu.memory_space<hbm>>) dst(%dma_wait3A_148 : memref<24x768xf32, #tpu.memory_space<vmem>>)
    %dma_wait3A_151 = arith.constant 1 : i32
    %dma_wait3A_152 = arith.constant 0 : i32
    %dma_wait3A_153 = arith.constant 0 : i32
    %dma_wait3A_154 = tpu.memref_slice %arg8[%dma_wait3A_151, %dma_wait3A_152, %dma_wait3A_153] : memref<2x24x768xf32, #tpu.memory_space<vmem>> -> memref<1x24x768xf32, #tpu.memory_space<vmem>>
    %dma_wait3A_155 = tpu.memref_squeeze %dma_wait3A_154 : memref<1x24x768xf32, #tpu.memory_space<vmem>> -> memref<24x768xf32, #tpu.memory_space<vmem>>
    %dma_wait3A_156 = arith.constant 24 : i32
    %dma_wait3A_157 = tpu.memref_slice %arg6[%dma_wait3A_156] : memref<152xi32, #tpu.memory_space<vmem>> -> memref<24xi32, #tpu.memory_space<vmem>>
    %dma_wait3A_158 = arith.constant 0 : i32
    %dma_wait3A_159 = arith.constant 0 : i32
    %dma_wait3A_160 = tpu.memref_slice %arg2[%dma_wait3A_158, %dma_wait3A_159] : memref<4672x768xf32, #tpu.memory_space<hbm>> -> memref<4672x768xf32, #tpu.memory_space<hbm>>
    tpu.wait_indirect_dma semaphore(%arg12 : memref<!tpu.dma_semaphore, #tpu.memory_space<semaphore_mem>>) src(%dma_wait3A_160 : memref<4672x768xf32, #tpu.memory_space<hbm>>) dst(%dma_wait3A_155 : memref<24x768xf32, #tpu.memory_space<vmem>>)
    %scan3A_161 = arith.constant 0 : i32
    %scan3A_162 = arith.constant 144 : i32
    %scan3A_163 = arith.addi %scan3A_161, %scan3A_162 : i32
    %scan3A_164 = arith.constant 1 : i32
    scf.for %scan3A_494 = %scan3A_161 to %scan3A_163 step %scan3A_164  : i32 {
      %jit3A = arith.constant 6 : i32
      %div3A = arith.divsi %scan3A_494, %jit3A : i32
      %sign3A = arith.constant 0 : i32
      %sign3A_495 = arith.cmpi sgt, %scan3A_494, %sign3A : i32
      %sign3A_496 = arith.extui %sign3A_495 : i1 to i32
      %sign3A_497 = arith.constant 0 : i32
      %sign3A_498 = arith.cmpi slt, %scan3A_494, %sign3A_497 : i32
      %sign3A_499 = arith.extui %sign3A_498 : i1 to i32
      %sign3A_500 = arith.subi %sign3A_496, %sign3A_499 : i32
      %sign3A_501 = arith.constant 0 : i32
      %sign3A_502 = arith.cmpi sgt, %jit3A, %sign3A_501 : i32
      %sign3A_503 = arith.extui %sign3A_502 : i1 to i32
      %sign3A_504 = arith.constant 0 : i32
      %sign3A_505 = arith.cmpi slt, %jit3A, %sign3A_504 : i32
      %sign3A_506 = arith.extui %sign3A_505 : i1 to i32
      %sign3A_507 = arith.subi %sign3A_503, %sign3A_506 : i32
      %ne3A = arith.cmpi ne, %sign3A_500, %sign3A_507 : i32
      %rem3A = arith.remsi %scan3A_494, %jit3A : i32
      %ne3A_508 = arith.constant 0 : i32
      %ne3A_509 = arith.cmpi ne, %rem3A, %ne3A_508 : i32
      %and3A = arith.andi %ne3A, %ne3A_509 : i1
      %sub3A_510 = arith.constant 1 : i32
      %sub3A_511 = arith.subi %div3A, %sub3A_510 : i32
      %select_n3A_512 = arith.select %and3A, %sub3A_511, %div3A : i32
      %jit3A_513 = arith.constant 6 : i32
      %eq3A = arith.constant 0 : i32
      %eq3A_514 = arith.cmpi eq, %jit3A_513, %eq3A : i32
      %jit3A_515 = arith.constant 1 : i32
      %select_n3A_516 = arith.select %eq3A_514, %jit3A_515, %jit3A_513 : i32
      %rem3A_517 = arith.remsi %scan3A_494, %select_n3A_516 : i32
      %ne3A_518 = arith.constant 0 : i32
      %ne3A_519 = arith.cmpi ne, %rem3A_517, %ne3A_518 : i32
      %lt3A_520 = arith.constant 0 : i32
      %lt3A_521 = arith.cmpi slt, %rem3A_517, %lt3A_520 : i32
      %lt3A_522 = arith.constant 0 : i32
      %lt3A_523 = arith.cmpi slt, %select_n3A_516, %lt3A_522 : i32
      %ne3A_524 = arith.xori %lt3A_521, %lt3A_523 : i1
      %and3A_525 = arith.andi %ne3A_524, %ne3A_519 : i1
      %add3A_526 = arith.addi %rem3A_517, %select_n3A_516 : i32
      %select_n3A_527 = arith.select %and3A_525, %add3A_526, %rem3A_517 : i32
      %mul3A_528 = arith.constant 128 : i32
      %mul3A_529 = arith.muli %select_n3A_527, %mul3A_528 : i32
      %add3A_530 = arith.constant 0 : i32
      %add3A_531 = arith.addi %mul3A_529, %add3A_530 : i32
      %get3A = arith.constant 1 : i32
      %get3A_532 = arith.index_cast %get3A : i32 to index
      %get3A_533 = arith.index_cast %select_n3A_512 : i32 to index
      %get3A_534 = arith.index_cast %add3A_531 : i32 to index
      %get3A_535 = tpu.vector_load %arg7[%get3A_532, %get3A_533, %get3A_534] {strides = array<i32>} : memref<2x24x768xf32, #tpu.memory_space<vmem>>, vector<1x1x16xf32>,
      %get3A_536 = vector.shape_cast %get3A_535 : vector<1x1x16xf32> to vector<16xf32>
      %get3A_537 = arith.constant 1 : i32
      %get3A_538 = arith.index_cast %get3A_537 : i32 to index
      %get3A_539 = arith.index_cast %select_n3A_512 : i32 to index
      %get3A_540 = arith.index_cast %add3A_531 : i32 to index
      %get3A_541 = tpu.vector_load %arg8[%get3A_538, %get3A_539, %get3A_540] {strides = array<i32>} : memref<2x24x768xf32, #tpu.memory_space<vmem>>, vector<1x1x16xf32>,
      %get3A_542 = vector.shape_cast %get3A_541 : vector<1x1x16xf32> to vector<16xf32>
      %add3A_543 = arith.addf %get3A_536, %get3A_542 : vector<16xf32>
      %swap3A = arith.constant 1 : i32
      %swap3A_544 = arith.index_cast %swap3A : i32 to index
      %swap3A_545 = arith.index_cast %select_n3A_512 : i32 to index
      %swap3A_546 = arith.index_cast %add3A_531 : i32 to index
      %swap3A_547 = tpu.vector_load %arg7[%swap3A_544, %swap3A_545, %swap3A_546] {strides = array<i32>} : memref<2x24x768xf32, #tpu.memory_space<vmem>>, vector<1x1x16xf32>,
      %swap3A_548 = vector.shape_cast %swap3A_547 : vector<1x1x16xf32> to vector<16xf32>
      %swap3A_549 = vector.shape_cast %add3A_543 : vector<16xf32> to vector<1x1x16xf32>
      tpu.vector_store %arg7[%swap3A_544, %swap3A_545, %swap3A_546], %swap3A_549 {strides = array<i32>} : memref<2x24x768xf32, #tpu.memory_space<vmem>>, vector<1x1x16xf32>,
      %add3A_550 = arith.constant 16 : i32
      %add3A_551 = arith.addi %mul3A_529, %add3A_550 : i32
      %get3A_552 = arith.constant 1 : i32
      %get3A_553 = arith.index_cast %get3A_552 : i32 to index
      %get3A_554 = arith.index_cast %select_n3A_512 : i32 to index
      %get3A_555 = arith.index_cast %add3A_551 : i32 to index
      %get3A_556 = tpu.vector_load %arg7[%get3A_553, %get3A_554, %get3A_555] {strides = array<i32>} : memref<2x24x768xf32, #tpu.memory_space<vmem>>, vector<1x1x16xf32>,
      %get3A_557 = vector.shape_cast %get3A_556 : vector<1x1x16xf32> to vector<16xf32>
      %get3A_558 = arith.constant 1 : i32
      %get3A_559 = arith.index_cast %get3A_558 : i32 to index
      %get3A_560 = arith.index_cast %select_n3A_512 : i32 to index
      %get3A_561 = arith.index_cast %add3A_551 : i32 to index
      %get3A_562 = tpu.vector_load %arg8[%get3A_559, %get3A_560, %get3A_561] {strides = array<i32>} : memref<2x24x768xf32, #tpu.memory_space<vmem>>, vector<1x1x16xf32>,
      %get3A_563 = vector.shape_cast %get3A_562 : vector<1x1x16xf32> to vector<16xf32>
      %add3A_564 = arith.addf %get3A_557, %get3A_563 : vector<16xf32>
      %swap3A_565 = arith.constant 1 : i32
      %swap3A_566 = arith.index_cast %swap3A_565 : i32 to index
      %swap3A_567 = arith.index_cast %select_n3A_512 : i32 to index
      %swap3A_568 = arith.index_cast %add3A_551 : i32 to index
      %swap3A_569 = tpu.vector_load %arg7[%swap3A_566, %swap3A_567, %swap3A_568] {strides = array<i32>} : memref<2x24x768xf32, #tpu.memory_space<vmem>>, vector<1x1x16xf32>,
      %swap3A_570 = vector.shape_cast %swap3A_569 : vector<1x1x16xf32> to vector<16xf32>
      %swap3A_571 = vector.shape_cast %add3A_564 : vector<16xf32> to vector<1x1x16xf32>
      tpu.vector_store %arg7[%swap3A_566, %swap3A_567, %swap3A_568], %swap3A_571 {strides = array<i32>} : memref<2x24x768xf32, #tpu.memory_space<vmem>>, vector<1x1x16xf32>,
      %add3A_572 = arith.constant 32 : i32
      %add3A_573 = arith.addi %mul3A_529, %add3A_572 : i32
      %get3A_574 = arith.constant 1 : i32
      %get3A_575 = arith.index_cast %get3A_574 : i32 to index
      %get3A_576 = arith.index_cast %select_n3A_512 : i32 to index
      %get3A_577 = arith.index_cast %add3A_573 : i32 to index
      %get3A_578 = tpu.vector_load %arg7[%get3A_575, %get3A_576, %get3A_577] {strides = array<i32>} : memref<2x24x768xf32, #tpu.memory_space<vmem>>, vector<1x1x16xf32>,
      %get3A_579 = vector.shape_cast %get3A_578 : vector<1x1x16xf32> to vector<16xf32>
      %get3A_580 = arith.constant 1 : i32
      %get3A_581 = arith.index_cast %get3A_580 : i32 to index
      %get3A_582 = arith.index_cast %select_n3A_512 : i32 to index
      %get3A_583 = arith.index_cast %add3A_573 : i32 to index
      %get3A_584 = tpu.vector_load %arg8[%get3A_581, %get3A_582, %get3A_583] {strides = array<i32>} : memref<2x24x768xf32, #tpu.memory_space<vmem>>, vector<1x1x16xf32>,
      %get3A_585 = vector.shape_cast %get3A_584 : vector<1x1x16xf32> to vector<16xf32>
      %add3A_586 = arith.addf %get3A_579, %get3A_585 : vector<16xf32>
      %swap3A_587 = arith.constant 1 : i32
      %swap3A_588 = arith.index_cast %swap3A_587 : i32 to index
      %swap3A_589 = arith.index_cast %select_n3A_512 : i32 to index
      %swap3A_590 = arith.index_cast %add3A_573 : i32 to index
      %swap3A_591 = tpu.vector_load %arg7[%swap3A_588, %swap3A_589, %swap3A_590] {strides = array<i32>} : memref<2x24x768xf32, #tpu.memory_space<vmem>>, vector<1x1x16xf32>,
      %swap3A_592 = vector.shape_cast %swap3A_591 : vector<1x1x16xf32> to vector<16xf32>
      %swap3A_593 = vector.shape_cast %add3A_586 : vector<16xf32> to vector<1x1x16xf32>
      tpu.vector_store %arg7[%swap3A_588, %swap3A_589, %swap3A_590], %swap3A_593 {strides = array<i32>} : memref<2x24x768xf32, #tpu.memory_space<vmem>>, vector<1x1x16xf32>,
      %add3A_594 = arith.constant 48 : i32
      %add3A_595 = arith.addi %mul3A_529, %add3A_594 : i32
      %get3A_596 = arith.constant 1 : i32
      %get3A_597 = arith.index_cast %get3A_596 : i32 to index
      %get3A_598 = arith.index_cast %select_n3A_512 : i32 to index
      %get3A_599 = arith.index_cast %add3A_595 : i32 to index
      %get3A_600 = tpu.vector_load %arg7[%get3A_597, %get3A_598, %get3A_599] {strides = array<i32>} : memref<2x24x768xf32, #tpu.memory_space<vmem>>, vector<1x1x16xf32>,
      %get3A_601 = vector.shape_cast %get3A_600 : vector<1x1x16xf32> to vector<16xf32>
      %get3A_602 = arith.constant 1 : i32
      %get3A_603 = arith.index_cast %get3A_602 : i32 to index
      %get3A_604 = arith.index_cast %select_n3A_512 : i32 to index
      %get3A_605 = arith.index_cast %add3A_595 : i32 to index
      %get3A_606 = tpu.vector_load %arg8[%get3A_603, %get3A_604, %get3A_605] {strides = array<i32>} : memref<2x24x768xf32, #tpu.memory_space<vmem>>, vector<1x1x16xf32>,
      %get3A_607 = vector.shape_cast %get3A_606 : vector<1x1x16xf32> to vector<16xf32>
      %add3A_608 = arith.addf %get3A_601, %get3A_607 : vector<16xf32>
      %swap3A_609 = arith.constant 1 : i32
      %swap3A_610 = arith.index_cast %swap3A_609 : i32 to index
      %swap3A_611 = arith.index_cast %select_n3A_512 : i32 to index
      %swap3A_612 = arith.index_cast %add3A_595 : i32 to index
      %swap3A_613 = tpu.vector_load %arg7[%swap3A_610, %swap3A_611, %swap3A_612] {strides = array<i32>} : memref<2x24x768xf32, #tpu.memory_space<vmem>>, vector<1x1x16xf32>,
      %swap3A_614 = vector.shape_cast %swap3A_613 : vector<1x1x16xf32> to vector<16xf32>
      %swap3A_615 = vector.shape_cast %add3A_608 : vector<16xf32> to vector<1x1x16xf32>
      tpu.vector_store %arg7[%swap3A_610, %swap3A_611, %swap3A_612], %swap3A_615 {strides = array<i32>} : memref<2x24x768xf32, #tpu.memory_space<vmem>>, vector<1x1x16xf32>,
      %add3A_616 = arith.constant 64 : i32
      %add3A_617 = arith.addi %mul3A_529, %add3A_616 : i32
      %get3A_618 = arith.constant 1 : i32
      %get3A_619 = arith.index_cast %get3A_618 : i32 to index
      %get3A_620 = arith.index_cast %select_n3A_512 : i32 to index
      %get3A_621 = arith.index_cast %add3A_617 : i32 to index
      %get3A_622 = tpu.vector_load %arg7[%get3A_619, %get3A_620, %get3A_621] {strides = array<i32>} : memref<2x24x768xf32, #tpu.memory_space<vmem>>, vector<1x1x16xf32>,
      %get3A_623 = vector.shape_cast %get3A_622 : vector<1x1x16xf32> to vector<16xf32>
      %get3A_624 = arith.constant 1 : i32
      %get3A_625 = arith.index_cast %get3A_624 : i32 to index
      %get3A_626 = arith.index_cast %select_n3A_512 : i32 to index
      %get3A_627 = arith.index_cast %add3A_617 : i32 to index
      %get3A_628 = tpu.vector_load %arg8[%get3A_625, %get3A_626, %get3A_627] {strides = array<i32>} : memref<2x24x768xf32, #tpu.memory_space<vmem>>, vector<1x1x16xf32>,
      %get3A_629 = vector.shape_cast %get3A_628 : vector<1x1x16xf32> to vector<16xf32>
      %add3A_630 = arith.addf %get3A_623, %get3A_629 : vector<16xf32>
      %swap3A_631 = arith.constant 1 : i32
      %swap3A_632 = arith.index_cast %swap3A_631 : i32 to index
      %swap3A_633 = arith.index_cast %select_n3A_512 : i32 to index
      %swap3A_634 = arith.index_cast %add3A_617 : i32 to index
      %swap3A_635 = tpu.vector_load %arg7[%swap3A_632, %swap3A_633, %swap3A_634] {strides = array<i32>} : memref<2x24x768xf32, #tpu.memory_space<vmem>>, vector<1x1x16xf32>,
      %swap3A_636 = vector.shape_cast %swap3A_635 : vector<1x1x16xf32> to vector<16xf32>
      %swap3A_637 = vector.shape_cast %add3A_630 : vector<16xf32> to vector<1x1x16xf32>
      tpu.vector_store %arg7[%swap3A_632, %swap3A_633, %swap3A_634], %swap3A_637 {strides = array<i32>} : memref<2x24x768xf32, #tpu.memory_space<vmem>>, vector<1x1x16xf32>,
      %add3A_638 = arith.constant 80 : i32
      %add3A_639 = arith.addi %mul3A_529, %add3A_638 : i32
      %get3A_640 = arith.constant 1 : i32
      %get3A_641 = arith.index_cast %get3A_640 : i32 to index
      %get3A_642 = arith.index_cast %select_n3A_512 : i32 to index
      %get3A_643 = arith.index_cast %add3A_639 : i32 to index
      %get3A_644 = tpu.vector_load %arg7[%get3A_641, %get3A_642, %get3A_643] {strides = array<i32>} : memref<2x24x768xf32, #tpu.memory_space<vmem>>, vector<1x1x16xf32>,
      %get3A_645 = vector.shape_cast %get3A_644 : vector<1x1x16xf32> to vector<16xf32>
      %get3A_646 = arith.constant 1 : i32
      %get3A_647 = arith.index_cast %get3A_646 : i32 to index
      %get3A_648 = arith.index_cast %select_n3A_512 : i32 to index
      %get3A_649 = arith.index_cast %add3A_639 : i32 to index
      %get3A_650 = tpu.vector_load %arg8[%get3A_647, %get3A_648, %get3A_649] {strides = array<i32>} : memref<2x24x768xf32, #tpu.memory_space<vmem>>, vector<1x1x16xf32>,
      %get3A_651 = vector.shape_cast %get3A_650 : vector<1x1x16xf32> to vector<16xf32>
      %add3A_652 = arith.addf %get3A_645, %get3A_651 : vector<16xf32>
      %swap3A_653 = arith.constant 1 : i32
      %swap3A_654 = arith.index_cast %swap3A_653 : i32 to index
      %swap3A_655 = arith.index_cast %select_n3A_512 : i32 to index
      %swap3A_656 = arith.index_cast %add3A_639 : i32 to index
      %swap3A_657 = tpu.vector_load %arg7[%swap3A_654, %swap3A_655, %swap3A_656] {strides = array<i32>} : memref<2x24x768xf32, #tpu.memory_space<vmem>>, vector<1x1x16xf32>,
      %swap3A_658 = vector.shape_cast %swap3A_657 : vector<1x1x16xf32> to vector<16xf32>
      %swap3A_659 = vector.shape_cast %add3A_652 : vector<16xf32> to vector<1x1x16xf32>
      tpu.vector_store %arg7[%swap3A_654, %swap3A_655, %swap3A_656], %swap3A_659 {strides = array<i32>} : memref<2x24x768xf32, #tpu.memory_space<vmem>>, vector<1x1x16xf32>,
      %add3A_660 = arith.constant 96 : i32
      %add3A_661 = arith.addi %mul3A_529, %add3A_660 : i32
      %get3A_662 = arith.constant 1 : i32
      %get3A_663 = arith.index_cast %get3A_662 : i32 to index
      %get3A_664 = arith.index_cast %select_n3A_512 : i32 to index
      %get3A_665 = arith.index_cast %add3A_661 : i32 to index
      %get3A_666 = tpu.vector_load %arg7[%get3A_663, %get3A_664, %get3A_665] {strides = array<i32>} : memref<2x24x768xf32, #tpu.memory_space<vmem>>, vector<1x1x16xf32>,
      %get3A_667 = vector.shape_cast %get3A_666 : vector<1x1x16xf32> to vector<16xf32>
      %get3A_668 = arith.constant 1 : i32
      %get3A_669 = arith.index_cast %get3A_668 : i32 to index
      %get3A_670 = arith.index_cast %select_n3A_512 : i32 to index
      %get3A_671 = arith.index_cast %add3A_661 : i32 to index
      %get3A_672 = tpu.vector_load %arg8[%get3A_669, %get3A_670, %get3A_671] {strides = array<i32>} : memref<2x24x768xf32, #tpu.memory_space<vmem>>, vector<1x1x16xf32>,
      %get3A_673 = vector.shape_cast %get3A_672 : vector<1x1x16xf32> to vector<16xf32>
      %add3A_674 = arith.addf %get3A_667, %get3A_673 : vector<16xf32>
      %swap3A_675 = arith.constant 1 : i32
      %swap3A_676 = arith.index_cast %swap3A_675 : i32 to index
      %swap3A_677 = arith.index_cast %select_n3A_512 : i32 to index
      %swap3A_678 = arith.index_cast %add3A_661 : i32 to index
      %swap3A_679 = tpu.vector_load %arg7[%swap3A_676, %swap3A_677, %swap3A_678] {strides = array<i32>} : memref<2x24x768xf32, #tpu.memory_space<vmem>>, vector<1x1x16xf32>,
      %swap3A_680 = vector.shape_cast %swap3A_679 : vector<1x1x16xf32> to vector<16xf32>
      %swap3A_681 = vector.shape_cast %add3A_674 : vector<16xf32> to vector<1x1x16xf32>
      tpu.vector_store %arg7[%swap3A_676, %swap3A_677, %swap3A_678], %swap3A_681 {strides = array<i32>} : memref<2x24x768xf32, #tpu.memory_space<vmem>>, vector<1x1x16xf32>,
      %add3A_682 = arith.constant 112 : i32
      %add3A_683 = arith.addi %mul3A_529, %add3A_682 : i32
      %get3A_684 = arith.constant 1 : i32
      %get3A_685 = arith.index_cast %get3A_684 : i32 to index
      %get3A_686 = arith.index_cast %select_n3A_512 : i32 to index
      %get3A_687 = arith.index_cast %add3A_683 : i32 to index
      %get3A_688 = tpu.vector_load %arg7[%get3A_685, %get3A_686, %get3A_687] {strides = array<i32>} : memref<2x24x768xf32, #tpu.memory_space<vmem>>, vector<1x1x16xf32>,
      %get3A_689 = vector.shape_cast %get3A_688 : vector<1x1x16xf32> to vector<16xf32>
      %get3A_690 = arith.constant 1 : i32
      %get3A_691 = arith.index_cast %get3A_690 : i32 to index
      %get3A_692 = arith.index_cast %select_n3A_512 : i32 to index
      %get3A_693 = arith.index_cast %add3A_683 : i32 to index
      %get3A_694 = tpu.vector_load %arg8[%get3A_691, %get3A_692, %get3A_693] {strides = array<i32>} : memref<2x24x768xf32, #tpu.memory_space<vmem>>, vector<1x1x16xf32>,
      %get3A_695 = vector.shape_cast %get3A_694 : vector<1x1x16xf32> to vector<16xf32>
      %add3A_696 = arith.addf %get3A_689, %get3A_695 : vector<16xf32>
      %swap3A_697 = arith.constant 1 : i32
      %swap3A_698 = arith.index_cast %swap3A_697 : i32 to index
      %swap3A_699 = arith.index_cast %select_n3A_512 : i32 to index
      %swap3A_700 = arith.index_cast %add3A_683 : i32 to index
      %swap3A_701 = tpu.vector_load %arg7[%swap3A_698, %swap3A_699, %swap3A_700] {strides = array<i32>} : memref<2x24x768xf32, #tpu.memory_space<vmem>>, vector<1x1x16xf32>,
      %swap3A_702 = vector.shape_cast %swap3A_701 : vector<1x1x16xf32> to vector<16xf32>
      %swap3A_703 = vector.shape_cast %add3A_696 : vector<16xf32> to vector<1x1x16xf32>
      tpu.vector_store %arg7[%swap3A_698, %swap3A_699, %swap3A_700], %swap3A_703 {strides = array<i32>} : memref<2x24x768xf32, #tpu.memory_space<vmem>>, vector<1x1x16xf32>,
    }
    %scan3A_165 = arith.constant 144 : i32
    %add3A_166 = arith.constant 24 : i32
    %add3A_167 = arith.addi %select_n3A, %add3A_166 : i32
    %dma_start3A_168 = arith.constant 1 : i32
    %dma_start3A_169 = arith.constant 0 : i32
    %dma_start3A_170 = arith.constant 0 : i32
    %dma_start3A_171 = tpu.memref_slice %arg7[%dma_start3A_168, %dma_start3A_169, %dma_start3A_170] : memref<2x24x768xf32, #tpu.memory_space<vmem>> -> memref<1x24x768xf32, #tpu.memory_space<vmem>>
    %dma_start3A_172 = tpu.memref_squeeze %dma_start3A_171 : memref<1x24x768xf32, #tpu.memory_space<vmem>> -> memref<24x768xf32, #tpu.memory_space<vmem>>
    %dma_start3A_173 = arith.constant 0 : i32
    %dma_start3A_174 = tpu.memref_slice %arg5[%add3A_167, %dma_start3A_173] : memref<4672x768xf32, #tpu.memory_space<hbm>> -> memref<24x768xf32, #tpu.memory_space<hbm>>
    %dma_start3A_175 = arith.constant 0 : i32
    %dma_start3A_176 = tpu.memref_slice %arg5[%add3A_167, %dma_start3A_175] : memref<4672x768xf32, #tpu.memory_space<hbm>> -> memref<24x768xf32, #tpu.memory_space<hbm>>
    %dma_start3A_177 = arith.constant 0 : i32
    %dma_start3A_178 = arith.constant 0 : i32
    %dma_start3A_179 = tpu.memref_slice %arg7[%dma_start3A_168, %dma_start3A_177, %dma_start3A_178] : memref<2x24x768xf32, #tpu.memory_space<vmem>> -> memref<1x24x768xf32, #tpu.memory_space<vmem>>
    %dma_start3A_180 = tpu.memref_squeeze %dma_start3A_179 : memref<1x24x768xf32, #tpu.memory_space<vmem>> -> memref<24x768xf32, #tpu.memory_space<vmem>>
    tpu.enqueue_dma source(%dma_start3A_180 : memref<24x768xf32, #tpu.memory_space<vmem>>) target(%dma_start3A_176 : memref<24x768xf32, #tpu.memory_space<hbm>>) target_semaphore(%arg14 : memref<!tpu.dma_semaphore, #tpu.memory_space<semaphore_mem>>)
    %dma_wait3A_181 = arith.constant 1 : i32
    %dma_wait3A_182 = arith.constant 0 : i32
    %dma_wait3A_183 = arith.constant 0 : i32
    %dma_wait3A_184 = tpu.memref_slice %arg7[%dma_wait3A_181, %dma_wait3A_182, %dma_wait3A_183] : memref<2x24x768xf32, #tpu.memory_space<vmem>> -> memref<1x24x768xf32, #tpu.memory_space<vmem>>
    %dma_wait3A_185 = tpu.memref_squeeze %dma_wait3A_184 : memref<1x24x768xf32, #tpu.memory_space<vmem>> -> memref<24x768xf32, #tpu.memory_space<vmem>>
    %dma_wait3A_186 = arith.constant 0 : i32
    %dma_wait3A_187 = tpu.memref_slice %arg5[%add3A_167, %dma_wait3A_186] : memref<4672x768xf32, #tpu.memory_space<hbm>> -> memref<24x768xf32, #tpu.memory_space<hbm>>
    %dma_wait3A_188 = arith.constant 0 : i32
    %dma_wait3A_189 = tpu.memref_slice %arg5[%add3A_167, %dma_wait3A_188] : memref<4672x768xf32, #tpu.memory_space<hbm>> -> memref<24x768xf32, #tpu.memory_space<hbm>>
    %dma_wait3A_190 = arith.constant 0 : i32
    %dma_wait3A_191 = arith.constant 0 : i32
    %dma_wait3A_192 = tpu.memref_slice %arg7[%dma_wait3A_181, %dma_wait3A_190, %dma_wait3A_191] : memref<2x24x768xf32, #tpu.memory_space<vmem>> -> memref<1x24x768xf32, #tpu.memory_space<vmem>>
    %dma_wait3A_193 = tpu.memref_squeeze %dma_wait3A_192 : memref<1x24x768xf32, #tpu.memory_space<vmem>> -> memref<24x768xf32, #tpu.memory_space<vmem>>
    tpu.wait_dma2 semaphore(%arg14 : memref<!tpu.dma_semaphore, #tpu.memory_space<semaphore_mem>>) src(%dma_wait3A_193 : memref<24x768xf32, #tpu.memory_space<vmem>>) dst(%dma_wait3A_189 : memref<24x768xf32, #tpu.memory_space<hbm>>)
    %add3A_194 = arith.constant 72 : i32
    %add3A_195 = arith.addi %select_n3A, %add3A_194 : i32
    %dma_start3A_196 = arith.constant 1 : i32
    %dma_start3A_197 = arith.constant 0 : i32
    %dma_start3A_198 = arith.constant 0 : i32
    %dma_start3A_199 = tpu.memref_slice %arg7[%dma_start3A_196, %dma_start3A_197, %dma_start3A_198] : memref<2x24x768xf32, #tpu.memory_space<vmem>> -> memref<1x24x768xf32, #tpu.memory_space<vmem>>
    %dma_start3A_200 = tpu.memref_squeeze %dma_start3A_199 : memref<1x24x768xf32, #tpu.memory_space<vmem>> -> memref<24x768xf32, #tpu.memory_space<vmem>>
    %dma_start3A_201 = arith.constant 0 : i32
    %dma_start3A_202 = tpu.memref_slice %arg3[%add3A_195, %dma_start3A_201] : memref<4672x768xf32, #tpu.memory_space<hbm>> -> memref<24x768xf32, #tpu.memory_space<hbm>>
    %dma_start3A_203 = arith.constant 0 : i32
    %dma_start3A_204 = arith.constant 0 : i32
    %dma_start3A_205 = tpu.memref_slice %arg7[%dma_start3A_196, %dma_start3A_203, %dma_start3A_204] : memref<2x24x768xf32, #tpu.memory_space<vmem>> -> memref<1x24x768xf32, #tpu.memory_space<vmem>>
    %dma_start3A_206 = tpu.memref_squeeze %dma_start3A_205 : memref<1x24x768xf32, #tpu.memory_space<vmem>> -> memref<24x768xf32, #tpu.memory_space<vmem>>
    %dma_start3A_207 = arith.constant 0 : i32
    %dma_start3A_208 = tpu.memref_slice %arg3[%add3A_195, %dma_start3A_207] : memref<4672x768xf32, #tpu.memory_space<hbm>> -> memref<24x768xf32, #tpu.memory_space<hbm>>
    tpu.enqueue_dma source(%dma_start3A_208 : memref<24x768xf32, #tpu.memory_space<hbm>>) target(%dma_start3A_206 : memref<24x768xf32, #tpu.memory_space<vmem>>) target_semaphore(%arg10 : memref<!tpu.dma_semaphore, #tpu.memory_space<semaphore_mem>>)
    %dma_start3A_209 = arith.constant 1 : i32
    %dma_start3A_210 = arith.constant 0 : i32
    %dma_start3A_211 = arith.constant 0 : i32
    %dma_start3A_212 = tpu.memref_slice %arg8[%dma_start3A_209, %dma_start3A_210, %dma_start3A_211] : memref<2x24x768xf32, #tpu.memory_space<vmem>> -> memref<1x24x768xf32, #tpu.memory_space<vmem>>
    %dma_start3A_213 = tpu.memref_squeeze %dma_start3A_212 : memref<1x24x768xf32, #tpu.memory_space<vmem>> -> memref<24x768xf32, #tpu.memory_space<vmem>>
    %dma_start3A_214 = arith.constant 72 : i32
    %dma_start3A_215 = tpu.memref_slice %arg6[%dma_start3A_214] : memref<152xi32, #tpu.memory_space<vmem>> -> memref<24xi32, #tpu.memory_space<vmem>>
    %dma_start3A_216 = arith.constant 0 : i32
    %dma_start3A_217 = arith.constant 0 : i32
    %dma_start3A_218 = tpu.memref_slice %arg2[%dma_start3A_216, %dma_start3A_217] : memref<4672x768xf32, #tpu.memory_space<hbm>> -> memref<4672x768xf32, #tpu.memory_space<hbm>>
    tpu.enqueue_indirect_dma source(%dma_start3A_218 : memref<4672x768xf32, #tpu.memory_space<hbm>>) target(%dma_start3A_213 : memref<24x768xf32, #tpu.memory_space<vmem>>) offsets(%dma_start3A_215 : memref<24xi32, #tpu.memory_space<vmem>>) semaphore(%arg12 : memref<!tpu.dma_semaphore, #tpu.memory_space<semaphore_mem>>)
    %dma_wait3A_219 = arith.constant 0 : i32
    %dma_wait3A_220 = arith.constant 0 : i32
    %dma_wait3A_221 = arith.constant 0 : i32
    %dma_wait3A_222 = tpu.memref_slice %arg7[%dma_wait3A_219, %dma_wait3A_220, %dma_wait3A_221] : memref<2x24x768xf32, #tpu.memory_space<vmem>> -> memref<1x24x768xf32, #tpu.memory_space<vmem>>
    %dma_wait3A_223 = tpu.memref_squeeze %dma_wait3A_222 : memref<1x24x768xf32, #tpu.memory_space<vmem>> -> memref<24x768xf32, #tpu.memory_space<vmem>>
    %dma_wait3A_224 = arith.constant 0 : i32
    %dma_wait3A_225 = tpu.memref_slice %arg3[%add3A_114, %dma_wait3A_224] : memref<4672x768xf32, #tpu.memory_space<hbm>> -> memref<24x768xf32, #tpu.memory_space<hbm>>
    %dma_wait3A_226 = arith.constant 0 : i32
    %dma_wait3A_227 = arith.constant 0 : i32
    %dma_wait3A_228 = tpu.memref_slice %arg7[%dma_wait3A_219, %dma_wait3A_226, %dma_wait3A_227] : memref<2x24x768xf32, #tpu.memory_space<vmem>> -> memref<1x24x768xf32, #tpu.memory_space<vmem>>
    %dma_wait3A_229 = tpu.memref_squeeze %dma_wait3A_228 : memref<1x24x768xf32, #tpu.memory_space<vmem>> -> memref<24x768xf32, #tpu.memory_space<vmem>>
    %dma_wait3A_230 = arith.constant 0 : i32
    %dma_wait3A_231 = tpu.memref_slice %arg3[%add3A_114, %dma_wait3A_230] : memref<4672x768xf32, #tpu.memory_space<hbm>> -> memref<24x768xf32, #tpu.memory_space<hbm>>
    tpu.wait_dma2 semaphore(%arg9 : memref<!tpu.dma_semaphore, #tpu.memory_space<semaphore_mem>>) src(%dma_wait3A_231 : memref<24x768xf32, #tpu.memory_space<hbm>>) dst(%dma_wait3A_229 : memref<24x768xf32, #tpu.memory_space<vmem>>)
    %dma_wait3A_232 = arith.constant 0 : i32
    %dma_wait3A_233 = arith.constant 0 : i32
    %dma_wait3A_234 = arith.constant 0 : i32
    %dma_wait3A_235 = tpu.memref_slice %arg8[%dma_wait3A_232, %dma_wait3A_233, %dma_wait3A_234] : memref<2x24x768xf32, #tpu.memory_space<vmem>> -> memref<1x24x768xf32, #tpu.memory_space<vmem>>
    %dma_wait3A_236 = tpu.memref_squeeze %dma_wait3A_235 : memref<1x24x768xf32, #tpu.memory_space<vmem>> -> memref<24x768xf32, #tpu.memory_space<vmem>>
    %dma_wait3A_237 = arith.constant 48 : i32
    %dma_wait3A_238 = tpu.memref_slice %arg6[%dma_wait3A_237] : memref<152xi32, #tpu.memory_space<vmem>> -> memref<24xi32, #tpu.memory_space<vmem>>
    %dma_wait3A_239 = arith.constant 0 : i32
    %dma_wait3A_240 = arith.constant 0 : i32
    %dma_wait3A_241 = tpu.memref_slice %arg2[%dma_wait3A_239, %dma_wait3A_240] : memref<4672x768xf32, #tpu.memory_space<hbm>> -> memref<4672x768xf32, #tpu.memory_space<hbm>>
    tpu.wait_indirect_dma semaphore(%arg11 : memref<!tpu.dma_semaphore, #tpu.memory_space<semaphore_mem>>) src(%dma_wait3A_241 : memref<4672x768xf32, #tpu.memory_space<hbm>>) dst(%dma_wait3A_236 : memref<24x768xf32, #tpu.memory_space<vmem>>)
    %scan3A_242 = arith.constant 0 : i32
    %scan3A_243 = arith.constant 144 : i32
    %scan3A_244 = arith.addi %scan3A_242, %scan3A_243 : i32
    %scan3A_245 = arith.constant 1 : i32
    scf.for %scan3A_494 = %scan3A_242 to %scan3A_244 step %scan3A_245  : i32 {
      %jit3A = arith.constant 6 : i32
      %div3A = arith.divsi %scan3A_494, %jit3A : i32
      %sign3A = arith.constant 0 : i32
      %sign3A_495 = arith.cmpi sgt, %scan3A_494, %sign3A : i32
      %sign3A_496 = arith.extui %sign3A_495 : i1 to i32
      %sign3A_497 = arith.constant 0 : i32
      %sign3A_498 = arith.cmpi slt, %scan3A_494, %sign3A_497 : i32
      %sign3A_499 = arith.extui %sign3A_498 : i1 to i32
      %sign3A_500 = arith.subi %sign3A_496, %sign3A_499 : i32
      %sign3A_501 = arith.constant 0 : i32
      %sign3A_502 = arith.cmpi sgt, %jit3A, %sign3A_501 : i32
      %sign3A_503 = arith.extui %sign3A_502 : i1 to i32
      %sign3A_504 = arith.constant 0 : i32
      %sign3A_505 = arith.cmpi slt, %jit3A, %sign3A_504 : i32
      %sign3A_506 = arith.extui %sign3A_505 : i1 to i32
      %sign3A_507 = arith.subi %sign3A_503, %sign3A_506 : i32
      %ne3A = arith.cmpi ne, %sign3A_500, %sign3A_507 : i32
      %rem3A = arith.remsi %scan3A_494, %jit3A : i32
      %ne3A_508 = arith.constant 0 : i32
      %ne3A_509 = arith.cmpi ne, %rem3A, %ne3A_508 : i32
      %and3A = arith.andi %ne3A, %ne3A_509 : i1
      %sub3A_510 = arith.constant 1 : i32
      %sub3A_511 = arith.subi %div3A, %sub3A_510 : i32
      %select_n3A_512 = arith.select %and3A, %sub3A_511, %div3A : i32
      %jit3A_513 = arith.constant 6 : i32
      %eq3A = arith.constant 0 : i32
      %eq3A_514 = arith.cmpi eq, %jit3A_513, %eq3A : i32
      %jit3A_515 = arith.constant 1 : i32
      %select_n3A_516 = arith.select %eq3A_514, %jit3A_515, %jit3A_513 : i32
      %rem3A_517 = arith.remsi %scan3A_494, %select_n3A_516 : i32
      %ne3A_518 = arith.constant 0 : i32
      %ne3A_519 = arith.cmpi ne, %rem3A_517, %ne3A_518 : i32
      %lt3A_520 = arith.constant 0 : i32
      %lt3A_521 = arith.cmpi slt, %rem3A_517, %lt3A_520 : i32
      %lt3A_522 = arith.constant 0 : i32
      %lt3A_523 = arith.cmpi slt, %select_n3A_516, %lt3A_522 : i32
      %ne3A_524 = arith.xori %lt3A_521, %lt3A_523 : i1
      %and3A_525 = arith.andi %ne3A_524, %ne3A_519 : i1
      %add3A_526 = arith.addi %rem3A_517, %select_n3A_516 : i32
      %select_n3A_527 = arith.select %and3A_525, %add3A_526, %rem3A_517 : i32
      %mul3A_528 = arith.constant 128 : i32
      %mul3A_529 = arith.muli %select_n3A_527, %mul3A_528 : i32
      %add3A_530 = arith.constant 0 : i32
      %add3A_531 = arith.addi %mul3A_529, %add3A_530 : i32
      %get3A = arith.constant 0 : i32
      %get3A_532 = arith.index_cast %get3A : i32 to index
      %get3A_533 = arith.index_cast %select_n3A_512 : i32 to index
      %get3A_534 = arith.index_cast %add3A_531 : i32 to index
      %get3A_535 = tpu.vector_load %arg7[%get3A_532, %get3A_533, %get3A_534] {strides = array<i32>} : memref<2x24x768xf32, #tpu.memory_space<vmem>>, vector<1x1x16xf32>,
      %get3A_536 = vector.shape_cast %get3A_535 : vector<1x1x16xf32> to vector<16xf32>
      %get3A_537 = arith.constant 0 : i32
      %get3A_538 = arith.index_cast %get3A_537 : i32 to index
      %get3A_539 = arith.index_cast %select_n3A_512 : i32 to index
      %get3A_540 = arith.index_cast %add3A_531 : i32 to index
      %get3A_541 = tpu.vector_load %arg8[%get3A_538, %get3A_539, %get3A_540] {strides = array<i32>} : memref<2x24x768xf32, #tpu.memory_space<vmem>>, vector<1x1x16xf32>,
      %get3A_542 = vector.shape_cast %get3A_541 : vector<1x1x16xf32> to vector<16xf32>
      %add3A_543 = arith.addf %get3A_536, %get3A_542 : vector<16xf32>
      %swap3A = arith.constant 0 : i32
      %swap3A_544 = arith.index_cast %swap3A : i32 to index
      %swap3A_545 = arith.index_cast %select_n3A_512 : i32 to index
      %swap3A_546 = arith.index_cast %add3A_531 : i32 to index
      %swap3A_547 = tpu.vector_load %arg7[%swap3A_544, %swap3A_545, %swap3A_546] {strides = array<i32>} : memref<2x24x768xf32, #tpu.memory_space<vmem>>, vector<1x1x16xf32>,
      %swap3A_548 = vector.shape_cast %swap3A_547 : vector<1x1x16xf32> to vector<16xf32>
      %swap3A_549 = vector.shape_cast %add3A_543 : vector<16xf32> to vector<1x1x16xf32>
      tpu.vector_store %arg7[%swap3A_544, %swap3A_545, %swap3A_546], %swap3A_549 {strides = array<i32>} : memref<2x24x768xf32, #tpu.memory_space<vmem>>, vector<1x1x16xf32>,
      %add3A_550 = arith.constant 16 : i32
      %add3A_551 = arith.addi %mul3A_529, %add3A_550 : i32
      %get3A_552 = arith.constant 0 : i32
      %get3A_553 = arith.index_cast %get3A_552 : i32 to index
      %get3A_554 = arith.index_cast %select_n3A_512 : i32 to index
      %get3A_555 = arith.index_cast %add3A_551 : i32 to index
      %get3A_556 = tpu.vector_load %arg7[%get3A_553, %get3A_554, %get3A_555] {strides = array<i32>} : memref<2x24x768xf32, #tpu.memory_space<vmem>>, vector<1x1x16xf32>,
      %get3A_557 = vector.shape_cast %get3A_556 : vector<1x1x16xf32> to vector<16xf32>
      %get3A_558 = arith.constant 0 : i32
      %get3A_559 = arith.index_cast %get3A_558 : i32 to index
      %get3A_560 = arith.index_cast %select_n3A_512 : i32 to index
      %get3A_561 = arith.index_cast %add3A_551 : i32 to index
      %get3A_562 = tpu.vector_load %arg8[%get3A_559, %get3A_560, %get3A_561] {strides = array<i32>} : memref<2x24x768xf32, #tpu.memory_space<vmem>>, vector<1x1x16xf32>,
      %get3A_563 = vector.shape_cast %get3A_562 : vector<1x1x16xf32> to vector<16xf32>
      %add3A_564 = arith.addf %get3A_557, %get3A_563 : vector<16xf32>
      %swap3A_565 = arith.constant 0 : i32
      %swap3A_566 = arith.index_cast %swap3A_565 : i32 to index
      %swap3A_567 = arith.index_cast %select_n3A_512 : i32 to index
      %swap3A_568 = arith.index_cast %add3A_551 : i32 to index
      %swap3A_569 = tpu.vector_load %arg7[%swap3A_566, %swap3A_567, %swap3A_568] {strides = array<i32>} : memref<2x24x768xf32, #tpu.memory_space<vmem>>, vector<1x1x16xf32>,
      %swap3A_570 = vector.shape_cast %swap3A_569 : vector<1x1x16xf32> to vector<16xf32>
      %swap3A_571 = vector.shape_cast %add3A_564 : vector<16xf32> to vector<1x1x16xf32>
      tpu.vector_store %arg7[%swap3A_566, %swap3A_567, %swap3A_568], %swap3A_571 {strides = array<i32>} : memref<2x24x768xf32, #tpu.memory_space<vmem>>, vector<1x1x16xf32>,
      %add3A_572 = arith.constant 32 : i32
      %add3A_573 = arith.addi %mul3A_529, %add3A_572 : i32
      %get3A_574 = arith.constant 0 : i32
      %get3A_575 = arith.index_cast %get3A_574 : i32 to index
      %get3A_576 = arith.index_cast %select_n3A_512 : i32 to index
      %get3A_577 = arith.index_cast %add3A_573 : i32 to index
      %get3A_578 = tpu.vector_load %arg7[%get3A_575, %get3A_576, %get3A_577] {strides = array<i32>} : memref<2x24x768xf32, #tpu.memory_space<vmem>>, vector<1x1x16xf32>,
      %get3A_579 = vector.shape_cast %get3A_578 : vector<1x1x16xf32> to vector<16xf32>
      %get3A_580 = arith.constant 0 : i32
      %get3A_581 = arith.index_cast %get3A_580 : i32 to index
      %get3A_582 = arith.index_cast %select_n3A_512 : i32 to index
      %get3A_583 = arith.index_cast %add3A_573 : i32 to index
      %get3A_584 = tpu.vector_load %arg8[%get3A_581, %get3A_582, %get3A_583] {strides = array<i32>} : memref<2x24x768xf32, #tpu.memory_space<vmem>>, vector<1x1x16xf32>,
      %get3A_585 = vector.shape_cast %get3A_584 : vector<1x1x16xf32> to vector<16xf32>
      %add3A_586 = arith.addf %get3A_579, %get3A_585 : vector<16xf32>
      %swap3A_587 = arith.constant 0 : i32
      %swap3A_588 = arith.index_cast %swap3A_587 : i32 to index
      %swap3A_589 = arith.index_cast %select_n3A_512 : i32 to index
      %swap3A_590 = arith.index_cast %add3A_573 : i32 to index
      %swap3A_591 = tpu.vector_load %arg7[%swap3A_588, %swap3A_589, %swap3A_590] {strides = array<i32>} : memref<2x24x768xf32, #tpu.memory_space<vmem>>, vector<1x1x16xf32>,
      %swap3A_592 = vector.shape_cast %swap3A_591 : vector<1x1x16xf32> to vector<16xf32>
      %swap3A_593 = vector.shape_cast %add3A_586 : vector<16xf32> to vector<1x1x16xf32>
      tpu.vector_store %arg7[%swap3A_588, %swap3A_589, %swap3A_590], %swap3A_593 {strides = array<i32>} : memref<2x24x768xf32, #tpu.memory_space<vmem>>, vector<1x1x16xf32>,
      %add3A_594 = arith.constant 48 : i32
      %add3A_595 = arith.addi %mul3A_529, %add3A_594 : i32
      %get3A_596 = arith.constant 0 : i32
      %get3A_597 = arith.index_cast %get3A_596 : i32 to index
      %get3A_598 = arith.index_cast %select_n3A_512 : i32 to index
      %get3A_599 = arith.index_cast %add3A_595 : i32 to index
      %get3A_600 = tpu.vector_load %arg7[%get3A_597, %get3A_598, %get3A_599] {strides = array<i32>} : memref<2x24x768xf32, #tpu.memory_space<vmem>>, vector<1x1x16xf32>,
      %get3A_601 = vector.shape_cast %get3A_600 : vector<1x1x16xf32> to vector<16xf32>
      %get3A_602 = arith.constant 0 : i32
      %get3A_603 = arith.index_cast %get3A_602 : i32 to index
      %get3A_604 = arith.index_cast %select_n3A_512 : i32 to index
      %get3A_605 = arith.index_cast %add3A_595 : i32 to index
      %get3A_606 = tpu.vector_load %arg8[%get3A_603, %get3A_604, %get3A_605] {strides = array<i32>} : memref<2x24x768xf32, #tpu.memory_space<vmem>>, vector<1x1x16xf32>,
      %get3A_607 = vector.shape_cast %get3A_606 : vector<1x1x16xf32> to vector<16xf32>
      %add3A_608 = arith.addf %get3A_601, %get3A_607 : vector<16xf32>
      %swap3A_609 = arith.constant 0 : i32
      %swap3A_610 = arith.index_cast %swap3A_609 : i32 to index
      %swap3A_611 = arith.index_cast %select_n3A_512 : i32 to index
      %swap3A_612 = arith.index_cast %add3A_595 : i32 to index
      %swap3A_613 = tpu.vector_load %arg7[%swap3A_610, %swap3A_611, %swap3A_612] {strides = array<i32>} : memref<2x24x768xf32, #tpu.memory_space<vmem>>, vector<1x1x16xf32>,
      %swap3A_614 = vector.shape_cast %swap3A_613 : vector<1x1x16xf32> to vector<16xf32>
      %swap3A_615 = vector.shape_cast %add3A_608 : vector<16xf32> to vector<1x1x16xf32>
      tpu.vector_store %arg7[%swap3A_610, %swap3A_611, %swap3A_612], %swap3A_615 {strides = array<i32>} : memref<2x24x768xf32, #tpu.memory_space<vmem>>, vector<1x1x16xf32>,
      %add3A_616 = arith.constant 64 : i32
      %add3A_617 = arith.addi %mul3A_529, %add3A_616 : i32
      %get3A_618 = arith.constant 0 : i32
      %get3A_619 = arith.index_cast %get3A_618 : i32 to index
      %get3A_620 = arith.index_cast %select_n3A_512 : i32 to index
      %get3A_621 = arith.index_cast %add3A_617 : i32 to index
      %get3A_622 = tpu.vector_load %arg7[%get3A_619, %get3A_620, %get3A_621] {strides = array<i32>} : memref<2x24x768xf32, #tpu.memory_space<vmem>>, vector<1x1x16xf32>,
      %get3A_623 = vector.shape_cast %get3A_622 : vector<1x1x16xf32> to vector<16xf32>
      %get3A_624 = arith.constant 0 : i32
      %get3A_625 = arith.index_cast %get3A_624 : i32 to index
      %get3A_626 = arith.index_cast %select_n3A_512 : i32 to index
      %get3A_627 = arith.index_cast %add3A_617 : i32 to index
      %get3A_628 = tpu.vector_load %arg8[%get3A_625, %get3A_626, %get3A_627] {strides = array<i32>} : memref<2x24x768xf32, #tpu.memory_space<vmem>>, vector<1x1x16xf32>,
      %get3A_629 = vector.shape_cast %get3A_628 : vector<1x1x16xf32> to vector<16xf32>
      %add3A_630 = arith.addf %get3A_623, %get3A_629 : vector<16xf32>
      %swap3A_631 = arith.constant 0 : i32
      %swap3A_632 = arith.index_cast %swap3A_631 : i32 to index
      %swap3A_633 = arith.index_cast %select_n3A_512 : i32 to index
      %swap3A_634 = arith.index_cast %add3A_617 : i32 to index
      %swap3A_635 = tpu.vector_load %arg7[%swap3A_632, %swap3A_633, %swap3A_634] {strides = array<i32>} : memref<2x24x768xf32, #tpu.memory_space<vmem>>, vector<1x1x16xf32>,
      %swap3A_636 = vector.shape_cast %swap3A_635 : vector<1x1x16xf32> to vector<16xf32>
      %swap3A_637 = vector.shape_cast %add3A_630 : vector<16xf32> to vector<1x1x16xf32>
      tpu.vector_store %arg7[%swap3A_632, %swap3A_633, %swap3A_634], %swap3A_637 {strides = array<i32>} : memref<2x24x768xf32, #tpu.memory_space<vmem>>, vector<1x1x16xf32>,
      %add3A_638 = arith.constant 80 : i32
      %add3A_639 = arith.addi %mul3A_529, %add3A_638 : i32
      %get3A_640 = arith.constant 0 : i32
      %get3A_641 = arith.index_cast %get3A_640 : i32 to index
      %get3A_642 = arith.index_cast %select_n3A_512 : i32 to index
      %get3A_643 = arith.index_cast %add3A_639 : i32 to index
      %get3A_644 = tpu.vector_load %arg7[%get3A_641, %get3A_642, %get3A_643] {strides = array<i32>} : memref<2x24x768xf32, #tpu.memory_space<vmem>>, vector<1x1x16xf32>,
      %get3A_645 = vector.shape_cast %get3A_644 : vector<1x1x16xf32> to vector<16xf32>
      %get3A_646 = arith.constant 0 : i32
      %get3A_647 = arith.index_cast %get3A_646 : i32 to index
      %get3A_648 = arith.index_cast %select_n3A_512 : i32 to index
      %get3A_649 = arith.index_cast %add3A_639 : i32 to index
      %get3A_650 = tpu.vector_load %arg8[%get3A_647, %get3A_648, %get3A_649] {strides = array<i32>} : memref<2x24x768xf32, #tpu.memory_space<vmem>>, vector<1x1x16xf32>,
      %get3A_651 = vector.shape_cast %get3A_650 : vector<1x1x16xf32> to vector<16xf32>
      %add3A_652 = arith.addf %get3A_645, %get3A_651 : vector<16xf32>
      %swap3A_653 = arith.constant 0 : i32
      %swap3A_654 = arith.index_cast %swap3A_653 : i32 to index
      %swap3A_655 = arith.index_cast %select_n3A_512 : i32 to index
      %swap3A_656 = arith.index_cast %add3A_639 : i32 to index
      %swap3A_657 = tpu.vector_load %arg7[%swap3A_654, %swap3A_655, %swap3A_656] {strides = array<i32>} : memref<2x24x768xf32, #tpu.memory_space<vmem>>, vector<1x1x16xf32>,
      %swap3A_658 = vector.shape_cast %swap3A_657 : vector<1x1x16xf32> to vector<16xf32>
      %swap3A_659 = vector.shape_cast %add3A_652 : vector<16xf32> to vector<1x1x16xf32>
      tpu.vector_store %arg7[%swap3A_654, %swap3A_655, %swap3A_656], %swap3A_659 {strides = array<i32>} : memref<2x24x768xf32, #tpu.memory_space<vmem>>, vector<1x1x16xf32>,
      %add3A_660 = arith.constant 96 : i32
      %add3A_661 = arith.addi %mul3A_529, %add3A_660 : i32
      %get3A_662 = arith.constant 0 : i32
      %get3A_663 = arith.index_cast %get3A_662 : i32 to index
      %get3A_664 = arith.index_cast %select_n3A_512 : i32 to index
      %get3A_665 = arith.index_cast %add3A_661 : i32 to index
      %get3A_666 = tpu.vector_load %arg7[%get3A_663, %get3A_664, %get3A_665] {strides = array<i32>} : memref<2x24x768xf32, #tpu.memory_space<vmem>>, vector<1x1x16xf32>,
      %get3A_667 = vector.shape_cast %get3A_666 : vector<1x1x16xf32> to vector<16xf32>
      %get3A_668 = arith.constant 0 : i32
      %get3A_669 = arith.index_cast %get3A_668 : i32 to index
      %get3A_670 = arith.index_cast %select_n3A_512 : i32 to index
      %get3A_671 = arith.index_cast %add3A_661 : i32 to index
      %get3A_672 = tpu.vector_load %arg8[%get3A_669, %get3A_670, %get3A_671] {strides = array<i32>} : memref<2x24x768xf32, #tpu.memory_space<vmem>>, vector<1x1x16xf32>,
      %get3A_673 = vector.shape_cast %get3A_672 : vector<1x1x16xf32> to vector<16xf32>
      %add3A_674 = arith.addf %get3A_667, %get3A_673 : vector<16xf32>
      %swap3A_675 = arith.constant 0 : i32
      %swap3A_676 = arith.index_cast %swap3A_675 : i32 to index
      %swap3A_677 = arith.index_cast %select_n3A_512 : i32 to index
      %swap3A_678 = arith.index_cast %add3A_661 : i32 to index
      %swap3A_679 = tpu.vector_load %arg7[%swap3A_676, %swap3A_677, %swap3A_678] {strides = array<i32>} : memref<2x24x768xf32, #tpu.memory_space<vmem>>, vector<1x1x16xf32>,
      %swap3A_680 = vector.shape_cast %swap3A_679 : vector<1x1x16xf32> to vector<16xf32>
      %swap3A_681 = vector.shape_cast %add3A_674 : vector<16xf32> to vector<1x1x16xf32>
      tpu.vector_store %arg7[%swap3A_676, %swap3A_677, %swap3A_678], %swap3A_681 {strides = array<i32>} : memref<2x24x768xf32, #tpu.memory_space<vmem>>, vector<1x1x16xf32>,
      %add3A_682 = arith.constant 112 : i32
      %add3A_683 = arith.addi %mul3A_529, %add3A_682 : i32
      %get3A_684 = arith.constant 0 : i32
      %get3A_685 = arith.index_cast %get3A_684 : i32 to index
      %get3A_686 = arith.index_cast %select_n3A_512 : i32 to index
      %get3A_687 = arith.index_cast %add3A_683 : i32 to index
      %get3A_688 = tpu.vector_load %arg7[%get3A_685, %get3A_686, %get3A_687] {strides = array<i32>} : memref<2x24x768xf32, #tpu.memory_space<vmem>>, vector<1x1x16xf32>,
      %get3A_689 = vector.shape_cast %get3A_688 : vector<1x1x16xf32> to vector<16xf32>
      %get3A_690 = arith.constant 0 : i32
      %get3A_691 = arith.index_cast %get3A_690 : i32 to index
      %get3A_692 = arith.index_cast %select_n3A_512 : i32 to index
      %get3A_693 = arith.index_cast %add3A_683 : i32 to index
      %get3A_694 = tpu.vector_load %arg8[%get3A_691, %get3A_692, %get3A_693] {strides = array<i32>} : memref<2x24x768xf32, #tpu.memory_space<vmem>>, vector<1x1x16xf32>,
      %get3A_695 = vector.shape_cast %get3A_694 : vector<1x1x16xf32> to vector<16xf32>
      %add3A_696 = arith.addf %get3A_689, %get3A_695 : vector<16xf32>
      %swap3A_697 = arith.constant 0 : i32
      %swap3A_698 = arith.index_cast %swap3A_697 : i32 to index
      %swap3A_699 = arith.index_cast %select_n3A_512 : i32 to index
      %swap3A_700 = arith.index_cast %add3A_683 : i32 to index
      %swap3A_701 = tpu.vector_load %arg7[%swap3A_698, %swap3A_699, %swap3A_700] {strides = array<i32>} : memref<2x24x768xf32, #tpu.memory_space<vmem>>, vector<1x1x16xf32>,
      %swap3A_702 = vector.shape_cast %swap3A_701 : vector<1x1x16xf32> to vector<16xf32>
      %swap3A_703 = vector.shape_cast %add3A_696 : vector<16xf32> to vector<1x1x16xf32>
      tpu.vector_store %arg7[%swap3A_698, %swap3A_699, %swap3A_700], %swap3A_703 {strides = array<i32>} : memref<2x24x768xf32, #tpu.memory_space<vmem>>, vector<1x1x16xf32>,
    }
    %scan3A_246 = arith.constant 144 : i32
    %add3A_247 = arith.constant 48 : i32
    %add3A_248 = arith.addi %select_n3A, %add3A_247 : i32
    %dma_start3A_249 = arith.constant 0 : i32
    %dma_start3A_250 = arith.constant 0 : i32
    %dma_start3A_251 = arith.constant 0 : i32
    %dma_start3A_252 = tpu.memref_slice %arg7[%dma_start3A_249, %dma_start3A_250, %dma_start3A_251] : memref<2x24x768xf32, #tpu.memory_space<vmem>> -> memref<1x24x768xf32, #tpu.memory_space<vmem>>
    %dma_start3A_253 = tpu.memref_squeeze %dma_start3A_252 : memref<1x24x768xf32, #tpu.memory_space<vmem>> -> memref<24x768xf32, #tpu.memory_space<vmem>>
    %dma_start3A_254 = arith.constant 0 : i32
    %dma_start3A_255 = tpu.memref_slice %arg5[%add3A_248, %dma_start3A_254] : memref<4672x768xf32, #tpu.memory_space<hbm>> -> memref<24x768xf32, #tpu.memory_space<hbm>>
    %dma_start3A_256 = arith.constant 0 : i32
    %dma_start3A_257 = tpu.memref_slice %arg5[%add3A_248, %dma_start3A_256] : memref<4672x768xf32, #tpu.memory_space<hbm>> -> memref<24x768xf32, #tpu.memory_space<hbm>>
    %dma_start3A_258 = arith.constant 0 : i32
    %dma_start3A_259 = arith.constant 0 : i32
    %dma_start3A_260 = tpu.memref_slice %arg7[%dma_start3A_249, %dma_start3A_258, %dma_start3A_259] : memref<2x24x768xf32, #tpu.memory_space<vmem>> -> memref<1x24x768xf32, #tpu.memory_space<vmem>>
    %dma_start3A_261 = tpu.memref_squeeze %dma_start3A_260 : memref<1x24x768xf32, #tpu.memory_space<vmem>> -> memref<24x768xf32, #tpu.memory_space<vmem>>
    tpu.enqueue_dma source(%dma_start3A_261 : memref<24x768xf32, #tpu.memory_space<vmem>>) target(%dma_start3A_257 : memref<24x768xf32, #tpu.memory_space<hbm>>) target_semaphore(%arg13 : memref<!tpu.dma_semaphore, #tpu.memory_space<semaphore_mem>>)
    %dma_wait3A_262 = arith.constant 0 : i32
    %dma_wait3A_263 = arith.constant 0 : i32
    %dma_wait3A_264 = arith.constant 0 : i32
    %dma_wait3A_265 = tpu.memref_slice %arg7[%dma_wait3A_262, %dma_wait3A_263, %dma_wait3A_264] : memref<2x24x768xf32, #tpu.memory_space<vmem>> -> memref<1x24x768xf32, #tpu.memory_space<vmem>>
    %dma_wait3A_266 = tpu.memref_squeeze %dma_wait3A_265 : memref<1x24x768xf32, #tpu.memory_space<vmem>> -> memref<24x768xf32, #tpu.memory_space<vmem>>
    %dma_wait3A_267 = arith.constant 0 : i32
    %dma_wait3A_268 = tpu.memref_slice %arg5[%add3A_248, %dma_wait3A_267] : memref<4672x768xf32, #tpu.memory_space<hbm>> -> memref<24x768xf32, #tpu.memory_space<hbm>>
    %dma_wait3A_269 = arith.constant 0 : i32
    %dma_wait3A_270 = tpu.memref_slice %arg5[%add3A_248, %dma_wait3A_269] : memref<4672x768xf32, #tpu.memory_space<hbm>> -> memref<24x768xf32, #tpu.memory_space<hbm>>
    %dma_wait3A_271 = arith.constant 0 : i32
    %dma_wait3A_272 = arith.constant 0 : i32
    %dma_wait3A_273 = tpu.memref_slice %arg7[%dma_wait3A_262, %dma_wait3A_271, %dma_wait3A_272] : memref<2x24x768xf32, #tpu.memory_space<vmem>> -> memref<1x24x768xf32, #tpu.memory_space<vmem>>
    %dma_wait3A_274 = tpu.memref_squeeze %dma_wait3A_273 : memref<1x24x768xf32, #tpu.memory_space<vmem>> -> memref<24x768xf32, #tpu.memory_space<vmem>>
    tpu.wait_dma2 semaphore(%arg13 : memref<!tpu.dma_semaphore, #tpu.memory_space<semaphore_mem>>) src(%dma_wait3A_274 : memref<24x768xf32, #tpu.memory_space<vmem>>) dst(%dma_wait3A_270 : memref<24x768xf32, #tpu.memory_space<hbm>>)
    %add3A_275 = arith.constant 96 : i32
    %add3A_276 = arith.addi %select_n3A, %add3A_275 : i32
    %dma_start3A_277 = arith.constant 0 : i32
    %dma_start3A_278 = arith.constant 0 : i32
    %dma_start3A_279 = arith.constant 0 : i32
    %dma_start3A_280 = tpu.memref_slice %arg7[%dma_start3A_277, %dma_start3A_278, %dma_start3A_279] : memref<2x24x768xf32, #tpu.memory_space<vmem>> -> memref<1x24x768xf32, #tpu.memory_space<vmem>>
    %dma_start3A_281 = tpu.memref_squeeze %dma_start3A_280 : memref<1x24x768xf32, #tpu.memory_space<vmem>> -> memref<24x768xf32, #tpu.memory_space<vmem>>
    %dma_start3A_282 = arith.constant 0 : i32
    %dma_start3A_283 = tpu.memref_slice %arg3[%add3A_276, %dma_start3A_282] : memref<4672x768xf32, #tpu.memory_space<hbm>> -> memref<24x768xf32, #tpu.memory_space<hbm>>
    %dma_start3A_284 = arith.constant 0 : i32
    %dma_start3A_285 = arith.constant 0 : i32
    %dma_start3A_286 = tpu.memref_slice %arg7[%dma_start3A_277, %dma_start3A_284, %dma_start3A_285] : memref<2x24x768xf32, #tpu.memory_space<vmem>> -> memref<1x24x768xf32, #tpu.memory_space<vmem>>
    %dma_start3A_287 = tpu.memref_squeeze %dma_start3A_286 : memref<1x24x768xf32, #tpu.memory_space<vmem>> -> memref<24x768xf32, #tpu.memory_space<vmem>>
    %dma_start3A_288 = arith.constant 0 : i32
    %dma_start3A_289 = tpu.memref_slice %arg3[%add3A_276, %dma_start3A_288] : memref<4672x768xf32, #tpu.memory_space<hbm>> -> memref<24x768xf32, #tpu.memory_space<hbm>>
    tpu.enqueue_dma source(%dma_start3A_289 : memref<24x768xf32, #tpu.memory_space<hbm>>) target(%dma_start3A_287 : memref<24x768xf32, #tpu.memory_space<vmem>>) target_semaphore(%arg9 : memref<!tpu.dma_semaphore, #tpu.memory_space<semaphore_mem>>)
    %dma_start3A_290 = arith.constant 0 : i32
    %dma_start3A_291 = arith.constant 0 : i32
    %dma_start3A_292 = arith.constant 0 : i32
    %dma_start3A_293 = tpu.memref_slice %arg8[%dma_start3A_290, %dma_start3A_291, %dma_start3A_292] : memref<2x24x768xf32, #tpu.memory_space<vmem>> -> memref<1x24x768xf32, #tpu.memory_space<vmem>>
    %dma_start3A_294 = tpu.memref_squeeze %dma_start3A_293 : memref<1x24x768xf32, #tpu.memory_space<vmem>> -> memref<24x768xf32, #tpu.memory_space<vmem>>
    %dma_start3A_295 = arith.constant 96 : i32
    %dma_start3A_296 = tpu.memref_slice %arg6[%dma_start3A_295] : memref<152xi32, #tpu.memory_space<vmem>> -> memref<24xi32, #tpu.memory_space<vmem>>
    %dma_start3A_297 = arith.constant 0 : i32
    %dma_start3A_298 = arith.constant 0 : i32
    %dma_start3A_299 = tpu.memref_slice %arg2[%dma_start3A_297, %dma_start3A_298] : memref<4672x768xf32, #tpu.memory_space<hbm>> -> memref<4672x768xf32, #tpu.memory_space<hbm>>
    tpu.enqueue_indirect_dma source(%dma_start3A_299 : memref<4672x768xf32, #tpu.memory_space<hbm>>) target(%dma_start3A_294 : memref<24x768xf32, #tpu.memory_space<vmem>>) offsets(%dma_start3A_296 : memref<24xi32, #tpu.memory_space<vmem>>) semaphore(%arg11 : memref<!tpu.dma_semaphore, #tpu.memory_space<semaphore_mem>>)
    %dma_wait3A_300 = arith.constant 1 : i32
    %dma_wait3A_301 = arith.constant 0 : i32
    %dma_wait3A_302 = arith.constant 0 : i32
    %dma_wait3A_303 = tpu.memref_slice %arg7[%dma_wait3A_300, %dma_wait3A_301, %dma_wait3A_302] : memref<2x24x768xf32, #tpu.memory_space<vmem>> -> memref<1x24x768xf32, #tpu.memory_space<vmem>>
    %dma_wait3A_304 = tpu.memref_squeeze %dma_wait3A_303 : memref<1x24x768xf32, #tpu.memory_space<vmem>> -> memref<24x768xf32, #tpu.memory_space<vmem>>
    %dma_wait3A_305 = arith.constant 0 : i32
    %dma_wait3A_306 = tpu.memref_slice %arg3[%add3A_195, %dma_wait3A_305] : memref<4672x768xf32, #tpu.memory_space<hbm>> -> memref<24x768xf32, #tpu.memory_space<hbm>>
    %dma_wait3A_307 = arith.constant 0 : i32
    %dma_wait3A_308 = arith.constant 0 : i32
    %dma_wait3A_309 = tpu.memref_slice %arg7[%dma_wait3A_300, %dma_wait3A_307, %dma_wait3A_308] : memref<2x24x768xf32, #tpu.memory_space<vmem>> -> memref<1x24x768xf32, #tpu.memory_space<vmem>>
    %dma_wait3A_310 = tpu.memref_squeeze %dma_wait3A_309 : memref<1x24x768xf32, #tpu.memory_space<vmem>> -> memref<24x768xf32, #tpu.memory_space<vmem>>
    %dma_wait3A_311 = arith.constant 0 : i32
    %dma_wait3A_312 = tpu.memref_slice %arg3[%add3A_195, %dma_wait3A_311] : memref<4672x768xf32, #tpu.memory_space<hbm>> -> memref<24x768xf32, #tpu.memory_space<hbm>>
    tpu.wait_dma2 semaphore(%arg10 : memref<!tpu.dma_semaphore, #tpu.memory_space<semaphore_mem>>) src(%dma_wait3A_312 : memref<24x768xf32, #tpu.memory_space<hbm>>) dst(%dma_wait3A_310 : memref<24x768xf32, #tpu.memory_space<vmem>>)
    %dma_wait3A_313 = arith.constant 1 : i32
    %dma_wait3A_314 = arith.constant 0 : i32
    %dma_wait3A_315 = arith.constant 0 : i32
    %dma_wait3A_316 = tpu.memref_slice %arg8[%dma_wait3A_313, %dma_wait3A_314, %dma_wait3A_315] : memref<2x24x768xf32, #tpu.memory_space<vmem>> -> memref<1x24x768xf32, #tpu.memory_space<vmem>>
    %dma_wait3A_317 = tpu.memref_squeeze %dma_wait3A_316 : memref<1x24x768xf32, #tpu.memory_space<vmem>> -> memref<24x768xf32, #tpu.memory_space<vmem>>
    %dma_wait3A_318 = arith.constant 72 : i32
    %dma_wait3A_319 = tpu.memref_slice %arg6[%dma_wait3A_318] : memref<152xi32, #tpu.memory_space<vmem>> -> memref<24xi32, #tpu.memory_space<vmem>>
    %dma_wait3A_320 = arith.constant 0 : i32
    %dma_wait3A_321 = arith.constant 0 : i32
    %dma_wait3A_322 = tpu.memref_slice %arg2[%dma_wait3A_320, %dma_wait3A_321] : memref<4672x768xf32, #tpu.memory_space<hbm>> -> memref<4672x768xf32, #tpu.memory_space<hbm>>
    tpu.wait_indirect_dma semaphore(%arg12 : memref<!tpu.dma_semaphore, #tpu.memory_space<semaphore_mem>>) src(%dma_wait3A_322 : memref<4672x768xf32, #tpu.memory_space<hbm>>) dst(%dma_wait3A_317 : memref<24x768xf32, #tpu.memory_space<vmem>>)
    %scan3A_323 = arith.constant 0 : i32
    %scan3A_324 = arith.constant 144 : i32
    %scan3A_325 = arith.addi %scan3A_323, %scan3A_324 : i32
    %scan3A_326 = arith.constant 1 : i32
    scf.for %scan3A_494 = %scan3A_323 to %scan3A_325 step %scan3A_326  : i32 {
      %jit3A = arith.constant 6 : i32
      %div3A = arith.divsi %scan3A_494, %jit3A : i32
      %sign3A = arith.constant 0 : i32
      %sign3A_495 = arith.cmpi sgt, %scan3A_494, %sign3A : i32
      %sign3A_496 = arith.extui %sign3A_495 : i1 to i32
      %sign3A_497 = arith.constant 0 : i32
      %sign3A_498 = arith.cmpi slt, %scan3A_494, %sign3A_497 : i32
      %sign3A_499 = arith.extui %sign3A_498 : i1 to i32
      %sign3A_500 = arith.subi %sign3A_496, %sign3A_499 : i32
      %sign3A_501 = arith.constant 0 : i32
      %sign3A_502 = arith.cmpi sgt, %jit3A, %sign3A_501 : i32
      %sign3A_503 = arith.extui %sign3A_502 : i1 to i32
      %sign3A_504 = arith.constant 0 : i32
      %sign3A_505 = arith.cmpi slt, %jit3A, %sign3A_504 : i32
      %sign3A_506 = arith.extui %sign3A_505 : i1 to i32
      %sign3A_507 = arith.subi %sign3A_503, %sign3A_506 : i32
      %ne3A = arith.cmpi ne, %sign3A_500, %sign3A_507 : i32
      %rem3A = arith.remsi %scan3A_494, %jit3A : i32
      %ne3A_508 = arith.constant 0 : i32
      %ne3A_509 = arith.cmpi ne, %rem3A, %ne3A_508 : i32
      %and3A = arith.andi %ne3A, %ne3A_509 : i1
      %sub3A_510 = arith.constant 1 : i32
      %sub3A_511 = arith.subi %div3A, %sub3A_510 : i32
      %select_n3A_512 = arith.select %and3A, %sub3A_511, %div3A : i32
      %jit3A_513 = arith.constant 6 : i32
      %eq3A = arith.constant 0 : i32
      %eq3A_514 = arith.cmpi eq, %jit3A_513, %eq3A : i32
      %jit3A_515 = arith.constant 1 : i32
      %select_n3A_516 = arith.select %eq3A_514, %jit3A_515, %jit3A_513 : i32
      %rem3A_517 = arith.remsi %scan3A_494, %select_n3A_516 : i32
      %ne3A_518 = arith.constant 0 : i32
      %ne3A_519 = arith.cmpi ne, %rem3A_517, %ne3A_518 : i32
      %lt3A_520 = arith.constant 0 : i32
      %lt3A_521 = arith.cmpi slt, %rem3A_517, %lt3A_520 : i32
      %lt3A_522 = arith.constant 0 : i32
      %lt3A_523 = arith.cmpi slt, %select_n3A_516, %lt3A_522 : i32
      %ne3A_524 = arith.xori %lt3A_521, %lt3A_523 : i1
      %and3A_525 = arith.andi %ne3A_524, %ne3A_519 : i1
      %add3A_526 = arith.addi %rem3A_517, %select_n3A_516 : i32
      %select_n3A_527 = arith.select %and3A_525, %add3A_526, %rem3A_517 : i32
      %mul3A_528 = arith.constant 128 : i32
      %mul3A_529 = arith.muli %select_n3A_527, %mul3A_528 : i32
      %add3A_530 = arith.constant 0 : i32
      %add3A_531 = arith.addi %mul3A_529, %add3A_530 : i32
      %get3A = arith.constant 1 : i32
      %get3A_532 = arith.index_cast %get3A : i32 to index
      %get3A_533 = arith.index_cast %select_n3A_512 : i32 to index
      %get3A_534 = arith.index_cast %add3A_531 : i32 to index
      %get3A_535 = tpu.vector_load %arg7[%get3A_532, %get3A_533, %get3A_534] {strides = array<i32>} : memref<2x24x768xf32, #tpu.memory_space<vmem>>, vector<1x1x16xf32>,
      %get3A_536 = vector.shape_cast %get3A_535 : vector<1x1x16xf32> to vector<16xf32>
      %get3A_537 = arith.constant 1 : i32
      %get3A_538 = arith.index_cast %get3A_537 : i32 to index
      %get3A_539 = arith.index_cast %select_n3A_512 : i32 to index
      %get3A_540 = arith.index_cast %add3A_531 : i32 to index
      %get3A_541 = tpu.vector_load %arg8[%get3A_538, %get3A_539, %get3A_540] {strides = array<i32>} : memref<2x24x768xf32, #tpu.memory_space<vmem>>, vector<1x1x16xf32>,
      %get3A_542 = vector.shape_cast %get3A_541 : vector<1x1x16xf32> to vector<16xf32>
      %add3A_543 = arith.addf %get3A_536, %get3A_542 : vector<16xf32>
      %swap3A = arith.constant 1 : i32
      %swap3A_544 = arith.index_cast %swap3A : i32 to index
      %swap3A_545 = arith.index_cast %select_n3A_512 : i32 to index
      %swap3A_546 = arith.index_cast %add3A_531 : i32 to index
      %swap3A_547 = tpu.vector_load %arg7[%swap3A_544, %swap3A_545, %swap3A_546] {strides = array<i32>} : memref<2x24x768xf32, #tpu.memory_space<vmem>>, vector<1x1x16xf32>,
      %swap3A_548 = vector.shape_cast %swap3A_547 : vector<1x1x16xf32> to vector<16xf32>
      %swap3A_549 = vector.shape_cast %add3A_543 : vector<16xf32> to vector<1x1x16xf32>
      tpu.vector_store %arg7[%swap3A_544, %swap3A_545, %swap3A_546], %swap3A_549 {strides = array<i32>} : memref<2x24x768xf32, #tpu.memory_space<vmem>>, vector<1x1x16xf32>,
      %add3A_550 = arith.constant 16 : i32
      %add3A_551 = arith.addi %mul3A_529, %add3A_550 : i32
      %get3A_552 = arith.constant 1 : i32
      %get3A_553 = arith.index_cast %get3A_552 : i32 to index
      %get3A_554 = arith.index_cast %select_n3A_512 : i32 to index
      %get3A_555 = arith.index_cast %add3A_551 : i32 to index
      %get3A_556 = tpu.vector_load %arg7[%get3A_553, %get3A_554, %get3A_555] {strides = array<i32>} : memref<2x24x768xf32, #tpu.memory_space<vmem>>, vector<1x1x16xf32>,
      %get3A_557 = vector.shape_cast %get3A_556 : vector<1x1x16xf32> to vector<16xf32>
      %get3A_558 = arith.constant 1 : i32
      %get3A_559 = arith.index_cast %get3A_558 : i32 to index
      %get3A_560 = arith.index_cast %select_n3A_512 : i32 to index
      %get3A_561 = arith.index_cast %add3A_551 : i32 to index
      %get3A_562 = tpu.vector_load %arg8[%get3A_559, %get3A_560, %get3A_561] {strides = array<i32>} : memref<2x24x768xf32, #tpu.memory_space<vmem>>, vector<1x1x16xf32>,
      %get3A_563 = vector.shape_cast %get3A_562 : vector<1x1x16xf32> to vector<16xf32>
      %add3A_564 = arith.addf %get3A_557, %get3A_563 : vector<16xf32>
      %swap3A_565 = arith.constant 1 : i32
      %swap3A_566 = arith.index_cast %swap3A_565 : i32 to index
      %swap3A_567 = arith.index_cast %select_n3A_512 : i32 to index
      %swap3A_568 = arith.index_cast %add3A_551 : i32 to index
      %swap3A_569 = tpu.vector_load %arg7[%swap3A_566, %swap3A_567, %swap3A_568] {strides = array<i32>} : memref<2x24x768xf32, #tpu.memory_space<vmem>>, vector<1x1x16xf32>,
      %swap3A_570 = vector.shape_cast %swap3A_569 : vector<1x1x16xf32> to vector<16xf32>
      %swap3A_571 = vector.shape_cast %add3A_564 : vector<16xf32> to vector<1x1x16xf32>
      tpu.vector_store %arg7[%swap3A_566, %swap3A_567, %swap3A_568], %swap3A_571 {strides = array<i32>} : memref<2x24x768xf32, #tpu.memory_space<vmem>>, vector<1x1x16xf32>,
      %add3A_572 = arith.constant 32 : i32
      %add3A_573 = arith.addi %mul3A_529, %add3A_572 : i32
      %get3A_574 = arith.constant 1 : i32
      %get3A_575 = arith.index_cast %get3A_574 : i32 to index
      %get3A_576 = arith.index_cast %select_n3A_512 : i32 to index
      %get3A_577 = arith.index_cast %add3A_573 : i32 to index
      %get3A_578 = tpu.vector_load %arg7[%get3A_575, %get3A_576, %get3A_577] {strides = array<i32>} : memref<2x24x768xf32, #tpu.memory_space<vmem>>, vector<1x1x16xf32>,
      %get3A_579 = vector.shape_cast %get3A_578 : vector<1x1x16xf32> to vector<16xf32>
      %get3A_580 = arith.constant 1 : i32
      %get3A_581 = arith.index_cast %get3A_580 : i32 to index
      %get3A_582 = arith.index_cast %select_n3A_512 : i32 to index
      %get3A_583 = arith.index_cast %add3A_573 : i32 to index
      %get3A_584 = tpu.vector_load %arg8[%get3A_581, %get3A_582, %get3A_583] {strides = array<i32>} : memref<2x24x768xf32, #tpu.memory_space<vmem>>, vector<1x1x16xf32>,
      %get3A_585 = vector.shape_cast %get3A_584 : vector<1x1x16xf32> to vector<16xf32>
      %add3A_586 = arith.addf %get3A_579, %get3A_585 : vector<16xf32>
      %swap3A_587 = arith.constant 1 : i32
      %swap3A_588 = arith.index_cast %swap3A_587 : i32 to index
      %swap3A_589 = arith.index_cast %select_n3A_512 : i32 to index
      %swap3A_590 = arith.index_cast %add3A_573 : i32 to index
      %swap3A_591 = tpu.vector_load %arg7[%swap3A_588, %swap3A_589, %swap3A_590] {strides = array<i32>} : memref<2x24x768xf32, #tpu.memory_space<vmem>>, vector<1x1x16xf32>,
      %swap3A_592 = vector.shape_cast %swap3A_591 : vector<1x1x16xf32> to vector<16xf32>
      %swap3A_593 = vector.shape_cast %add3A_586 : vector<16xf32> to vector<1x1x16xf32>
      tpu.vector_store %arg7[%swap3A_588, %swap3A_589, %swap3A_590], %swap3A_593 {strides = array<i32>} : memref<2x24x768xf32, #tpu.memory_space<vmem>>, vector<1x1x16xf32>,
      %add3A_594 = arith.constant 48 : i32
      %add3A_595 = arith.addi %mul3A_529, %add3A_594 : i32
      %get3A_596 = arith.constant 1 : i32
      %get3A_597 = arith.index_cast %get3A_596 : i32 to index
      %get3A_598 = arith.index_cast %select_n3A_512 : i32 to index
      %get3A_599 = arith.index_cast %add3A_595 : i32 to index
      %get3A_600 = tpu.vector_load %arg7[%get3A_597, %get3A_598, %get3A_599] {strides = array<i32>} : memref<2x24x768xf32, #tpu.memory_space<vmem>>, vector<1x1x16xf32>,
      %get3A_601 = vector.shape_cast %get3A_600 : vector<1x1x16xf32> to vector<16xf32>
      %get3A_602 = arith.constant 1 : i32
      %get3A_603 = arith.index_cast %get3A_602 : i32 to index
      %get3A_604 = arith.index_cast %select_n3A_512 : i32 to index
      %get3A_605 = arith.index_cast %add3A_595 : i32 to index
      %get3A_606 = tpu.vector_load %arg8[%get3A_603, %get3A_604, %get3A_605] {strides = array<i32>} : memref<2x24x768xf32, #tpu.memory_space<vmem>>, vector<1x1x16xf32>,
      %get3A_607 = vector.shape_cast %get3A_606 : vector<1x1x16xf32> to vector<16xf32>
      %add3A_608 = arith.addf %get3A_601, %get3A_607 : vector<16xf32>
      %swap3A_609 = arith.constant 1 : i32
      %swap3A_610 = arith.index_cast %swap3A_609 : i32 to index
      %swap3A_611 = arith.index_cast %select_n3A_512 : i32 to index
      %swap3A_612 = arith.index_cast %add3A_595 : i32 to index
      %swap3A_613 = tpu.vector_load %arg7[%swap3A_610, %swap3A_611, %swap3A_612] {strides = array<i32>} : memref<2x24x768xf32, #tpu.memory_space<vmem>>, vector<1x1x16xf32>,
      %swap3A_614 = vector.shape_cast %swap3A_613 : vector<1x1x16xf32> to vector<16xf32>
      %swap3A_615 = vector.shape_cast %add3A_608 : vector<16xf32> to vector<1x1x16xf32>
      tpu.vector_store %arg7[%swap3A_610, %swap3A_611, %swap3A_612], %swap3A_615 {strides = array<i32>} : memref<2x24x768xf32, #tpu.memory_space<vmem>>, vector<1x1x16xf32>,
      %add3A_616 = arith.constant 64 : i32
      %add3A_617 = arith.addi %mul3A_529, %add3A_616 : i32
      %get3A_618 = arith.constant 1 : i32
      %get3A_619 = arith.index_cast %get3A_618 : i32 to index
      %get3A_620 = arith.index_cast %select_n3A_512 : i32 to index
      %get3A_621 = arith.index_cast %add3A_617 : i32 to index
      %get3A_622 = tpu.vector_load %arg7[%get3A_619, %get3A_620, %get3A_621] {strides = array<i32>} : memref<2x24x768xf32, #tpu.memory_space<vmem>>, vector<1x1x16xf32>,
      %get3A_623 = vector.shape_cast %get3A_622 : vector<1x1x16xf32> to vector<16xf32>
      %get3A_624 = arith.constant 1 : i32
      %get3A_625 = arith.index_cast %get3A_624 : i32 to index
      %get3A_626 = arith.index_cast %select_n3A_512 : i32 to index
      %get3A_627 = arith.index_cast %add3A_617 : i32 to index
      %get3A_628 = tpu.vector_load %arg8[%get3A_625, %get3A_626, %get3A_627] {strides = array<i32>} : memref<2x24x768xf32, #tpu.memory_space<vmem>>, vector<1x1x16xf32>,
      %get3A_629 = vector.shape_cast %get3A_628 : vector<1x1x16xf32> to vector<16xf32>
      %add3A_630 = arith.addf %get3A_623, %get3A_629 : vector<16xf32>
      %swap3A_631 = arith.constant 1 : i32
      %swap3A_632 = arith.index_cast %swap3A_631 : i32 to index
      %swap3A_633 = arith.index_cast %select_n3A_512 : i32 to index
      %swap3A_634 = arith.index_cast %add3A_617 : i32 to index
      %swap3A_635 = tpu.vector_load %arg7[%swap3A_632, %swap3A_633, %swap3A_634] {strides = array<i32>} : memref<2x24x768xf32, #tpu.memory_space<vmem>>, vector<1x1x16xf32>,
      %swap3A_636 = vector.shape_cast %swap3A_635 : vector<1x1x16xf32> to vector<16xf32>
      %swap3A_637 = vector.shape_cast %add3A_630 : vector<16xf32> to vector<1x1x16xf32>
      tpu.vector_store %arg7[%swap3A_632, %swap3A_633, %swap3A_634], %swap3A_637 {strides = array<i32>} : memref<2x24x768xf32, #tpu.memory_space<vmem>>, vector<1x1x16xf32>,
      %add3A_638 = arith.constant 80 : i32
      %add3A_639 = arith.addi %mul3A_529, %add3A_638 : i32
      %get3A_640 = arith.constant 1 : i32
      %get3A_641 = arith.index_cast %get3A_640 : i32 to index
      %get3A_642 = arith.index_cast %select_n3A_512 : i32 to index
      %get3A_643 = arith.index_cast %add3A_639 : i32 to index
      %get3A_644 = tpu.vector_load %arg7[%get3A_641, %get3A_642, %get3A_643] {strides = array<i32>} : memref<2x24x768xf32, #tpu.memory_space<vmem>>, vector<1x1x16xf32>,
      %get3A_645 = vector.shape_cast %get3A_644 : vector<1x1x16xf32> to vector<16xf32>
      %get3A_646 = arith.constant 1 : i32
      %get3A_647 = arith.index_cast %get3A_646 : i32 to index
      %get3A_648 = arith.index_cast %select_n3A_512 : i32 to index
      %get3A_649 = arith.index_cast %add3A_639 : i32 to index
      %get3A_650 = tpu.vector_load %arg8[%get3A_647, %get3A_648, %get3A_649] {strides = array<i32>} : memref<2x24x768xf32, #tpu.memory_space<vmem>>, vector<1x1x16xf32>,
      %get3A_651 = vector.shape_cast %get3A_650 : vector<1x1x16xf32> to vector<16xf32>
      %add3A_652 = arith.addf %get3A_645, %get3A_651 : vector<16xf32>
      %swap3A_653 = arith.constant 1 : i32
      %swap3A_654 = arith.index_cast %swap3A_653 : i32 to index
      %swap3A_655 = arith.index_cast %select_n3A_512 : i32 to index
      %swap3A_656 = arith.index_cast %add3A_639 : i32 to index
      %swap3A_657 = tpu.vector_load %arg7[%swap3A_654, %swap3A_655, %swap3A_656] {strides = array<i32>} : memref<2x24x768xf32, #tpu.memory_space<vmem>>, vector<1x1x16xf32>,
      %swap3A_658 = vector.shape_cast %swap3A_657 : vector<1x1x16xf32> to vector<16xf32>
      %swap3A_659 = vector.shape_cast %add3A_652 : vector<16xf32> to vector<1x1x16xf32>
      tpu.vector_store %arg7[%swap3A_654, %swap3A_655, %swap3A_656], %swap3A_659 {strides = array<i32>} : memref<2x24x768xf32, #tpu.memory_space<vmem>>, vector<1x1x16xf32>,
      %add3A_660 = arith.constant 96 : i32
      %add3A_661 = arith.addi %mul3A_529, %add3A_660 : i32
      %get3A_662 = arith.constant 1 : i32
      %get3A_663 = arith.index_cast %get3A_662 : i32 to index
      %get3A_664 = arith.index_cast %select_n3A_512 : i32 to index
      %get3A_665 = arith.index_cast %add3A_661 : i32 to index
      %get3A_666 = tpu.vector_load %arg7[%get3A_663, %get3A_664, %get3A_665] {strides = array<i32>} : memref<2x24x768xf32, #tpu.memory_space<vmem>>, vector<1x1x16xf32>,
      %get3A_667 = vector.shape_cast %get3A_666 : vector<1x1x16xf32> to vector<16xf32>
      %get3A_668 = arith.constant 1 : i32
      %get3A_669 = arith.index_cast %get3A_668 : i32 to index
      %get3A_670 = arith.index_cast %select_n3A_512 : i32 to index
      %get3A_671 = arith.index_cast %add3A_661 : i32 to index
      %get3A_672 = tpu.vector_load %arg8[%get3A_669, %get3A_670, %get3A_671] {strides = array<i32>} : memref<2x24x768xf32, #tpu.memory_space<vmem>>, vector<1x1x16xf32>,
      %get3A_673 = vector.shape_cast %get3A_672 : vector<1x1x16xf32> to vector<16xf32>
      %add3A_674 = arith.addf %get3A_667, %get3A_673 : vector<16xf32>
      %swap3A_675 = arith.constant 1 : i32
      %swap3A_676 = arith.index_cast %swap3A_675 : i32 to index
      %swap3A_677 = arith.index_cast %select_n3A_512 : i32 to index
      %swap3A_678 = arith.index_cast %add3A_661 : i32 to index
      %swap3A_679 = tpu.vector_load %arg7[%swap3A_676, %swap3A_677, %swap3A_678] {strides = array<i32>} : memref<2x24x768xf32, #tpu.memory_space<vmem>>, vector<1x1x16xf32>,
      %swap3A_680 = vector.shape_cast %swap3A_679 : vector<1x1x16xf32> to vector<16xf32>
      %swap3A_681 = vector.shape_cast %add3A_674 : vector<16xf32> to vector<1x1x16xf32>
      tpu.vector_store %arg7[%swap3A_676, %swap3A_677, %swap3A_678], %swap3A_681 {strides = array<i32>} : memref<2x24x768xf32, #tpu.memory_space<vmem>>, vector<1x1x16xf32>,
      %add3A_682 = arith.constant 112 : i32
      %add3A_683 = arith.addi %mul3A_529, %add3A_682 : i32
      %get3A_684 = arith.constant 1 : i32
      %get3A_685 = arith.index_cast %get3A_684 : i32 to index
      %get3A_686 = arith.index_cast %select_n3A_512 : i32 to index
      %get3A_687 = arith.index_cast %add3A_683 : i32 to index
      %get3A_688 = tpu.vector_load %arg7[%get3A_685, %get3A_686, %get3A_687] {strides = array<i32>} : memref<2x24x768xf32, #tpu.memory_space<vmem>>, vector<1x1x16xf32>,
      %get3A_689 = vector.shape_cast %get3A_688 : vector<1x1x16xf32> to vector<16xf32>
      %get3A_690 = arith.constant 1 : i32
      %get3A_691 = arith.index_cast %get3A_690 : i32 to index
      %get3A_692 = arith.index_cast %select_n3A_512 : i32 to index
      %get3A_693 = arith.index_cast %add3A_683 : i32 to index
      %get3A_694 = tpu.vector_load %arg8[%get3A_691, %get3A_692, %get3A_693] {strides = array<i32>} : memref<2x24x768xf32, #tpu.memory_space<vmem>>, vector<1x1x16xf32>,
      %get3A_695 = vector.shape_cast %get3A_694 : vector<1x1x16xf32> to vector<16xf32>
      %add3A_696 = arith.addf %get3A_689, %get3A_695 : vector<16xf32>
      %swap3A_697 = arith.constant 1 : i32
      %swap3A_698 = arith.index_cast %swap3A_697 : i32 to index
      %swap3A_699 = arith.index_cast %select_n3A_512 : i32 to index
      %swap3A_700 = arith.index_cast %add3A_683 : i32 to index
      %swap3A_701 = tpu.vector_load %arg7[%swap3A_698, %swap3A_699, %swap3A_700] {strides = array<i32>} : memref<2x24x768xf32, #tpu.memory_space<vmem>>, vector<1x1x16xf32>,
      %swap3A_702 = vector.shape_cast %swap3A_701 : vector<1x1x16xf32> to vector<16xf32>
      %swap3A_703 = vector.shape_cast %add3A_696 : vector<16xf32> to vector<1x1x16xf32>
      tpu.vector_store %arg7[%swap3A_698, %swap3A_699, %swap3A_700], %swap3A_703 {strides = array<i32>} : memref<2x24x768xf32, #tpu.memory_space<vmem>>, vector<1x1x16xf32>,
    }
    %scan3A_327 = arith.constant 144 : i32
    %add3A_328 = arith.constant 72 : i32
    %add3A_329 = arith.addi %select_n3A, %add3A_328 : i32
    %dma_start3A_330 = arith.constant 1 : i32
    %dma_start3A_331 = arith.constant 0 : i32
    %dma_start3A_332 = arith.constant 0 : i32
    %dma_start3A_333 = tpu.memref_slice %arg7[%dma_start3A_330, %dma_start3A_331, %dma_start3A_332] : memref<2x24x768xf32, #tpu.memory_space<vmem>> -> memref<1x24x768xf32, #tpu.memory_space<vmem>>
    %dma_start3A_334 = tpu.memref_squeeze %dma_start3A_333 : memref<1x24x768xf32, #tpu.memory_space<vmem>> -> memref<24x768xf32, #tpu.memory_space<vmem>>
    %dma_start3A_335 = arith.constant 0 : i32
    %dma_start3A_336 = tpu.memref_slice %arg5[%add3A_329, %dma_start3A_335] : memref<4672x768xf32, #tpu.memory_space<hbm>> -> memref<24x768xf32, #tpu.memory_space<hbm>>
    %dma_start3A_337 = arith.constant 0 : i32
    %dma_start3A_338 = tpu.memref_slice %arg5[%add3A_329, %dma_start3A_337] : memref<4672x768xf32, #tpu.memory_space<hbm>> -> memref<24x768xf32, #tpu.memory_space<hbm>>
    %dma_start3A_339 = arith.constant 0 : i32
    %dma_start3A_340 = arith.constant 0 : i32
    %dma_start3A_341 = tpu.memref_slice %arg7[%dma_start3A_330, %dma_start3A_339, %dma_start3A_340] : memref<2x24x768xf32, #tpu.memory_space<vmem>> -> memref<1x24x768xf32, #tpu.memory_space<vmem>>
    %dma_start3A_342 = tpu.memref_squeeze %dma_start3A_341 : memref<1x24x768xf32, #tpu.memory_space<vmem>> -> memref<24x768xf32, #tpu.memory_space<vmem>>
    tpu.enqueue_dma source(%dma_start3A_342 : memref<24x768xf32, #tpu.memory_space<vmem>>) target(%dma_start3A_338 : memref<24x768xf32, #tpu.memory_space<hbm>>) target_semaphore(%arg14 : memref<!tpu.dma_semaphore, #tpu.memory_space<semaphore_mem>>)
    %dma_wait3A_343 = arith.constant 1 : i32
    %dma_wait3A_344 = arith.constant 0 : i32
    %dma_wait3A_345 = arith.constant 0 : i32
    %dma_wait3A_346 = tpu.memref_slice %arg7[%dma_wait3A_343, %dma_wait3A_344, %dma_wait3A_345] : memref<2x24x768xf32, #tpu.memory_space<vmem>> -> memref<1x24x768xf32, #tpu.memory_space<vmem>>
    %dma_wait3A_347 = tpu.memref_squeeze %dma_wait3A_346 : memref<1x24x768xf32, #tpu.memory_space<vmem>> -> memref<24x768xf32, #tpu.memory_space<vmem>>
    %dma_wait3A_348 = arith.constant 0 : i32
    %dma_wait3A_349 = tpu.memref_slice %arg5[%add3A_329, %dma_wait3A_348] : memref<4672x768xf32, #tpu.memory_space<hbm>> -> memref<24x768xf32, #tpu.memory_space<hbm>>
    %dma_wait3A_350 = arith.constant 0 : i32
    %dma_wait3A_351 = tpu.memref_slice %arg5[%add3A_329, %dma_wait3A_350] : memref<4672x768xf32, #tpu.memory_space<hbm>> -> memref<24x768xf32, #tpu.memory_space<hbm>>
    %dma_wait3A_352 = arith.constant 0 : i32
    %dma_wait3A_353 = arith.constant 0 : i32
    %dma_wait3A_354 = tpu.memref_slice %arg7[%dma_wait3A_343, %dma_wait3A_352, %dma_wait3A_353] : memref<2x24x768xf32, #tpu.memory_space<vmem>> -> memref<1x24x768xf32, #tpu.memory_space<vmem>>
    %dma_wait3A_355 = tpu.memref_squeeze %dma_wait3A_354 : memref<1x24x768xf32, #tpu.memory_space<vmem>> -> memref<24x768xf32, #tpu.memory_space<vmem>>
    tpu.wait_dma2 semaphore(%arg14 : memref<!tpu.dma_semaphore, #tpu.memory_space<semaphore_mem>>) src(%dma_wait3A_355 : memref<24x768xf32, #tpu.memory_space<vmem>>) dst(%dma_wait3A_351 : memref<24x768xf32, #tpu.memory_space<hbm>>)
    %add3A_356 = arith.constant 120 : i32
    %add3A_357 = arith.addi %select_n3A, %add3A_356 : i32
    %dma_start3A_358 = arith.constant 1 : i32
    %dma_start3A_359 = arith.constant 0 : i32
    %dma_start3A_360 = arith.constant 0 : i32
    %dma_start3A_361 = tpu.memref_slice %arg7[%dma_start3A_358, %dma_start3A_359, %dma_start3A_360] : memref<2x24x768xf32, #tpu.memory_space<vmem>> -> memref<1x24x768xf32, #tpu.memory_space<vmem>>
    %dma_start3A_362 = tpu.memref_squeeze %dma_start3A_361 : memref<1x24x768xf32, #tpu.memory_space<vmem>> -> memref<24x768xf32, #tpu.memory_space<vmem>>
    %dma_start3A_363 = arith.constant 0 : i32
    %dma_start3A_364 = tpu.memref_slice %arg3[%add3A_357, %dma_start3A_363] : memref<4672x768xf32, #tpu.memory_space<hbm>> -> memref<24x768xf32, #tpu.memory_space<hbm>>
    %dma_start3A_365 = arith.constant 0 : i32
    %dma_start3A_366 = arith.constant 0 : i32
    %dma_start3A_367 = tpu.memref_slice %arg7[%dma_start3A_358, %dma_start3A_365, %dma_start3A_366] : memref<2x24x768xf32, #tpu.memory_space<vmem>> -> memref<1x24x768xf32, #tpu.memory_space<vmem>>
    %dma_start3A_368 = tpu.memref_squeeze %dma_start3A_367 : memref<1x24x768xf32, #tpu.memory_space<vmem>> -> memref<24x768xf32, #tpu.memory_space<vmem>>
    %dma_start3A_369 = arith.constant 0 : i32
    %dma_start3A_370 = tpu.memref_slice %arg3[%add3A_357, %dma_start3A_369] : memref<4672x768xf32, #tpu.memory_space<hbm>> -> memref<24x768xf32, #tpu.memory_space<hbm>>
    tpu.enqueue_dma source(%dma_start3A_370 : memref<24x768xf32, #tpu.memory_space<hbm>>) target(%dma_start3A_368 : memref<24x768xf32, #tpu.memory_space<vmem>>) target_semaphore(%arg10 : memref<!tpu.dma_semaphore, #tpu.memory_space<semaphore_mem>>)
    %dma_start3A_371 = arith.constant 1 : i32
    %dma_start3A_372 = arith.constant 0 : i32
    %dma_start3A_373 = arith.constant 0 : i32
    %dma_start3A_374 = tpu.memref_slice %arg8[%dma_start3A_371, %dma_start3A_372, %dma_start3A_373] : memref<2x24x768xf32, #tpu.memory_space<vmem>> -> memref<1x24x768xf32, #tpu.memory_space<vmem>>
    %dma_start3A_375 = tpu.memref_squeeze %dma_start3A_374 : memref<1x24x768xf32, #tpu.memory_space<vmem>> -> memref<24x768xf32, #tpu.memory_space<vmem>>
    %dma_start3A_376 = arith.constant 120 : i32
    %dma_start3A_377 = tpu.memref_slice %arg6[%dma_start3A_376] : memref<152xi32, #tpu.memory_space<vmem>> -> memref<24xi32, #tpu.memory_space<vmem>>
    %dma_start3A_378 = arith.constant 0 : i32
    %dma_start3A_379 = arith.constant 0 : i32
    %dma_start3A_380 = tpu.memref_slice %arg2[%dma_start3A_378, %dma_start3A_379] : memref<4672x768xf32, #tpu.memory_space<hbm>> -> memref<4672x768xf32, #tpu.memory_space<hbm>>
    tpu.enqueue_indirect_dma source(%dma_start3A_380 : memref<4672x768xf32, #tpu.memory_space<hbm>>) target(%dma_start3A_375 : memref<24x768xf32, #tpu.memory_space<vmem>>) offsets(%dma_start3A_377 : memref<24xi32, #tpu.memory_space<vmem>>) semaphore(%arg12 : memref<!tpu.dma_semaphore, #tpu.memory_space<semaphore_mem>>)
    %dma_wait3A_381 = arith.constant 0 : i32
    %dma_wait3A_382 = arith.constant 0 : i32
    %dma_wait3A_383 = arith.constant 0 : i32
    %dma_wait3A_384 = tpu.memref_slice %arg7[%dma_wait3A_381, %dma_wait3A_382, %dma_wait3A_383] : memref<2x24x768xf32, #tpu.memory_space<vmem>> -> memref<1x24x768xf32, #tpu.memory_space<vmem>>
    %dma_wait3A_385 = tpu.memref_squeeze %dma_wait3A_384 : memref<1x24x768xf32, #tpu.memory_space<vmem>> -> memref<24x768xf32, #tpu.memory_space<vmem>>
    %dma_wait3A_386 = arith.constant 0 : i32
    %dma_wait3A_387 = tpu.memref_slice %arg3[%add3A_276, %dma_wait3A_386] : memref<4672x768xf32, #tpu.memory_space<hbm>> -> memref<24x768xf32, #tpu.memory_space<hbm>>
    %dma_wait3A_388 = arith.constant 0 : i32
    %dma_wait3A_389 = arith.constant 0 : i32
    %dma_wait3A_390 = tpu.memref_slice %arg7[%dma_wait3A_381, %dma_wait3A_388, %dma_wait3A_389] : memref<2x24x768xf32, #tpu.memory_space<vmem>> -> memref<1x24x768xf32, #tpu.memory_space<vmem>>
    %dma_wait3A_391 = tpu.memref_squeeze %dma_wait3A_390 : memref<1x24x768xf32, #tpu.memory_space<vmem>> -> memref<24x768xf32, #tpu.memory_space<vmem>>
    %dma_wait3A_392 = arith.constant 0 : i32
    %dma_wait3A_393 = tpu.memref_slice %arg3[%add3A_276, %dma_wait3A_392] : memref<4672x768xf32, #tpu.memory_space<hbm>> -> memref<24x768xf32, #tpu.memory_space<hbm>>
    tpu.wait_dma2 semaphore(%arg9 : memref<!tpu.dma_semaphore, #tpu.memory_space<semaphore_mem>>) src(%dma_wait3A_393 : memref<24x768xf32, #tpu.memory_space<hbm>>) dst(%dma_wait3A_391 : memref<24x768xf32, #tpu.memory_space<vmem>>)
    %dma_wait3A_394 = arith.constant 0 : i32
    %dma_wait3A_395 = arith.constant 0 : i32
    %dma_wait3A_396 = arith.constant 0 : i32
    %dma_wait3A_397 = tpu.memref_slice %arg8[%dma_wait3A_394, %dma_wait3A_395, %dma_wait3A_396] : memref<2x24x768xf32, #tpu.memory_space<vmem>> -> memref<1x24x768xf32, #tpu.memory_space<vmem>>
    %dma_wait3A_398 = tpu.memref_squeeze %dma_wait3A_397 : memref<1x24x768xf32, #tpu.memory_space<vmem>> -> memref<24x768xf32, #tpu.memory_space<vmem>>
    %dma_wait3A_399 = arith.constant 96 : i32
    %dma_wait3A_400 = tpu.memref_slice %arg6[%dma_wait3A_399] : memref<152xi32, #tpu.memory_space<vmem>> -> memref<24xi32, #tpu.memory_space<vmem>>
    %dma_wait3A_401 = arith.constant 0 : i32
    %dma_wait3A_402 = arith.constant 0 : i32
    %dma_wait3A_403 = tpu.memref_slice %arg2[%dma_wait3A_401, %dma_wait3A_402] : memref<4672x768xf32, #tpu.memory_space<hbm>> -> memref<4672x768xf32, #tpu.memory_space<hbm>>
    tpu.wait_indirect_dma semaphore(%arg11 : memref<!tpu.dma_semaphore, #tpu.memory_space<semaphore_mem>>) src(%dma_wait3A_403 : memref<4672x768xf32, #tpu.memory_space<hbm>>) dst(%dma_wait3A_398 : memref<24x768xf32, #tpu.memory_space<vmem>>)
    %scan3A_404 = arith.constant 0 : i32
    %scan3A_405 = arith.constant 144 : i32
    %scan3A_406 = arith.addi %scan3A_404, %scan3A_405 : i32
    %scan3A_407 = arith.constant 1 : i32
    scf.for %scan3A_494 = %scan3A_404 to %scan3A_406 step %scan3A_407  : i32 {
      %jit3A = arith.constant 6 : i32
      %div3A = arith.divsi %scan3A_494, %jit3A : i32
      %sign3A = arith.constant 0 : i32
      %sign3A_495 = arith.cmpi sgt, %scan3A_494, %sign3A : i32
      %sign3A_496 = arith.extui %sign3A_495 : i1 to i32
      %sign3A_497 = arith.constant 0 : i32
      %sign3A_498 = arith.cmpi slt, %scan3A_494, %sign3A_497 : i32
      %sign3A_499 = arith.extui %sign3A_498 : i1 to i32
      %sign3A_500 = arith.subi %sign3A_496, %sign3A_499 : i32
      %sign3A_501 = arith.constant 0 : i32
      %sign3A_502 = arith.cmpi sgt, %jit3A, %sign3A_501 : i32
      %sign3A_503 = arith.extui %sign3A_502 : i1 to i32
      %sign3A_504 = arith.constant 0 : i32
      %sign3A_505 = arith.cmpi slt, %jit3A, %sign3A_504 : i32
      %sign3A_506 = arith.extui %sign3A_505 : i1 to i32
      %sign3A_507 = arith.subi %sign3A_503, %sign3A_506 : i32
      %ne3A = arith.cmpi ne, %sign3A_500, %sign3A_507 : i32
      %rem3A = arith.remsi %scan3A_494, %jit3A : i32
      %ne3A_508 = arith.constant 0 : i32
      %ne3A_509 = arith.cmpi ne, %rem3A, %ne3A_508 : i32
      %and3A = arith.andi %ne3A, %ne3A_509 : i1
      %sub3A_510 = arith.constant 1 : i32
      %sub3A_511 = arith.subi %div3A, %sub3A_510 : i32
      %select_n3A_512 = arith.select %and3A, %sub3A_511, %div3A : i32
      %jit3A_513 = arith.constant 6 : i32
      %eq3A = arith.constant 0 : i32
      %eq3A_514 = arith.cmpi eq, %jit3A_513, %eq3A : i32
      %jit3A_515 = arith.constant 1 : i32
      %select_n3A_516 = arith.select %eq3A_514, %jit3A_515, %jit3A_513 : i32
      %rem3A_517 = arith.remsi %scan3A_494, %select_n3A_516 : i32
      %ne3A_518 = arith.constant 0 : i32
      %ne3A_519 = arith.cmpi ne, %rem3A_517, %ne3A_518 : i32
      %lt3A_520 = arith.constant 0 : i32
      %lt3A_521 = arith.cmpi slt, %rem3A_517, %lt3A_520 : i32
      %lt3A_522 = arith.constant 0 : i32
      %lt3A_523 = arith.cmpi slt, %select_n3A_516, %lt3A_522 : i32
      %ne3A_524 = arith.xori %lt3A_521, %lt3A_523 : i1
      %and3A_525 = arith.andi %ne3A_524, %ne3A_519 : i1
      %add3A_526 = arith.addi %rem3A_517, %select_n3A_516 : i32
      %select_n3A_527 = arith.select %and3A_525, %add3A_526, %rem3A_517 : i32
      %mul3A_528 = arith.constant 128 : i32
      %mul3A_529 = arith.muli %select_n3A_527, %mul3A_528 : i32
      %add3A_530 = arith.constant 0 : i32
      %add3A_531 = arith.addi %mul3A_529, %add3A_530 : i32
      %get3A = arith.constant 0 : i32
      %get3A_532 = arith.index_cast %get3A : i32 to index
      %get3A_533 = arith.index_cast %select_n3A_512 : i32 to index
      %get3A_534 = arith.index_cast %add3A_531 : i32 to index
      %get3A_535 = tpu.vector_load %arg7[%get3A_532, %get3A_533, %get3A_534] {strides = array<i32>} : memref<2x24x768xf32, #tpu.memory_space<vmem>>, vector<1x1x16xf32>,
      %get3A_536 = vector.shape_cast %get3A_535 : vector<1x1x16xf32> to vector<16xf32>
      %get3A_537 = arith.constant 0 : i32
      %get3A_538 = arith.index_cast %get3A_537 : i32 to index
      %get3A_539 = arith.index_cast %select_n3A_512 : i32 to index
      %get3A_540 = arith.index_cast %add3A_531 : i32 to index
      %get3A_541 = tpu.vector_load %arg8[%get3A_538, %get3A_539, %get3A_540] {strides = array<i32>} : memref<2x24x768xf32, #tpu.memory_space<vmem>>, vector<1x1x16xf32>,
      %get3A_542 = vector.shape_cast %get3A_541 : vector<1x1x16xf32> to vector<16xf32>
      %add3A_543 = arith.addf %get3A_536, %get3A_542 : vector<16xf32>
      %swap3A = arith.constant 0 : i32
      %swap3A_544 = arith.index_cast %swap3A : i32 to index
      %swap3A_545 = arith.index_cast %select_n3A_512 : i32 to index
      %swap3A_546 = arith.index_cast %add3A_531 : i32 to index
      %swap3A_547 = tpu.vector_load %arg7[%swap3A_544, %swap3A_545, %swap3A_546] {strides = array<i32>} : memref<2x24x768xf32, #tpu.memory_space<vmem>>, vector<1x1x16xf32>,
      %swap3A_548 = vector.shape_cast %swap3A_547 : vector<1x1x16xf32> to vector<16xf32>
      %swap3A_549 = vector.shape_cast %add3A_543 : vector<16xf32> to vector<1x1x16xf32>
      tpu.vector_store %arg7[%swap3A_544, %swap3A_545, %swap3A_546], %swap3A_549 {strides = array<i32>} : memref<2x24x768xf32, #tpu.memory_space<vmem>>, vector<1x1x16xf32>,
      %add3A_550 = arith.constant 16 : i32
      %add3A_551 = arith.addi %mul3A_529, %add3A_550 : i32
      %get3A_552 = arith.constant 0 : i32
      %get3A_553 = arith.index_cast %get3A_552 : i32 to index
      %get3A_554 = arith.index_cast %select_n3A_512 : i32 to index
      %get3A_555 = arith.index_cast %add3A_551 : i32 to index
      %get3A_556 = tpu.vector_load %arg7[%get3A_553, %get3A_554, %get3A_555] {strides = array<i32>} : memref<2x24x768xf32, #tpu.memory_space<vmem>>, vector<1x1x16xf32>,
      %get3A_557 = vector.shape_cast %get3A_556 : vector<1x1x16xf32> to vector<16xf32>
      %get3A_558 = arith.constant 0 : i32
      %get3A_559 = arith.index_cast %get3A_558 : i32 to index
      %get3A_560 = arith.index_cast %select_n3A_512 : i32 to index
      %get3A_561 = arith.index_cast %add3A_551 : i32 to index
      %get3A_562 = tpu.vector_load %arg8[%get3A_559, %get3A_560, %get3A_561] {strides = array<i32>} : memref<2x24x768xf32, #tpu.memory_space<vmem>>, vector<1x1x16xf32>,
      %get3A_563 = vector.shape_cast %get3A_562 : vector<1x1x16xf32> to vector<16xf32>
      %add3A_564 = arith.addf %get3A_557, %get3A_563 : vector<16xf32>
      %swap3A_565 = arith.constant 0 : i32
      %swap3A_566 = arith.index_cast %swap3A_565 : i32 to index
      %swap3A_567 = arith.index_cast %select_n3A_512 : i32 to index
      %swap3A_568 = arith.index_cast %add3A_551 : i32 to index
      %swap3A_569 = tpu.vector_load %arg7[%swap3A_566, %swap3A_567, %swap3A_568] {strides = array<i32>} : memref<2x24x768xf32, #tpu.memory_space<vmem>>, vector<1x1x16xf32>,
      %swap3A_570 = vector.shape_cast %swap3A_569 : vector<1x1x16xf32> to vector<16xf32>
      %swap3A_571 = vector.shape_cast %add3A_564 : vector<16xf32> to vector<1x1x16xf32>
      tpu.vector_store %arg7[%swap3A_566, %swap3A_567, %swap3A_568], %swap3A_571 {strides = array<i32>} : memref<2x24x768xf32, #tpu.memory_space<vmem>>, vector<1x1x16xf32>,
      %add3A_572 = arith.constant 32 : i32
      %add3A_573 = arith.addi %mul3A_529, %add3A_572 : i32
      %get3A_574 = arith.constant 0 : i32
      %get3A_575 = arith.index_cast %get3A_574 : i32 to index
      %get3A_576 = arith.index_cast %select_n3A_512 : i32 to index
      %get3A_577 = arith.index_cast %add3A_573 : i32 to index
      %get3A_578 = tpu.vector_load %arg7[%get3A_575, %get3A_576, %get3A_577] {strides = array<i32>} : memref<2x24x768xf32, #tpu.memory_space<vmem>>, vector<1x1x16xf32>,
      %get3A_579 = vector.shape_cast %get3A_578 : vector<1x1x16xf32> to vector<16xf32>
      %get3A_580 = arith.constant 0 : i32
      %get3A_581 = arith.index_cast %get3A_580 : i32 to index
      %get3A_582 = arith.index_cast %select_n3A_512 : i32 to index
      %get3A_583 = arith.index_cast %add3A_573 : i32 to index
      %get3A_584 = tpu.vector_load %arg8[%get3A_581, %get3A_582, %get3A_583] {strides = array<i32>} : memref<2x24x768xf32, #tpu.memory_space<vmem>>, vector<1x1x16xf32>,
      %get3A_585 = vector.shape_cast %get3A_584 : vector<1x1x16xf32> to vector<16xf32>
      %add3A_586 = arith.addf %get3A_579, %get3A_585 : vector<16xf32>
      %swap3A_587 = arith.constant 0 : i32
      %swap3A_588 = arith.index_cast %swap3A_587 : i32 to index
      %swap3A_589 = arith.index_cast %select_n3A_512 : i32 to index
      %swap3A_590 = arith.index_cast %add3A_573 : i32 to index
      %swap3A_591 = tpu.vector_load %arg7[%swap3A_588, %swap3A_589, %swap3A_590] {strides = array<i32>} : memref<2x24x768xf32, #tpu.memory_space<vmem>>, vector<1x1x16xf32>,
      %swap3A_592 = vector.shape_cast %swap3A_591 : vector<1x1x16xf32> to vector<16xf32>
      %swap3A_593 = vector.shape_cast %add3A_586 : vector<16xf32> to vector<1x1x16xf32>
      tpu.vector_store %arg7[%swap3A_588, %swap3A_589, %swap3A_590], %swap3A_593 {strides = array<i32>} : memref<2x24x768xf32, #tpu.memory_space<vmem>>, vector<1x1x16xf32>,
      %add3A_594 = arith.constant 48 : i32
      %add3A_595 = arith.addi %mul3A_529, %add3A_594 : i32
      %get3A_596 = arith.constant 0 : i32
      %get3A_597 = arith.index_cast %get3A_596 : i32 to index
      %get3A_598 = arith.index_cast %select_n3A_512 : i32 to index
      %get3A_599 = arith.index_cast %add3A_595 : i32 to index
      %get3A_600 = tpu.vector_load %arg7[%get3A_597, %get3A_598, %get3A_599] {strides = array<i32>} : memref<2x24x768xf32, #tpu.memory_space<vmem>>, vector<1x1x16xf32>,
      %get3A_601 = vector.shape_cast %get3A_600 : vector<1x1x16xf32> to vector<16xf32>
      %get3A_602 = arith.constant 0 : i32
      %get3A_603 = arith.index_cast %get3A_602 : i32 to index
      %get3A_604 = arith.index_cast %select_n3A_512 : i32 to index
      %get3A_605 = arith.index_cast %add3A_595 : i32 to index
      %get3A_606 = tpu.vector_load %arg8[%get3A_603, %get3A_604, %get3A_605] {strides = array<i32>} : memref<2x24x768xf32, #tpu.memory_space<vmem>>, vector<1x1x16xf32>,
      %get3A_607 = vector.shape_cast %get3A_606 : vector<1x1x16xf32> to vector<16xf32>
      %add3A_608 = arith.addf %get3A_601, %get3A_607 : vector<16xf32>
      %swap3A_609 = arith.constant 0 : i32
      %swap3A_610 = arith.index_cast %swap3A_609 : i32 to index
      %swap3A_611 = arith.index_cast %select_n3A_512 : i32 to index
      %swap3A_612 = arith.index_cast %add3A_595 : i32 to index
      %swap3A_613 = tpu.vector_load %arg7[%swap3A_610, %swap3A_611, %swap3A_612] {strides = array<i32>} : memref<2x24x768xf32, #tpu.memory_space<vmem>>, vector<1x1x16xf32>,
      %swap3A_614 = vector.shape_cast %swap3A_613 : vector<1x1x16xf32> to vector<16xf32>
      %swap3A_615 = vector.shape_cast %add3A_608 : vector<16xf32> to vector<1x1x16xf32>
      tpu.vector_store %arg7[%swap3A_610, %swap3A_611, %swap3A_612], %swap3A_615 {strides = array<i32>} : memref<2x24x768xf32, #tpu.memory_space<vmem>>, vector<1x1x16xf32>,
      %add3A_616 = arith.constant 64 : i32
      %add3A_617 = arith.addi %mul3A_529, %add3A_616 : i32
      %get3A_618 = arith.constant 0 : i32
      %get3A_619 = arith.index_cast %get3A_618 : i32 to index
      %get3A_620 = arith.index_cast %select_n3A_512 : i32 to index
      %get3A_621 = arith.index_cast %add3A_617 : i32 to index
      %get3A_622 = tpu.vector_load %arg7[%get3A_619, %get3A_620, %get3A_621] {strides = array<i32>} : memref<2x24x768xf32, #tpu.memory_space<vmem>>, vector<1x1x16xf32>,
      %get3A_623 = vector.shape_cast %get3A_622 : vector<1x1x16xf32> to vector<16xf32>
      %get3A_624 = arith.constant 0 : i32
      %get3A_625 = arith.index_cast %get3A_624 : i32 to index
      %get3A_626 = arith.index_cast %select_n3A_512 : i32 to index
      %get3A_627 = arith.index_cast %add3A_617 : i32 to index
      %get3A_628 = tpu.vector_load %arg8[%get3A_625, %get3A_626, %get3A_627] {strides = array<i32>} : memref<2x24x768xf32, #tpu.memory_space<vmem>>, vector<1x1x16xf32>,
      %get3A_629 = vector.shape_cast %get3A_628 : vector<1x1x16xf32> to vector<16xf32>
      %add3A_630 = arith.addf %get3A_623, %get3A_629 : vector<16xf32>
      %swap3A_631 = arith.constant 0 : i32
      %swap3A_632 = arith.index_cast %swap3A_631 : i32 to index
      %swap3A_633 = arith.index_cast %select_n3A_512 : i32 to index
      %swap3A_634 = arith.index_cast %add3A_617 : i32 to index
      %swap3A_635 = tpu.vector_load %arg7[%swap3A_632, %swap3A_633, %swap3A_634] {strides = array<i32>} : memref<2x24x768xf32, #tpu.memory_space<vmem>>, vector<1x1x16xf32>,
      %swap3A_636 = vector.shape_cast %swap3A_635 : vector<1x1x16xf32> to vector<16xf32>
      %swap3A_637 = vector.shape_cast %add3A_630 : vector<16xf32> to vector<1x1x16xf32>
      tpu.vector_store %arg7[%swap3A_632, %swap3A_633, %swap3A_634], %swap3A_637 {strides = array<i32>} : memref<2x24x768xf32, #tpu.memory_space<vmem>>, vector<1x1x16xf32>,
      %add3A_638 = arith.constant 80 : i32
      %add3A_639 = arith.addi %mul3A_529, %add3A_638 : i32
      %get3A_640 = arith.constant 0 : i32
      %get3A_641 = arith.index_cast %get3A_640 : i32 to index
      %get3A_642 = arith.index_cast %select_n3A_512 : i32 to index
      %get3A_643 = arith.index_cast %add3A_639 : i32 to index
      %get3A_644 = tpu.vector_load %arg7[%get3A_641, %get3A_642, %get3A_643] {strides = array<i32>} : memref<2x24x768xf32, #tpu.memory_space<vmem>>, vector<1x1x16xf32>,
      %get3A_645 = vector.shape_cast %get3A_644 : vector<1x1x16xf32> to vector<16xf32>
      %get3A_646 = arith.constant 0 : i32
      %get3A_647 = arith.index_cast %get3A_646 : i32 to index
      %get3A_648 = arith.index_cast %select_n3A_512 : i32 to index
      %get3A_649 = arith.index_cast %add3A_639 : i32 to index
      %get3A_650 = tpu.vector_load %arg8[%get3A_647, %get3A_648, %get3A_649] {strides = array<i32>} : memref<2x24x768xf32, #tpu.memory_space<vmem>>, vector<1x1x16xf32>,
      %get3A_651 = vector.shape_cast %get3A_650 : vector<1x1x16xf32> to vector<16xf32>
      %add3A_652 = arith.addf %get3A_645, %get3A_651 : vector<16xf32>
      %swap3A_653 = arith.constant 0 : i32
      %swap3A_654 = arith.index_cast %swap3A_653 : i32 to index
      %swap3A_655 = arith.index_cast %select_n3A_512 : i32 to index
      %swap3A_656 = arith.index_cast %add3A_639 : i32 to index
      %swap3A_657 = tpu.vector_load %arg7[%swap3A_654, %swap3A_655, %swap3A_656] {strides = array<i32>} : memref<2x24x768xf32, #tpu.memory_space<vmem>>, vector<1x1x16xf32>,
      %swap3A_658 = vector.shape_cast %swap3A_657 : vector<1x1x16xf32> to vector<16xf32>
      %swap3A_659 = vector.shape_cast %add3A_652 : vector<16xf32> to vector<1x1x16xf32>
      tpu.vector_store %arg7[%swap3A_654, %swap3A_655, %swap3A_656], %swap3A_659 {strides = array<i32>} : memref<2x24x768xf32, #tpu.memory_space<vmem>>, vector<1x1x16xf32>,
      %add3A_660 = arith.constant 96 : i32
      %add3A_661 = arith.addi %mul3A_529, %add3A_660 : i32
      %get3A_662 = arith.constant 0 : i32
      %get3A_663 = arith.index_cast %get3A_662 : i32 to index
      %get3A_664 = arith.index_cast %select_n3A_512 : i32 to index
      %get3A_665 = arith.index_cast %add3A_661 : i32 to index
      %get3A_666 = tpu.vector_load %arg7[%get3A_663, %get3A_664, %get3A_665] {strides = array<i32>} : memref<2x24x768xf32, #tpu.memory_space<vmem>>, vector<1x1x16xf32>,
      %get3A_667 = vector.shape_cast %get3A_666 : vector<1x1x16xf32> to vector<16xf32>
      %get3A_668 = arith.constant 0 : i32
      %get3A_669 = arith.index_cast %get3A_668 : i32 to index
      %get3A_670 = arith.index_cast %select_n3A_512 : i32 to index
      %get3A_671 = arith.index_cast %add3A_661 : i32 to index
      %get3A_672 = tpu.vector_load %arg8[%get3A_669, %get3A_670, %get3A_671] {strides = array<i32>} : memref<2x24x768xf32, #tpu.memory_space<vmem>>, vector<1x1x16xf32>,
      %get3A_673 = vector.shape_cast %get3A_672 : vector<1x1x16xf32> to vector<16xf32>
      %add3A_674 = arith.addf %get3A_667, %get3A_673 : vector<16xf32>
      %swap3A_675 = arith.constant 0 : i32
      %swap3A_676 = arith.index_cast %swap3A_675 : i32 to index
      %swap3A_677 = arith.index_cast %select_n3A_512 : i32 to index
      %swap3A_678 = arith.index_cast %add3A_661 : i32 to index
      %swap3A_679 = tpu.vector_load %arg7[%swap3A_676, %swap3A_677, %swap3A_678] {strides = array<i32>} : memref<2x24x768xf32, #tpu.memory_space<vmem>>, vector<1x1x16xf32>,
      %swap3A_680 = vector.shape_cast %swap3A_679 : vector<1x1x16xf32> to vector<16xf32>
      %swap3A_681 = vector.shape_cast %add3A_674 : vector<16xf32> to vector<1x1x16xf32>
      tpu.vector_store %arg7[%swap3A_676, %swap3A_677, %swap3A_678], %swap3A_681 {strides = array<i32>} : memref<2x24x768xf32, #tpu.memory_space<vmem>>, vector<1x1x16xf32>,
      %add3A_682 = arith.constant 112 : i32
      %add3A_683 = arith.addi %mul3A_529, %add3A_682 : i32
      %get3A_684 = arith.constant 0 : i32
      %get3A_685 = arith.index_cast %get3A_684 : i32 to index
      %get3A_686 = arith.index_cast %select_n3A_512 : i32 to index
      %get3A_687 = arith.index_cast %add3A_683 : i32 to index
      %get3A_688 = tpu.vector_load %arg7[%get3A_685, %get3A_686, %get3A_687] {strides = array<i32>} : memref<2x24x768xf32, #tpu.memory_space<vmem>>, vector<1x1x16xf32>,
      %get3A_689 = vector.shape_cast %get3A_688 : vector<1x1x16xf32> to vector<16xf32>
      %get3A_690 = arith.constant 0 : i32
      %get3A_691 = arith.index_cast %get3A_690 : i32 to index
      %get3A_692 = arith.index_cast %select_n3A_512 : i32 to index
      %get3A_693 = arith.index_cast %add3A_683 : i32 to index
      %get3A_694 = tpu.vector_load %arg8[%get3A_691, %get3A_692, %get3A_693] {strides = array<i32>} : memref<2x24x768xf32, #tpu.memory_space<vmem>>, vector<1x1x16xf32>,
      %get3A_695 = vector.shape_cast %get3A_694 : vector<1x1x16xf32> to vector<16xf32>
      %add3A_696 = arith.addf %get3A_689, %get3A_695 : vector<16xf32>
      %swap3A_697 = arith.constant 0 : i32
      %swap3A_698 = arith.index_cast %swap3A_697 : i32 to index
      %swap3A_699 = arith.index_cast %select_n3A_512 : i32 to index
      %swap3A_700 = arith.index_cast %add3A_683 : i32 to index
      %swap3A_701 = tpu.vector_load %arg7[%swap3A_698, %swap3A_699, %swap3A_700] {strides = array<i32>} : memref<2x24x768xf32, #tpu.memory_space<vmem>>, vector<1x1x16xf32>,
      %swap3A_702 = vector.shape_cast %swap3A_701 : vector<1x1x16xf32> to vector<16xf32>
      %swap3A_703 = vector.shape_cast %add3A_696 : vector<16xf32> to vector<1x1x16xf32>
      tpu.vector_store %arg7[%swap3A_698, %swap3A_699, %swap3A_700], %swap3A_703 {strides = array<i32>} : memref<2x24x768xf32, #tpu.memory_space<vmem>>, vector<1x1x16xf32>,
    }
    %scan3A_408 = arith.constant 144 : i32
    %add3A_409 = arith.constant 96 : i32
    %add3A_410 = arith.addi %select_n3A, %add3A_409 : i32
    %dma_start3A_411 = arith.constant 0 : i32
    %dma_start3A_412 = arith.constant 0 : i32
    %dma_start3A_413 = arith.constant 0 : i32
    %dma_start3A_414 = tpu.memref_slice %arg7[%dma_start3A_411, %dma_start3A_412, %dma_start3A_413] : memref<2x24x768xf32, #tpu.memory_space<vmem>> -> memref<1x24x768xf32, #tpu.memory_space<vmem>>
    %dma_start3A_415 = tpu.memref_squeeze %dma_start3A_414 : memref<1x24x768xf32, #tpu.memory_space<vmem>> -> memref<24x768xf32, #tpu.memory_space<vmem>>
    %dma_start3A_416 = arith.constant 0 : i32
    %dma_start3A_417 = tpu.memref_slice %arg5[%add3A_410, %dma_start3A_416] : memref<4672x768xf32, #tpu.memory_space<hbm>> -> memref<24x768xf32, #tpu.memory_space<hbm>>
    %dma_start3A_418 = arith.constant 0 : i32
    %dma_start3A_419 = tpu.memref_slice %arg5[%add3A_410, %dma_start3A_418] : memref<4672x768xf32, #tpu.memory_space<hbm>> -> memref<24x768xf32, #tpu.memory_space<hbm>>
    %dma_start3A_420 = arith.constant 0 : i32
    %dma_start3A_421 = arith.constant 0 : i32
    %dma_start3A_422 = tpu.memref_slice %arg7[%dma_start3A_411, %dma_start3A_420, %dma_start3A_421] : memref<2x24x768xf32, #tpu.memory_space<vmem>> -> memref<1x24x768xf32, #tpu.memory_space<vmem>>
    %dma_start3A_423 = tpu.memref_squeeze %dma_start3A_422 : memref<1x24x768xf32, #tpu.memory_space<vmem>> -> memref<24x768xf32, #tpu.memory_space<vmem>>
    tpu.enqueue_dma source(%dma_start3A_423 : memref<24x768xf32, #tpu.memory_space<vmem>>) target(%dma_start3A_419 : memref<24x768xf32, #tpu.memory_space<hbm>>) target_semaphore(%arg13 : memref<!tpu.dma_semaphore, #tpu.memory_space<semaphore_mem>>)
    %dma_wait3A_424 = arith.constant 1 : i32
    %dma_wait3A_425 = arith.constant 0 : i32
    %dma_wait3A_426 = arith.constant 0 : i32
    %dma_wait3A_427 = tpu.memref_slice %arg7[%dma_wait3A_424, %dma_wait3A_425, %dma_wait3A_426] : memref<2x24x768xf32, #tpu.memory_space<vmem>> -> memref<1x24x768xf32, #tpu.memory_space<vmem>>
    %dma_wait3A_428 = tpu.memref_squeeze %dma_wait3A_427 : memref<1x24x768xf32, #tpu.memory_space<vmem>> -> memref<24x768xf32, #tpu.memory_space<vmem>>
    %dma_wait3A_429 = arith.constant 0 : i32
    %dma_wait3A_430 = tpu.memref_slice %arg3[%add3A_357, %dma_wait3A_429] : memref<4672x768xf32, #tpu.memory_space<hbm>> -> memref<24x768xf32, #tpu.memory_space<hbm>>
    %dma_wait3A_431 = arith.constant 0 : i32
    %dma_wait3A_432 = arith.constant 0 : i32
    %dma_wait3A_433 = tpu.memref_slice %arg7[%dma_wait3A_424, %dma_wait3A_431, %dma_wait3A_432] : memref<2x24x768xf32, #tpu.memory_space<vmem>> -> memref<1x24x768xf32, #tpu.memory_space<vmem>>
    %dma_wait3A_434 = tpu.memref_squeeze %dma_wait3A_433 : memref<1x24x768xf32, #tpu.memory_space<vmem>> -> memref<24x768xf32, #tpu.memory_space<vmem>>
    %dma_wait3A_435 = arith.constant 0 : i32
    %dma_wait3A_436 = tpu.memref_slice %arg3[%add3A_357, %dma_wait3A_435] : memref<4672x768xf32, #tpu.memory_space<hbm>> -> memref<24x768xf32, #tpu.memory_space<hbm>>
    tpu.wait_dma2 semaphore(%arg10 : memref<!tpu.dma_semaphore, #tpu.memory_space<semaphore_mem>>) src(%dma_wait3A_436 : memref<24x768xf32, #tpu.memory_space<hbm>>) dst(%dma_wait3A_434 : memref<24x768xf32, #tpu.memory_space<vmem>>)
    %dma_wait3A_437 = arith.constant 1 : i32
    %dma_wait3A_438 = arith.constant 0 : i32
    %dma_wait3A_439 = arith.constant 0 : i32
    %dma_wait3A_440 = tpu.memref_slice %arg8[%dma_wait3A_437, %dma_wait3A_438, %dma_wait3A_439] : memref<2x24x768xf32, #tpu.memory_space<vmem>> -> memref<1x24x768xf32, #tpu.memory_space<vmem>>
    %dma_wait3A_441 = tpu.memref_squeeze %dma_wait3A_440 : memref<1x24x768xf32, #tpu.memory_space<vmem>> -> memref<24x768xf32, #tpu.memory_space<vmem>>
    %dma_wait3A_442 = arith.constant 120 : i32
    %dma_wait3A_443 = tpu.memref_slice %arg6[%dma_wait3A_442] : memref<152xi32, #tpu.memory_space<vmem>> -> memref<24xi32, #tpu.memory_space<vmem>>
    %dma_wait3A_444 = arith.constant 0 : i32
    %dma_wait3A_445 = arith.constant 0 : i32
    %dma_wait3A_446 = tpu.memref_slice %arg2[%dma_wait3A_444, %dma_wait3A_445] : memref<4672x768xf32, #tpu.memory_space<hbm>> -> memref<4672x768xf32, #tpu.memory_space<hbm>>
    tpu.wait_indirect_dma semaphore(%arg12 : memref<!tpu.dma_semaphore, #tpu.memory_space<semaphore_mem>>) src(%dma_wait3A_446 : memref<4672x768xf32, #tpu.memory_space<hbm>>) dst(%dma_wait3A_441 : memref<24x768xf32, #tpu.memory_space<vmem>>)
    %scan3A_447 = arith.constant 0 : i32
    %scan3A_448 = arith.constant 144 : i32
    %scan3A_449 = arith.addi %scan3A_447, %scan3A_448 : i32
    %scan3A_450 = arith.constant 1 : i32
    scf.for %scan3A_494 = %scan3A_447 to %scan3A_449 step %scan3A_450  : i32 {
      %jit3A = arith.constant 6 : i32
      %div3A = arith.divsi %scan3A_494, %jit3A : i32
      %sign3A = arith.constant 0 : i32
      %sign3A_495 = arith.cmpi sgt, %scan3A_494, %sign3A : i32
      %sign3A_496 = arith.extui %sign3A_495 : i1 to i32
      %sign3A_497 = arith.constant 0 : i32
      %sign3A_498 = arith.cmpi slt, %scan3A_494, %sign3A_497 : i32
      %sign3A_499 = arith.extui %sign3A_498 : i1 to i32
      %sign3A_500 = arith.subi %sign3A_496, %sign3A_499 : i32
      %sign3A_501 = arith.constant 0 : i32
      %sign3A_502 = arith.cmpi sgt, %jit3A, %sign3A_501 : i32
      %sign3A_503 = arith.extui %sign3A_502 : i1 to i32
      %sign3A_504 = arith.constant 0 : i32
      %sign3A_505 = arith.cmpi slt, %jit3A, %sign3A_504 : i32
      %sign3A_506 = arith.extui %sign3A_505 : i1 to i32
      %sign3A_507 = arith.subi %sign3A_503, %sign3A_506 : i32
      %ne3A = arith.cmpi ne, %sign3A_500, %sign3A_507 : i32
      %rem3A = arith.remsi %scan3A_494, %jit3A : i32
      %ne3A_508 = arith.constant 0 : i32
      %ne3A_509 = arith.cmpi ne, %rem3A, %ne3A_508 : i32
      %and3A = arith.andi %ne3A, %ne3A_509 : i1
      %sub3A_510 = arith.constant 1 : i32
      %sub3A_511 = arith.subi %div3A, %sub3A_510 : i32
      %select_n3A_512 = arith.select %and3A, %sub3A_511, %div3A : i32
      %jit3A_513 = arith.constant 6 : i32
      %eq3A = arith.constant 0 : i32
      %eq3A_514 = arith.cmpi eq, %jit3A_513, %eq3A : i32
      %jit3A_515 = arith.constant 1 : i32
      %select_n3A_516 = arith.select %eq3A_514, %jit3A_515, %jit3A_513 : i32
      %rem3A_517 = arith.remsi %scan3A_494, %select_n3A_516 : i32
      %ne3A_518 = arith.constant 0 : i32
      %ne3A_519 = arith.cmpi ne, %rem3A_517, %ne3A_518 : i32
      %lt3A_520 = arith.constant 0 : i32
      %lt3A_521 = arith.cmpi slt, %rem3A_517, %lt3A_520 : i32
      %lt3A_522 = arith.constant 0 : i32
      %lt3A_523 = arith.cmpi slt, %select_n3A_516, %lt3A_522 : i32
      %ne3A_524 = arith.xori %lt3A_521, %lt3A_523 : i1
      %and3A_525 = arith.andi %ne3A_524, %ne3A_519 : i1
      %add3A_526 = arith.addi %rem3A_517, %select_n3A_516 : i32
      %select_n3A_527 = arith.select %and3A_525, %add3A_526, %rem3A_517 : i32
      %mul3A_528 = arith.constant 128 : i32
      %mul3A_529 = arith.muli %select_n3A_527, %mul3A_528 : i32
      %add3A_530 = arith.constant 0 : i32
      %add3A_531 = arith.addi %mul3A_529, %add3A_530 : i32
      %get3A = arith.constant 1 : i32
      %get3A_532 = arith.index_cast %get3A : i32 to index
      %get3A_533 = arith.index_cast %select_n3A_512 : i32 to index
      %get3A_534 = arith.index_cast %add3A_531 : i32 to index
      %get3A_535 = tpu.vector_load %arg7[%get3A_532, %get3A_533, %get3A_534] {strides = array<i32>} : memref<2x24x768xf32, #tpu.memory_space<vmem>>, vector<1x1x16xf32>,
      %get3A_536 = vector.shape_cast %get3A_535 : vector<1x1x16xf32> to vector<16xf32>
      %get3A_537 = arith.constant 1 : i32
      %get3A_538 = arith.index_cast %get3A_537 : i32 to index
      %get3A_539 = arith.index_cast %select_n3A_512 : i32 to index
      %get3A_540 = arith.index_cast %add3A_531 : i32 to index
      %get3A_541 = tpu.vector_load %arg8[%get3A_538, %get3A_539, %get3A_540] {strides = array<i32>} : memref<2x24x768xf32, #tpu.memory_space<vmem>>, vector<1x1x16xf32>,
      %get3A_542 = vector.shape_cast %get3A_541 : vector<1x1x16xf32> to vector<16xf32>
      %add3A_543 = arith.addf %get3A_536, %get3A_542 : vector<16xf32>
      %swap3A = arith.constant 1 : i32
      %swap3A_544 = arith.index_cast %swap3A : i32 to index
      %swap3A_545 = arith.index_cast %select_n3A_512 : i32 to index
      %swap3A_546 = arith.index_cast %add3A_531 : i32 to index
      %swap3A_547 = tpu.vector_load %arg7[%swap3A_544, %swap3A_545, %swap3A_546] {strides = array<i32>} : memref<2x24x768xf32, #tpu.memory_space<vmem>>, vector<1x1x16xf32>,
      %swap3A_548 = vector.shape_cast %swap3A_547 : vector<1x1x16xf32> to vector<16xf32>
      %swap3A_549 = vector.shape_cast %add3A_543 : vector<16xf32> to vector<1x1x16xf32>
      tpu.vector_store %arg7[%swap3A_544, %swap3A_545, %swap3A_546], %swap3A_549 {strides = array<i32>} : memref<2x24x768xf32, #tpu.memory_space<vmem>>, vector<1x1x16xf32>,
      %add3A_550 = arith.constant 16 : i32
      %add3A_551 = arith.addi %mul3A_529, %add3A_550 : i32
      %get3A_552 = arith.constant 1 : i32
      %get3A_553 = arith.index_cast %get3A_552 : i32 to index
      %get3A_554 = arith.index_cast %select_n3A_512 : i32 to index
      %get3A_555 = arith.index_cast %add3A_551 : i32 to index
      %get3A_556 = tpu.vector_load %arg7[%get3A_553, %get3A_554, %get3A_555] {strides = array<i32>} : memref<2x24x768xf32, #tpu.memory_space<vmem>>, vector<1x1x16xf32>,
      %get3A_557 = vector.shape_cast %get3A_556 : vector<1x1x16xf32> to vector<16xf32>
      %get3A_558 = arith.constant 1 : i32
      %get3A_559 = arith.index_cast %get3A_558 : i32 to index
      %get3A_560 = arith.index_cast %select_n3A_512 : i32 to index
      %get3A_561 = arith.index_cast %add3A_551 : i32 to index
      %get3A_562 = tpu.vector_load %arg8[%get3A_559, %get3A_560, %get3A_561] {strides = array<i32>} : memref<2x24x768xf32, #tpu.memory_space<vmem>>, vector<1x1x16xf32>,
      %get3A_563 = vector.shape_cast %get3A_562 : vector<1x1x16xf32> to vector<16xf32>
      %add3A_564 = arith.addf %get3A_557, %get3A_563 : vector<16xf32>
      %swap3A_565 = arith.constant 1 : i32
      %swap3A_566 = arith.index_cast %swap3A_565 : i32 to index
      %swap3A_567 = arith.index_cast %select_n3A_512 : i32 to index
      %swap3A_568 = arith.index_cast %add3A_551 : i32 to index
      %swap3A_569 = tpu.vector_load %arg7[%swap3A_566, %swap3A_567, %swap3A_568] {strides = array<i32>} : memref<2x24x768xf32, #tpu.memory_space<vmem>>, vector<1x1x16xf32>,
      %swap3A_570 = vector.shape_cast %swap3A_569 : vector<1x1x16xf32> to vector<16xf32>
      %swap3A_571 = vector.shape_cast %add3A_564 : vector<16xf32> to vector<1x1x16xf32>
      tpu.vector_store %arg7[%swap3A_566, %swap3A_567, %swap3A_568], %swap3A_571 {strides = array<i32>} : memref<2x24x768xf32, #tpu.memory_space<vmem>>, vector<1x1x16xf32>,
      %add3A_572 = arith.constant 32 : i32
      %add3A_573 = arith.addi %mul3A_529, %add3A_572 : i32
      %get3A_574 = arith.constant 1 : i32
      %get3A_575 = arith.index_cast %get3A_574 : i32 to index
      %get3A_576 = arith.index_cast %select_n3A_512 : i32 to index
      %get3A_577 = arith.index_cast %add3A_573 : i32 to index
      %get3A_578 = tpu.vector_load %arg7[%get3A_575, %get3A_576, %get3A_577] {strides = array<i32>} : memref<2x24x768xf32, #tpu.memory_space<vmem>>, vector<1x1x16xf32>,
      %get3A_579 = vector.shape_cast %get3A_578 : vector<1x1x16xf32> to vector<16xf32>
      %get3A_580 = arith.constant 1 : i32
      %get3A_581 = arith.index_cast %get3A_580 : i32 to index
      %get3A_582 = arith.index_cast %select_n3A_512 : i32 to index
      %get3A_583 = arith.index_cast %add3A_573 : i32 to index
      %get3A_584 = tpu.vector_load %arg8[%get3A_581, %get3A_582, %get3A_583] {strides = array<i32>} : memref<2x24x768xf32, #tpu.memory_space<vmem>>, vector<1x1x16xf32>,
      %get3A_585 = vector.shape_cast %get3A_584 : vector<1x1x16xf32> to vector<16xf32>
      %add3A_586 = arith.addf %get3A_579, %get3A_585 : vector<16xf32>
      %swap3A_587 = arith.constant 1 : i32
      %swap3A_588 = arith.index_cast %swap3A_587 : i32 to index
      %swap3A_589 = arith.index_cast %select_n3A_512 : i32 to index
      %swap3A_590 = arith.index_cast %add3A_573 : i32 to index
      %swap3A_591 = tpu.vector_load %arg7[%swap3A_588, %swap3A_589, %swap3A_590] {strides = array<i32>} : memref<2x24x768xf32, #tpu.memory_space<vmem>>, vector<1x1x16xf32>,
      %swap3A_592 = vector.shape_cast %swap3A_591 : vector<1x1x16xf32> to vector<16xf32>
      %swap3A_593 = vector.shape_cast %add3A_586 : vector<16xf32> to vector<1x1x16xf32>
      tpu.vector_store %arg7[%swap3A_588, %swap3A_589, %swap3A_590], %swap3A_593 {strides = array<i32>} : memref<2x24x768xf32, #tpu.memory_space<vmem>>, vector<1x1x16xf32>,
      %add3A_594 = arith.constant 48 : i32
      %add3A_595 = arith.addi %mul3A_529, %add3A_594 : i32
      %get3A_596 = arith.constant 1 : i32
      %get3A_597 = arith.index_cast %get3A_596 : i32 to index
      %get3A_598 = arith.index_cast %select_n3A_512 : i32 to index
      %get3A_599 = arith.index_cast %add3A_595 : i32 to index
      %get3A_600 = tpu.vector_load %arg7[%get3A_597, %get3A_598, %get3A_599] {strides = array<i32>} : memref<2x24x768xf32, #tpu.memory_space<vmem>>, vector<1x1x16xf32>,
      %get3A_601 = vector.shape_cast %get3A_600 : vector<1x1x16xf32> to vector<16xf32>
      %get3A_602 = arith.constant 1 : i32
      %get3A_603 = arith.index_cast %get3A_602 : i32 to index
      %get3A_604 = arith.index_cast %select_n3A_512 : i32 to index
      %get3A_605 = arith.index_cast %add3A_595 : i32 to index
      %get3A_606 = tpu.vector_load %arg8[%get3A_603, %get3A_604, %get3A_605] {strides = array<i32>} : memref<2x24x768xf32, #tpu.memory_space<vmem>>, vector<1x1x16xf32>,
      %get3A_607 = vector.shape_cast %get3A_606 : vector<1x1x16xf32> to vector<16xf32>
      %add3A_608 = arith.addf %get3A_601, %get3A_607 : vector<16xf32>
      %swap3A_609 = arith.constant 1 : i32
      %swap3A_610 = arith.index_cast %swap3A_609 : i32 to index
      %swap3A_611 = arith.index_cast %select_n3A_512 : i32 to index
      %swap3A_612 = arith.index_cast %add3A_595 : i32 to index
      %swap3A_613 = tpu.vector_load %arg7[%swap3A_610, %swap3A_611, %swap3A_612] {strides = array<i32>} : memref<2x24x768xf32, #tpu.memory_space<vmem>>, vector<1x1x16xf32>,
      %swap3A_614 = vector.shape_cast %swap3A_613 : vector<1x1x16xf32> to vector<16xf32>
      %swap3A_615 = vector.shape_cast %add3A_608 : vector<16xf32> to vector<1x1x16xf32>
      tpu.vector_store %arg7[%swap3A_610, %swap3A_611, %swap3A_612], %swap3A_615 {strides = array<i32>} : memref<2x24x768xf32, #tpu.memory_space<vmem>>, vector<1x1x16xf32>,
      %add3A_616 = arith.constant 64 : i32
      %add3A_617 = arith.addi %mul3A_529, %add3A_616 : i32
      %get3A_618 = arith.constant 1 : i32
      %get3A_619 = arith.index_cast %get3A_618 : i32 to index
      %get3A_620 = arith.index_cast %select_n3A_512 : i32 to index
      %get3A_621 = arith.index_cast %add3A_617 : i32 to index
      %get3A_622 = tpu.vector_load %arg7[%get3A_619, %get3A_620, %get3A_621] {strides = array<i32>} : memref<2x24x768xf32, #tpu.memory_space<vmem>>, vector<1x1x16xf32>,
      %get3A_623 = vector.shape_cast %get3A_622 : vector<1x1x16xf32> to vector<16xf32>
      %get3A_624 = arith.constant 1 : i32
      %get3A_625 = arith.index_cast %get3A_624 : i32 to index
      %get3A_626 = arith.index_cast %select_n3A_512 : i32 to index
      %get3A_627 = arith.index_cast %add3A_617 : i32 to index
      %get3A_628 = tpu.vector_load %arg8[%get3A_625, %get3A_626, %get3A_627] {strides = array<i32>} : memref<2x24x768xf32, #tpu.memory_space<vmem>>, vector<1x1x16xf32>,
      %get3A_629 = vector.shape_cast %get3A_628 : vector<1x1x16xf32> to vector<16xf32>
      %add3A_630 = arith.addf %get3A_623, %get3A_629 : vector<16xf32>
      %swap3A_631 = arith.constant 1 : i32
      %swap3A_632 = arith.index_cast %swap3A_631 : i32 to index
      %swap3A_633 = arith.index_cast %select_n3A_512 : i32 to index
      %swap3A_634 = arith.index_cast %add3A_617 : i32 to index
      %swap3A_635 = tpu.vector_load %arg7[%swap3A_632, %swap3A_633, %swap3A_634] {strides = array<i32>} : memref<2x24x768xf32, #tpu.memory_space<vmem>>, vector<1x1x16xf32>,
      %swap3A_636 = vector.shape_cast %swap3A_635 : vector<1x1x16xf32> to vector<16xf32>
      %swap3A_637 = vector.shape_cast %add3A_630 : vector<16xf32> to vector<1x1x16xf32>
      tpu.vector_store %arg7[%swap3A_632, %swap3A_633, %swap3A_634], %swap3A_637 {strides = array<i32>} : memref<2x24x768xf32, #tpu.memory_space<vmem>>, vector<1x1x16xf32>,
      %add3A_638 = arith.constant 80 : i32
      %add3A_639 = arith.addi %mul3A_529, %add3A_638 : i32
      %get3A_640 = arith.constant 1 : i32
      %get3A_641 = arith.index_cast %get3A_640 : i32 to index
      %get3A_642 = arith.index_cast %select_n3A_512 : i32 to index
      %get3A_643 = arith.index_cast %add3A_639 : i32 to index
      %get3A_644 = tpu.vector_load %arg7[%get3A_641, %get3A_642, %get3A_643] {strides = array<i32>} : memref<2x24x768xf32, #tpu.memory_space<vmem>>, vector<1x1x16xf32>,
      %get3A_645 = vector.shape_cast %get3A_644 : vector<1x1x16xf32> to vector<16xf32>
      %get3A_646 = arith.constant 1 : i32
      %get3A_647 = arith.index_cast %get3A_646 : i32 to index
      %get3A_648 = arith.index_cast %select_n3A_512 : i32 to index
      %get3A_649 = arith.index_cast %add3A_639 : i32 to index
      %get3A_650 = tpu.vector_load %arg8[%get3A_647, %get3A_648, %get3A_649] {strides = array<i32>} : memref<2x24x768xf32, #tpu.memory_space<vmem>>, vector<1x1x16xf32>,
      %get3A_651 = vector.shape_cast %get3A_650 : vector<1x1x16xf32> to vector<16xf32>
      %add3A_652 = arith.addf %get3A_645, %get3A_651 : vector<16xf32>
      %swap3A_653 = arith.constant 1 : i32
      %swap3A_654 = arith.index_cast %swap3A_653 : i32 to index
      %swap3A_655 = arith.index_cast %select_n3A_512 : i32 to index
      %swap3A_656 = arith.index_cast %add3A_639 : i32 to index
      %swap3A_657 = tpu.vector_load %arg7[%swap3A_654, %swap3A_655, %swap3A_656] {strides = array<i32>} : memref<2x24x768xf32, #tpu.memory_space<vmem>>, vector<1x1x16xf32>,
      %swap3A_658 = vector.shape_cast %swap3A_657 : vector<1x1x16xf32> to vector<16xf32>
      %swap3A_659 = vector.shape_cast %add3A_652 : vector<16xf32> to vector<1x1x16xf32>
      tpu.vector_store %arg7[%swap3A_654, %swap3A_655, %swap3A_656], %swap3A_659 {strides = array<i32>} : memref<2x24x768xf32, #tpu.memory_space<vmem>>, vector<1x1x16xf32>,
      %add3A_660 = arith.constant 96 : i32
      %add3A_661 = arith.addi %mul3A_529, %add3A_660 : i32
      %get3A_662 = arith.constant 1 : i32
      %get3A_663 = arith.index_cast %get3A_662 : i32 to index
      %get3A_664 = arith.index_cast %select_n3A_512 : i32 to index
      %get3A_665 = arith.index_cast %add3A_661 : i32 to index
      %get3A_666 = tpu.vector_load %arg7[%get3A_663, %get3A_664, %get3A_665] {strides = array<i32>} : memref<2x24x768xf32, #tpu.memory_space<vmem>>, vector<1x1x16xf32>,
      %get3A_667 = vector.shape_cast %get3A_666 : vector<1x1x16xf32> to vector<16xf32>
      %get3A_668 = arith.constant 1 : i32
      %get3A_669 = arith.index_cast %get3A_668 : i32 to index
      %get3A_670 = arith.index_cast %select_n3A_512 : i32 to index
      %get3A_671 = arith.index_cast %add3A_661 : i32 to index
      %get3A_672 = tpu.vector_load %arg8[%get3A_669, %get3A_670, %get3A_671] {strides = array<i32>} : memref<2x24x768xf32, #tpu.memory_space<vmem>>, vector<1x1x16xf32>,
      %get3A_673 = vector.shape_cast %get3A_672 : vector<1x1x16xf32> to vector<16xf32>
      %add3A_674 = arith.addf %get3A_667, %get3A_673 : vector<16xf32>
      %swap3A_675 = arith.constant 1 : i32
      %swap3A_676 = arith.index_cast %swap3A_675 : i32 to index
      %swap3A_677 = arith.index_cast %select_n3A_512 : i32 to index
      %swap3A_678 = arith.index_cast %add3A_661 : i32 to index
      %swap3A_679 = tpu.vector_load %arg7[%swap3A_676, %swap3A_677, %swap3A_678] {strides = array<i32>} : memref<2x24x768xf32, #tpu.memory_space<vmem>>, vector<1x1x16xf32>,
      %swap3A_680 = vector.shape_cast %swap3A_679 : vector<1x1x16xf32> to vector<16xf32>
      %swap3A_681 = vector.shape_cast %add3A_674 : vector<16xf32> to vector<1x1x16xf32>
      tpu.vector_store %arg7[%swap3A_676, %swap3A_677, %swap3A_678], %swap3A_681 {strides = array<i32>} : memref<2x24x768xf32, #tpu.memory_space<vmem>>, vector<1x1x16xf32>,
      %add3A_682 = arith.constant 112 : i32
      %add3A_683 = arith.addi %mul3A_529, %add3A_682 : i32
      %get3A_684 = arith.constant 1 : i32
      %get3A_685 = arith.index_cast %get3A_684 : i32 to index
      %get3A_686 = arith.index_cast %select_n3A_512 : i32 to index
      %get3A_687 = arith.index_cast %add3A_683 : i32 to index
      %get3A_688 = tpu.vector_load %arg7[%get3A_685, %get3A_686, %get3A_687] {strides = array<i32>} : memref<2x24x768xf32, #tpu.memory_space<vmem>>, vector<1x1x16xf32>,
      %get3A_689 = vector.shape_cast %get3A_688 : vector<1x1x16xf32> to vector<16xf32>
      %get3A_690 = arith.constant 1 : i32
      %get3A_691 = arith.index_cast %get3A_690 : i32 to index
      %get3A_692 = arith.index_cast %select_n3A_512 : i32 to index
      %get3A_693 = arith.index_cast %add3A_683 : i32 to index
      %get3A_694 = tpu.vector_load %arg8[%get3A_691, %get3A_692, %get3A_693] {strides = array<i32>} : memref<2x24x768xf32, #tpu.memory_space<vmem>>, vector<1x1x16xf32>,
      %get3A_695 = vector.shape_cast %get3A_694 : vector<1x1x16xf32> to vector<16xf32>
      %add3A_696 = arith.addf %get3A_689, %get3A_695 : vector<16xf32>
      %swap3A_697 = arith.constant 1 : i32
      %swap3A_698 = arith.index_cast %swap3A_697 : i32 to index
      %swap3A_699 = arith.index_cast %select_n3A_512 : i32 to index
      %swap3A_700 = arith.index_cast %add3A_683 : i32 to index
      %swap3A_701 = tpu.vector_load %arg7[%swap3A_698, %swap3A_699, %swap3A_700] {strides = array<i32>} : memref<2x24x768xf32, #tpu.memory_space<vmem>>, vector<1x1x16xf32>,
      %swap3A_702 = vector.shape_cast %swap3A_701 : vector<1x1x16xf32> to vector<16xf32>
      %swap3A_703 = vector.shape_cast %add3A_696 : vector<16xf32> to vector<1x1x16xf32>
      tpu.vector_store %arg7[%swap3A_698, %swap3A_699, %swap3A_700], %swap3A_703 {strides = array<i32>} : memref<2x24x768xf32, #tpu.memory_space<vmem>>, vector<1x1x16xf32>,
    }
    %scan3A_451 = arith.constant 144 : i32
    %add3A_452 = arith.constant 120 : i32
    %add3A_453 = arith.addi %select_n3A, %add3A_452 : i32
    %dma_start3A_454 = arith.constant 1 : i32
    %dma_start3A_455 = arith.constant 0 : i32
    %dma_start3A_456 = arith.constant 0 : i32
    %dma_start3A_457 = tpu.memref_slice %arg7[%dma_start3A_454, %dma_start3A_455, %dma_start3A_456] : memref<2x24x768xf32, #tpu.memory_space<vmem>> -> memref<1x24x768xf32, #tpu.memory_space<vmem>>
    %dma_start3A_458 = tpu.memref_squeeze %dma_start3A_457 : memref<1x24x768xf32, #tpu.memory_space<vmem>> -> memref<24x768xf32, #tpu.memory_space<vmem>>
    %dma_start3A_459 = arith.constant 0 : i32
    %dma_start3A_460 = tpu.memref_slice %arg5[%add3A_453, %dma_start3A_459] : memref<4672x768xf32, #tpu.memory_space<hbm>> -> memref<24x768xf32, #tpu.memory_space<hbm>>
    %dma_start3A_461 = arith.constant 0 : i32
    %dma_start3A_462 = tpu.memref_slice %arg5[%add3A_453, %dma_start3A_461] : memref<4672x768xf32, #tpu.memory_space<hbm>> -> memref<24x768xf32, #tpu.memory_space<hbm>>
    %dma_start3A_463 = arith.constant 0 : i32
    %dma_start3A_464 = arith.constant 0 : i32
    %dma_start3A_465 = tpu.memref_slice %arg7[%dma_start3A_454, %dma_start3A_463, %dma_start3A_464] : memref<2x24x768xf32, #tpu.memory_space<vmem>> -> memref<1x24x768xf32, #tpu.memory_space<vmem>>
    %dma_start3A_466 = tpu.memref_squeeze %dma_start3A_465 : memref<1x24x768xf32, #tpu.memory_space<vmem>> -> memref<24x768xf32, #tpu.memory_space<vmem>>
    tpu.enqueue_dma source(%dma_start3A_466 : memref<24x768xf32, #tpu.memory_space<vmem>>) target(%dma_start3A_462 : memref<24x768xf32, #tpu.memory_space<hbm>>) target_semaphore(%arg14 : memref<!tpu.dma_semaphore, #tpu.memory_space<semaphore_mem>>)
    %dma_wait3A_467 = arith.constant 0 : i32
    %dma_wait3A_468 = arith.constant 0 : i32
    %dma_wait3A_469 = arith.constant 0 : i32
    %dma_wait3A_470 = tpu.memref_slice %arg7[%dma_wait3A_467, %dma_wait3A_468, %dma_wait3A_469] : memref<2x24x768xf32, #tpu.memory_space<vmem>> -> memref<1x24x768xf32, #tpu.memory_space<vmem>>
    %dma_wait3A_471 = tpu.memref_squeeze %dma_wait3A_470 : memref<1x24x768xf32, #tpu.memory_space<vmem>> -> memref<24x768xf32, #tpu.memory_space<vmem>>
    %dma_wait3A_472 = arith.constant 0 : i32
    %dma_wait3A_473 = tpu.memref_slice %arg5[%add3A_410, %dma_wait3A_472] : memref<4672x768xf32, #tpu.memory_space<hbm>> -> memref<24x768xf32, #tpu.memory_space<hbm>>
    %dma_wait3A_474 = arith.constant 0 : i32
    %dma_wait3A_475 = tpu.memref_slice %arg5[%add3A_410, %dma_wait3A_474] : memref<4672x768xf32, #tpu.memory_space<hbm>> -> memref<24x768xf32, #tpu.memory_space<hbm>>
    %dma_wait3A_476 = arith.constant 0 : i32
    %dma_wait3A_477 = arith.constant 0 : i32
    %dma_wait3A_478 = tpu.memref_slice %arg7[%dma_wait3A_467, %dma_wait3A_476, %dma_wait3A_477] : memref<2x24x768xf32, #tpu.memory_space<vmem>> -> memref<1x24x768xf32, #tpu.memory_space<vmem>>
    %dma_wait3A_479 = tpu.memref_squeeze %dma_wait3A_478 : memref<1x24x768xf32, #tpu.memory_space<vmem>> -> memref<24x768xf32, #tpu.memory_space<vmem>>
    tpu.wait_dma2 semaphore(%arg13 : memref<!tpu.dma_semaphore, #tpu.memory_space<semaphore_mem>>) src(%dma_wait3A_479 : memref<24x768xf32, #tpu.memory_space<vmem>>) dst(%dma_wait3A_475 : memref<24x768xf32, #tpu.memory_space<hbm>>)
    %dma_wait3A_480 = arith.constant 1 : i32
    %dma_wait3A_481 = arith.constant 0 : i32
    %dma_wait3A_482 = arith.constant 0 : i32
    %dma_wait3A_483 = tpu.memref_slice %arg7[%dma_wait3A_480, %dma_wait3A_481, %dma_wait3A_482] : memref<2x24x768xf32, #tpu.memory_space<vmem>> -> memref<1x24x768xf32, #tpu.memory_space<vmem>>
    %dma_wait3A_484 = tpu.memref_squeeze %dma_wait3A_483 : memref<1x24x768xf32, #tpu.memory_space<vmem>> -> memref<24x768xf32, #tpu.memory_space<vmem>>
    %dma_wait3A_485 = arith.constant 0 : i32
    %dma_wait3A_486 = tpu.memref_slice %arg5[%add3A_453, %dma_wait3A_485] : memref<4672x768xf32, #tpu.memory_space<hbm>> -> memref<24x768xf32, #tpu.memory_space<hbm>>
    %dma_wait3A_487 = arith.constant 0 : i32
    %dma_wait3A_488 = tpu.memref_slice %arg5[%add3A_453, %dma_wait3A_487] : memref<4672x768xf32, #tpu.memory_space<hbm>> -> memref<24x768xf32, #tpu.memory_space<hbm>>
    %dma_wait3A_489 = arith.constant 0 : i32
    %dma_wait3A_490 = arith.constant 0 : i32
    %dma_wait3A_491 = tpu.memref_slice %arg7[%dma_wait3A_480, %dma_wait3A_489, %dma_wait3A_490] : memref<2x24x768xf32, #tpu.memory_space<vmem>> -> memref<1x24x768xf32, #tpu.memory_space<vmem>>
    %dma_wait3A_492 = tpu.memref_squeeze %dma_wait3A_491 : memref<1x24x768xf32, #tpu.memory_space<vmem>> -> memref<24x768xf32, #tpu.memory_space<vmem>>
    tpu.wait_dma2 semaphore(%arg14 : memref<!tpu.dma_semaphore, #tpu.memory_space<semaphore_mem>>) src(%dma_wait3A_492 : memref<24x768xf32, #tpu.memory_space<vmem>>) dst(%dma_wait3A_488 : memref<24x768xf32, #tpu.memory_space<hbm>>)
    %convert_element_type3A = arith.extui %ge3A_9 : i1 to i32
    %cond3A = arith.constant 0 : i32
    %cond3A_493 = arith.cmpi ne, %convert_element_type3A, %cond3A : i32
    scf.if %cond3A_493 {
      %add3A_494 = arith.constant 144 : i32
      %add3A_495 = arith.addi %select_n3A, %add3A_494 : i32
      %dma_start3A_496 = arith.constant 0 : i32
      %dma_start3A_497 = arith.constant 0 : i32
      %dma_start3A_498 = arith.constant 0 : i32
      %dma_start3A_499 = tpu.memref_slice %arg7[%dma_start3A_496, %dma_start3A_497, %dma_start3A_498] : memref<2x24x768xf32, #tpu.memory_space<vmem>> -> memref<1x8x768xf32, #tpu.memory_space<vmem>>
      %dma_start3A_500 = tpu.memref_squeeze %dma_start3A_499 : memref<1x8x768xf32, #tpu.memory_space<vmem>> -> memref<8x768xf32, #tpu.memory_space<vmem>>
      %dma_start3A_501 = arith.constant 0 : i32
      %dma_start3A_502 = tpu.memref_slice %arg3[%add3A_495, %dma_start3A_501] : memref<4672x768xf32, #tpu.memory_space<hbm>> -> memref<8x768xf32, #tpu.memory_space<hbm>>
      %dma_start3A_503 = arith.constant 0 : i32
      %dma_start3A_504 = arith.constant 0 : i32
      %dma_start3A_505 = tpu.memref_slice %arg7[%dma_start3A_496, %dma_start3A_503, %dma_start3A_504] : memref<2x24x768xf32, #tpu.memory_space<vmem>> -> memref<1x8x768xf32, #tpu.memory_space<vmem>>
      %dma_start3A_506 = tpu.memref_squeeze %dma_start3A_505 : memref<1x8x768xf32, #tpu.memory_space<vmem>> -> memref<8x768xf32, #tpu.memory_space<vmem>>
      %dma_start3A_507 = arith.constant 0 : i32
      %dma_start3A_508 = tpu.memref_slice %arg3[%add3A_495, %dma_start3A_507] : memref<4672x768xf32, #tpu.memory_space<hbm>> -> memref<8x768xf32, #tpu.memory_space<hbm>>
      tpu.enqueue_dma source(%dma_start3A_508 : memref<8x768xf32, #tpu.memory_space<hbm>>) target(%dma_start3A_506 : memref<8x768xf32, #tpu.memory_space<vmem>>) target_semaphore(%arg9 : memref<!tpu.dma_semaphore, #tpu.memory_space<semaphore_mem>>)
      %dma_start3A_509 = arith.constant 0 : i32
      %dma_start3A_510 = arith.constant 0 : i32
      %dma_start3A_511 = arith.constant 0 : i32
      %dma_start3A_512 = tpu.memref_slice %arg8[%dma_start3A_509, %dma_start3A_510, %dma_start3A_511] : memref<2x24x768xf32, #tpu.memory_space<vmem>> -> memref<1x8x768xf32, #tpu.memory_space<vmem>>
      %dma_start3A_513 = tpu.memref_squeeze %dma_start3A_512 : memref<1x8x768xf32, #tpu.memory_space<vmem>> -> memref<8x768xf32, #tpu.memory_space<vmem>>
      %dma_start3A_514 = arith.constant 144 : i32
      %dma_start3A_515 = tpu.memref_slice %arg6[%dma_start3A_514] : memref<152xi32, #tpu.memory_space<vmem>> -> memref<8xi32, #tpu.memory_space<vmem>>
      %dma_start3A_516 = arith.constant 0 : i32
      %dma_start3A_517 = arith.constant 0 : i32
      %dma_start3A_518 = tpu.memref_slice %arg2[%dma_start3A_516, %dma_start3A_517] : memref<4672x768xf32, #tpu.memory_space<hbm>> -> memref<4672x768xf32, #tpu.memory_space<hbm>>
      tpu.enqueue_indirect_dma source(%dma_start3A_518 : memref<4672x768xf32, #tpu.memory_space<hbm>>) target(%dma_start3A_513 : memref<8x768xf32, #tpu.memory_space<vmem>>) offsets(%dma_start3A_515 : memref<8xi32, #tpu.memory_space<vmem>>) semaphore(%arg11 : memref<!tpu.dma_semaphore, #tpu.memory_space<semaphore_mem>>)
      %dma_wait3A_519 = arith.constant 0 : i32
      %dma_wait3A_520 = arith.constant 0 : i32
      %dma_wait3A_521 = arith.constant 0 : i32
      %dma_wait3A_522 = tpu.memref_slice %arg7[%dma_wait3A_519, %dma_wait3A_520, %dma_wait3A_521] : memref<2x24x768xf32, #tpu.memory_space<vmem>> -> memref<1x8x768xf32, #tpu.memory_space<vmem>>
      %dma_wait3A_523 = tpu.memref_squeeze %dma_wait3A_522 : memref<1x8x768xf32, #tpu.memory_space<vmem>> -> memref<8x768xf32, #tpu.memory_space<vmem>>
      %dma_wait3A_524 = arith.constant 0 : i32
      %dma_wait3A_525 = tpu.memref_slice %arg3[%add3A_495, %dma_wait3A_524] : memref<4672x768xf32, #tpu.memory_space<hbm>> -> memref<8x768xf32, #tpu.memory_space<hbm>>
      %dma_wait3A_526 = arith.constant 0 : i32
      %dma_wait3A_527 = arith.constant 0 : i32
      %dma_wait3A_528 = tpu.memref_slice %arg7[%dma_wait3A_519, %dma_wait3A_526, %dma_wait3A_527] : memref<2x24x768xf32, #tpu.memory_space<vmem>> -> memref<1x8x768xf32, #tpu.memory_space<vmem>>
      %dma_wait3A_529 = tpu.memref_squeeze %dma_wait3A_528 : memref<1x8x768xf32, #tpu.memory_space<vmem>> -> memref<8x768xf32, #tpu.memory_space<vmem>>
      %dma_wait3A_530 = arith.constant 0 : i32
      %dma_wait3A_531 = tpu.memref_slice %arg3[%add3A_495, %dma_wait3A_530] : memref<4672x768xf32, #tpu.memory_space<hbm>> -> memref<8x768xf32, #tpu.memory_space<hbm>>
      tpu.wait_dma2 semaphore(%arg9 : memref<!tpu.dma_semaphore, #tpu.memory_space<semaphore_mem>>) src(%dma_wait3A_531 : memref<8x768xf32, #tpu.memory_space<hbm>>) dst(%dma_wait3A_529 : memref<8x768xf32, #tpu.memory_space<vmem>>)
      %dma_wait3A_532 = arith.constant 0 : i32
      %dma_wait3A_533 = arith.constant 0 : i32
      %dma_wait3A_534 = arith.constant 0 : i32
      %dma_wait3A_535 = tpu.memref_slice %arg8[%dma_wait3A_532, %dma_wait3A_533, %dma_wait3A_534] : memref<2x24x768xf32, #tpu.memory_space<vmem>> -> memref<1x8x768xf32, #tpu.memory_space<vmem>>
      %dma_wait3A_536 = tpu.memref_squeeze %dma_wait3A_535 : memref<1x8x768xf32, #tpu.memory_space<vmem>> -> memref<8x768xf32, #tpu.memory_space<vmem>>
      %dma_wait3A_537 = arith.constant 144 : i32
      %dma_wait3A_538 = tpu.memref_slice %arg6[%dma_wait3A_537] : memref<152xi32, #tpu.memory_space<vmem>> -> memref<8xi32, #tpu.memory_space<vmem>>
      %dma_wait3A_539 = arith.constant 0 : i32
      %dma_wait3A_540 = arith.constant 0 : i32
      %dma_wait3A_541 = tpu.memref_slice %arg2[%dma_wait3A_539, %dma_wait3A_540] : memref<4672x768xf32, #tpu.memory_space<hbm>> -> memref<4672x768xf32, #tpu.memory_space<hbm>>
      tpu.wait_indirect_dma semaphore(%arg11 : memref<!tpu.dma_semaphore, #tpu.memory_space<semaphore_mem>>) src(%dma_wait3A_541 : memref<4672x768xf32, #tpu.memory_space<hbm>>) dst(%dma_wait3A_536 : memref<8x768xf32, #tpu.memory_space<vmem>>)
      %scan3A_542 = arith.constant 0 : i32
      %scan3A_543 = arith.constant 48 : i32
      %scan3A_544 = arith.addi %scan3A_542, %scan3A_543 : i32
      %scan3A_545 = arith.constant 1 : i32
      scf.for %scan3A_549 = %scan3A_542 to %scan3A_544 step %scan3A_545  : i32 {
        %jit3A = arith.constant 6 : i32
        %div3A = arith.divsi %scan3A_549, %jit3A : i32
        %sign3A = arith.constant 0 : i32
        %sign3A_550 = arith.cmpi sgt, %scan3A_549, %sign3A : i32
        %sign3A_551 = arith.extui %sign3A_550 : i1 to i32
        %sign3A_552 = arith.constant 0 : i32
        %sign3A_553 = arith.cmpi slt, %scan3A_549, %sign3A_552 : i32
        %sign3A_554 = arith.extui %sign3A_553 : i1 to i32
        %sign3A_555 = arith.subi %sign3A_551, %sign3A_554 : i32
        %sign3A_556 = arith.constant 0 : i32
        %sign3A_557 = arith.cmpi sgt, %jit3A, %sign3A_556 : i32
        %sign3A_558 = arith.extui %sign3A_557 : i1 to i32
        %sign3A_559 = arith.constant 0 : i32
        %sign3A_560 = arith.cmpi slt, %jit3A, %sign3A_559 : i32
        %sign3A_561 = arith.extui %sign3A_560 : i1 to i32
        %sign3A_562 = arith.subi %sign3A_558, %sign3A_561 : i32
        %ne3A = arith.cmpi ne, %sign3A_555, %sign3A_562 : i32
        %rem3A = arith.remsi %scan3A_549, %jit3A : i32
        %ne3A_563 = arith.constant 0 : i32
        %ne3A_564 = arith.cmpi ne, %rem3A, %ne3A_563 : i32
        %and3A = arith.andi %ne3A, %ne3A_564 : i1
        %sub3A_565 = arith.constant 1 : i32
        %sub3A_566 = arith.subi %div3A, %sub3A_565 : i32
        %select_n3A_567 = arith.select %and3A, %sub3A_566, %div3A : i32
        %jit3A_568 = arith.constant 6 : i32
        %eq3A = arith.constant 0 : i32
        %eq3A_569 = arith.cmpi eq, %jit3A_568, %eq3A : i32
        %jit3A_570 = arith.constant 1 : i32
        %select_n3A_571 = arith.select %eq3A_569, %jit3A_570, %jit3A_568 : i32
        %rem3A_572 = arith.remsi %scan3A_549, %select_n3A_571 : i32
        %ne3A_573 = arith.constant 0 : i32
        %ne3A_574 = arith.cmpi ne, %rem3A_572, %ne3A_573 : i32
        %lt3A_575 = arith.constant 0 : i32
        %lt3A_576 = arith.cmpi slt, %rem3A_572, %lt3A_575 : i32
        %lt3A_577 = arith.constant 0 : i32
        %lt3A_578 = arith.cmpi slt, %select_n3A_571, %lt3A_577 : i32
        %ne3A_579 = arith.xori %lt3A_576, %lt3A_578 : i1
        %and3A_580 = arith.andi %ne3A_579, %ne3A_574 : i1
        %add3A_581 = arith.addi %rem3A_572, %select_n3A_571 : i32
        %select_n3A_582 = arith.select %and3A_580, %add3A_581, %rem3A_572 : i32
        %mul3A_583 = arith.constant 128 : i32
        %mul3A_584 = arith.muli %select_n3A_582, %mul3A_583 : i32
        %add3A_585 = arith.constant 0 : i32
        %add3A_586 = arith.addi %mul3A_584, %add3A_585 : i32
        %get3A = arith.constant 0 : i32
        %get3A_587 = arith.index_cast %get3A : i32 to index
        %get3A_588 = arith.index_cast %select_n3A_567 : i32 to index
        %get3A_589 = arith.index_cast %add3A_586 : i32 to index
        %get3A_590 = tpu.vector_load %arg7[%get3A_587, %get3A_588, %get3A_589] {strides = array<i32>} : memref<2x24x768xf32, #tpu.memory_space<vmem>>, vector<1x1x16xf32>,
        %get3A_591 = vector.shape_cast %get3A_590 : vector<1x1x16xf32> to vector<16xf32>
        %get3A_592 = arith.constant 0 : i32
        %get3A_593 = arith.index_cast %get3A_592 : i32 to index
        %get3A_594 = arith.index_cast %select_n3A_567 : i32 to index
        %get3A_595 = arith.index_cast %add3A_586 : i32 to index
        %get3A_596 = tpu.vector_load %arg8[%get3A_593, %get3A_594, %get3A_595] {strides = array<i32>} : memref<2x24x768xf32, #tpu.memory_space<vmem>>, vector<1x1x16xf32>,
        %get3A_597 = vector.shape_cast %get3A_596 : vector<1x1x16xf32> to vector<16xf32>
        %add3A_598 = arith.addf %get3A_591, %get3A_597 : vector<16xf32>
        %swap3A = arith.constant 0 : i32
        %swap3A_599 = arith.index_cast %swap3A : i32 to index
        %swap3A_600 = arith.index_cast %select_n3A_567 : i32 to index
        %swap3A_601 = arith.index_cast %add3A_586 : i32 to index
        %swap3A_602 = tpu.vector_load %arg7[%swap3A_599, %swap3A_600, %swap3A_601] {strides = array<i32>} : memref<2x24x768xf32, #tpu.memory_space<vmem>>, vector<1x1x16xf32>,
        %swap3A_603 = vector.shape_cast %swap3A_602 : vector<1x1x16xf32> to vector<16xf32>
        %swap3A_604 = vector.shape_cast %add3A_598 : vector<16xf32> to vector<1x1x16xf32>
        tpu.vector_store %arg7[%swap3A_599, %swap3A_600, %swap3A_601], %swap3A_604 {strides = array<i32>} : memref<2x24x768xf32, #tpu.memory_space<vmem>>, vector<1x1x16xf32>,
        %add3A_605 = arith.constant 16 : i32
        %add3A_606 = arith.addi %mul3A_584, %add3A_605 : i32
        %get3A_607 = arith.constant 0 : i32
        %get3A_608 = arith.index_cast %get3A_607 : i32 to index
        %get3A_609 = arith.index_cast %select_n3A_567 : i32 to index
        %get3A_610 = arith.index_cast %add3A_606 : i32 to index
        %get3A_611 = tpu.vector_load %arg7[%get3A_608, %get3A_609, %get3A_610] {strides = array<i32>} : memref<2x24x768xf32, #tpu.memory_space<vmem>>, vector<1x1x16xf32>,
        %get3A_612 = vector.shape_cast %get3A_611 : vector<1x1x16xf32> to vector<16xf32>
        %get3A_613 = arith.constant 0 : i32
        %get3A_614 = arith.index_cast %get3A_613 : i32 to index
        %get3A_615 = arith.index_cast %select_n3A_567 : i32 to index
        %get3A_616 = arith.index_cast %add3A_606 : i32 to index
        %get3A_617 = tpu.vector_load %arg8[%get3A_614, %get3A_615, %get3A_616] {strides = array<i32>} : memref<2x24x768xf32, #tpu.memory_space<vmem>>, vector<1x1x16xf32>,
        %get3A_618 = vector.shape_cast %get3A_617 : vector<1x1x16xf32> to vector<16xf32>
        %add3A_619 = arith.addf %get3A_612, %get3A_618 : vector<16xf32>
        %swap3A_620 = arith.constant 0 : i32
        %swap3A_621 = arith.index_cast %swap3A_620 : i32 to index
        %swap3A_622 = arith.index_cast %select_n3A_567 : i32 to index
        %swap3A_623 = arith.index_cast %add3A_606 : i32 to index
        %swap3A_624 = tpu.vector_load %arg7[%swap3A_621, %swap3A_622, %swap3A_623] {strides = array<i32>} : memref<2x24x768xf32, #tpu.memory_space<vmem>>, vector<1x1x16xf32>,
        %swap3A_625 = vector.shape_cast %swap3A_624 : vector<1x1x16xf32> to vector<16xf32>
        %swap3A_626 = vector.shape_cast %add3A_619 : vector<16xf32> to vector<1x1x16xf32>
        tpu.vector_store %arg7[%swap3A_621, %swap3A_622, %swap3A_623], %swap3A_626 {strides = array<i32>} : memref<2x24x768xf32, #tpu.memory_space<vmem>>, vector<1x1x16xf32>,
        %add3A_627 = arith.constant 32 : i32
        %add3A_628 = arith.addi %mul3A_584, %add3A_627 : i32
        %get3A_629 = arith.constant 0 : i32
        %get3A_630 = arith.index_cast %get3A_629 : i32 to index
        %get3A_631 = arith.index_cast %select_n3A_567 : i32 to index
        %get3A_632 = arith.index_cast %add3A_628 : i32 to index
        %get3A_633 = tpu.vector_load %arg7[%get3A_630, %get3A_631, %get3A_632] {strides = array<i32>} : memref<2x24x768xf32, #tpu.memory_space<vmem>>, vector<1x1x16xf32>,
        %get3A_634 = vector.shape_cast %get3A_633 : vector<1x1x16xf32> to vector<16xf32>
        %get3A_635 = arith.constant 0 : i32
        %get3A_636 = arith.index_cast %get3A_635 : i32 to index
        %get3A_637 = arith.index_cast %select_n3A_567 : i32 to index
        %get3A_638 = arith.index_cast %add3A_628 : i32 to index
        %get3A_639 = tpu.vector_load %arg8[%get3A_636, %get3A_637, %get3A_638] {strides = array<i32>} : memref<2x24x768xf32, #tpu.memory_space<vmem>>, vector<1x1x16xf32>,
        %get3A_640 = vector.shape_cast %get3A_639 : vector<1x1x16xf32> to vector<16xf32>
        %add3A_641 = arith.addf %get3A_634, %get3A_640 : vector<16xf32>
        %swap3A_642 = arith.constant 0 : i32
        %swap3A_643 = arith.index_cast %swap3A_642 : i32 to index
        %swap3A_644 = arith.index_cast %select_n3A_567 : i32 to index
        %swap3A_645 = arith.index_cast %add3A_628 : i32 to index
        %swap3A_646 = tpu.vector_load %arg7[%swap3A_643, %swap3A_644, %swap3A_645] {strides = array<i32>} : memref<2x24x768xf32, #tpu.memory_space<vmem>>, vector<1x1x16xf32>,
        %swap3A_647 = vector.shape_cast %swap3A_646 : vector<1x1x16xf32> to vector<16xf32>
        %swap3A_648 = vector.shape_cast %add3A_641 : vector<16xf32> to vector<1x1x16xf32>
        tpu.vector_store %arg7[%swap3A_643, %swap3A_644, %swap3A_645], %swap3A_648 {strides = array<i32>} : memref<2x24x768xf32, #tpu.memory_space<vmem>>, vector<1x1x16xf32>,
        %add3A_649 = arith.constant 48 : i32
        %add3A_650 = arith.addi %mul3A_584, %add3A_649 : i32
        %get3A_651 = arith.constant 0 : i32
        %get3A_652 = arith.index_cast %get3A_651 : i32 to index
        %get3A_653 = arith.index_cast %select_n3A_567 : i32 to index
        %get3A_654 = arith.index_cast %add3A_650 : i32 to index
        %get3A_655 = tpu.vector_load %arg7[%get3A_652, %get3A_653, %get3A_654] {strides = array<i32>} : memref<2x24x768xf32, #tpu.memory_space<vmem>>, vector<1x1x16xf32>,
        %get3A_656 = vector.shape_cast %get3A_655 : vector<1x1x16xf32> to vector<16xf32>
        %get3A_657 = arith.constant 0 : i32
        %get3A_658 = arith.index_cast %get3A_657 : i32 to index
        %get3A_659 = arith.index_cast %select_n3A_567 : i32 to index
        %get3A_660 = arith.index_cast %add3A_650 : i32 to index
        %get3A_661 = tpu.vector_load %arg8[%get3A_658, %get3A_659, %get3A_660] {strides = array<i32>} : memref<2x24x768xf32, #tpu.memory_space<vmem>>, vector<1x1x16xf32>,
        %get3A_662 = vector.shape_cast %get3A_661 : vector<1x1x16xf32> to vector<16xf32>
        %add3A_663 = arith.addf %get3A_656, %get3A_662 : vector<16xf32>
        %swap3A_664 = arith.constant 0 : i32
        %swap3A_665 = arith.index_cast %swap3A_664 : i32 to index
        %swap3A_666 = arith.index_cast %select_n3A_567 : i32 to index
        %swap3A_667 = arith.index_cast %add3A_650 : i32 to index
        %swap3A_668 = tpu.vector_load %arg7[%swap3A_665, %swap3A_666, %swap3A_667] {strides = array<i32>} : memref<2x24x768xf32, #tpu.memory_space<vmem>>, vector<1x1x16xf32>,
        %swap3A_669 = vector.shape_cast %swap3A_668 : vector<1x1x16xf32> to vector<16xf32>
        %swap3A_670 = vector.shape_cast %add3A_663 : vector<16xf32> to vector<1x1x16xf32>
        tpu.vector_store %arg7[%swap3A_665, %swap3A_666, %swap3A_667], %swap3A_670 {strides = array<i32>} : memref<2x24x768xf32, #tpu.memory_space<vmem>>, vector<1x1x16xf32>,
        %add3A_671 = arith.constant 64 : i32
        %add3A_672 = arith.addi %mul3A_584, %add3A_671 : i32
        %get3A_673 = arith.constant 0 : i32
        %get3A_674 = arith.index_cast %get3A_673 : i32 to index
        %get3A_675 = arith.index_cast %select_n3A_567 : i32 to index
        %get3A_676 = arith.index_cast %add3A_672 : i32 to index
        %get3A_677 = tpu.vector_load %arg7[%get3A_674, %get3A_675, %get3A_676] {strides = array<i32>} : memref<2x24x768xf32, #tpu.memory_space<vmem>>, vector<1x1x16xf32>,
        %get3A_678 = vector.shape_cast %get3A_677 : vector<1x1x16xf32> to vector<16xf32>
        %get3A_679 = arith.constant 0 : i32
        %get3A_680 = arith.index_cast %get3A_679 : i32 to index
        %get3A_681 = arith.index_cast %select_n3A_567 : i32 to index
        %get3A_682 = arith.index_cast %add3A_672 : i32 to index
        %get3A_683 = tpu.vector_load %arg8[%get3A_680, %get3A_681, %get3A_682] {strides = array<i32>} : memref<2x24x768xf32, #tpu.memory_space<vmem>>, vector<1x1x16xf32>,
        %get3A_684 = vector.shape_cast %get3A_683 : vector<1x1x16xf32> to vector<16xf32>
        %add3A_685 = arith.addf %get3A_678, %get3A_684 : vector<16xf32>
        %swap3A_686 = arith.constant 0 : i32
        %swap3A_687 = arith.index_cast %swap3A_686 : i32 to index
        %swap3A_688 = arith.index_cast %select_n3A_567 : i32 to index
        %swap3A_689 = arith.index_cast %add3A_672 : i32 to index
        %swap3A_690 = tpu.vector_load %arg7[%swap3A_687, %swap3A_688, %swap3A_689] {strides = array<i32>} : memref<2x24x768xf32, #tpu.memory_space<vmem>>, vector<1x1x16xf32>,
        %swap3A_691 = vector.shape_cast %swap3A_690 : vector<1x1x16xf32> to vector<16xf32>
        %swap3A_692 = vector.shape_cast %add3A_685 : vector<16xf32> to vector<1x1x16xf32>
        tpu.vector_store %arg7[%swap3A_687, %swap3A_688, %swap3A_689], %swap3A_692 {strides = array<i32>} : memref<2x24x768xf32, #tpu.memory_space<vmem>>, vector<1x1x16xf32>,
        %add3A_693 = arith.constant 80 : i32
        %add3A_694 = arith.addi %mul3A_584, %add3A_693 : i32
        %get3A_695 = arith.constant 0 : i32
        %get3A_696 = arith.index_cast %get3A_695 : i32 to index
        %get3A_697 = arith.index_cast %select_n3A_567 : i32 to index
        %get3A_698 = arith.index_cast %add3A_694 : i32 to index
        %get3A_699 = tpu.vector_load %arg7[%get3A_696, %get3A_697, %get3A_698] {strides = array<i32>} : memref<2x24x768xf32, #tpu.memory_space<vmem>>, vector<1x1x16xf32>,
        %get3A_700 = vector.shape_cast %get3A_699 : vector<1x1x16xf32> to vector<16xf32>
        %get3A_701 = arith.constant 0 : i32
        %get3A_702 = arith.index_cast %get3A_701 : i32 to index
        %get3A_703 = arith.index_cast %select_n3A_567 : i32 to index
        %get3A_704 = arith.index_cast %add3A_694 : i32 to index
        %get3A_705 = tpu.vector_load %arg8[%get3A_702, %get3A_703, %get3A_704] {strides = array<i32>} : memref<2x24x768xf32, #tpu.memory_space<vmem>>, vector<1x1x16xf32>,
        %get3A_706 = vector.shape_cast %get3A_705 : vector<1x1x16xf32> to vector<16xf32>
        %add3A_707 = arith.addf %get3A_700, %get3A_706 : vector<16xf32>
        %swap3A_708 = arith.constant 0 : i32
        %swap3A_709 = arith.index_cast %swap3A_708 : i32 to index
        %swap3A_710 = arith.index_cast %select_n3A_567 : i32 to index
        %swap3A_711 = arith.index_cast %add3A_694 : i32 to index
        %swap3A_712 = tpu.vector_load %arg7[%swap3A_709, %swap3A_710, %swap3A_711] {strides = array<i32>} : memref<2x24x768xf32, #tpu.memory_space<vmem>>, vector<1x1x16xf32>,
        %swap3A_713 = vector.shape_cast %swap3A_712 : vector<1x1x16xf32> to vector<16xf32>
        %swap3A_714 = vector.shape_cast %add3A_707 : vector<16xf32> to vector<1x1x16xf32>
        tpu.vector_store %arg7[%swap3A_709, %swap3A_710, %swap3A_711], %swap3A_714 {strides = array<i32>} : memref<2x24x768xf32, #tpu.memory_space<vmem>>, vector<1x1x16xf32>,
        %add3A_715 = arith.constant 96 : i32
        %add3A_716 = arith.addi %mul3A_584, %add3A_715 : i32
        %get3A_717 = arith.constant 0 : i32
        %get3A_718 = arith.index_cast %get3A_717 : i32 to index
        %get3A_719 = arith.index_cast %select_n3A_567 : i32 to index
        %get3A_720 = arith.index_cast %add3A_716 : i32 to index
        %get3A_721 = tpu.vector_load %arg7[%get3A_718, %get3A_719, %get3A_720] {strides = array<i32>} : memref<2x24x768xf32, #tpu.memory_space<vmem>>, vector<1x1x16xf32>,
        %get3A_722 = vector.shape_cast %get3A_721 : vector<1x1x16xf32> to vector<16xf32>
        %get3A_723 = arith.constant 0 : i32
        %get3A_724 = arith.index_cast %get3A_723 : i32 to index
        %get3A_725 = arith.index_cast %select_n3A_567 : i32 to index
        %get3A_726 = arith.index_cast %add3A_716 : i32 to index
        %get3A_727 = tpu.vector_load %arg8[%get3A_724, %get3A_725, %get3A_726] {strides = array<i32>} : memref<2x24x768xf32, #tpu.memory_space<vmem>>, vector<1x1x16xf32>,
        %get3A_728 = vector.shape_cast %get3A_727 : vector<1x1x16xf32> to vector<16xf32>
        %add3A_729 = arith.addf %get3A_722, %get3A_728 : vector<16xf32>
        %swap3A_730 = arith.constant 0 : i32
        %swap3A_731 = arith.index_cast %swap3A_730 : i32 to index
        %swap3A_732 = arith.index_cast %select_n3A_567 : i32 to index
        %swap3A_733 = arith.index_cast %add3A_716 : i32 to index
        %swap3A_734 = tpu.vector_load %arg7[%swap3A_731, %swap3A_732, %swap3A_733] {strides = array<i32>} : memref<2x24x768xf32, #tpu.memory_space<vmem>>, vector<1x1x16xf32>,
        %swap3A_735 = vector.shape_cast %swap3A_734 : vector<1x1x16xf32> to vector<16xf32>
        %swap3A_736 = vector.shape_cast %add3A_729 : vector<16xf32> to vector<1x1x16xf32>
        tpu.vector_store %arg7[%swap3A_731, %swap3A_732, %swap3A_733], %swap3A_736 {strides = array<i32>} : memref<2x24x768xf32, #tpu.memory_space<vmem>>, vector<1x1x16xf32>,
        %add3A_737 = arith.constant 112 : i32
        %add3A_738 = arith.addi %mul3A_584, %add3A_737 : i32
        %get3A_739 = arith.constant 0 : i32
        %get3A_740 = arith.index_cast %get3A_739 : i32 to index
        %get3A_741 = arith.index_cast %select_n3A_567 : i32 to index
        %get3A_742 = arith.index_cast %add3A_738 : i32 to index
        %get3A_743 = tpu.vector_load %arg7[%get3A_740, %get3A_741, %get3A_742] {strides = array<i32>} : memref<2x24x768xf32, #tpu.memory_space<vmem>>, vector<1x1x16xf32>,
        %get3A_744 = vector.shape_cast %get3A_743 : vector<1x1x16xf32> to vector<16xf32>
        %get3A_745 = arith.constant 0 : i32
        %get3A_746 = arith.index_cast %get3A_745 : i32 to index
        %get3A_747 = arith.index_cast %select_n3A_567 : i32 to index
        %get3A_748 = arith.index_cast %add3A_738 : i32 to index
        %get3A_749 = tpu.vector_load %arg8[%get3A_746, %get3A_747, %get3A_748] {strides = array<i32>} : memref<2x24x768xf32, #tpu.memory_space<vmem>>, vector<1x1x16xf32>,
        %get3A_750 = vector.shape_cast %get3A_749 : vector<1x1x16xf32> to vector<16xf32>
        %add3A_751 = arith.addf %get3A_744, %get3A_750 : vector<16xf32>
        %swap3A_752 = arith.constant 0 : i32
        %swap3A_753 = arith.index_cast %swap3A_752 : i32 to index
        %swap3A_754 = arith.index_cast %select_n3A_567 : i32 to index
        %swap3A_755 = arith.index_cast %add3A_738 : i32 to index
        %swap3A_756 = tpu.vector_load %arg7[%swap3A_753, %swap3A_754, %swap3A_755] {strides = array<i32>} : memref<2x24x768xf32, #tpu.memory_space<vmem>>, vector<1x1x16xf32>,
        %swap3A_757 = vector.shape_cast %swap3A_756 : vector<1x1x16xf32> to vector<16xf32>
        %swap3A_758 = vector.shape_cast %add3A_751 : vector<16xf32> to vector<1x1x16xf32>
        tpu.vector_store %arg7[%swap3A_753, %swap3A_754, %swap3A_755], %swap3A_758 {strides = array<i32>} : memref<2x24x768xf32, #tpu.memory_space<vmem>>, vector<1x1x16xf32>,
      }
      %scan3A_546 = arith.constant 48 : i32
      %add3A_547 = arith.constant 144 : i32
      %add3A_548 = arith.addi %select_n3A, %add3A_547 : i32
      %run_scoped3A = arith.constant 0 : i32
      "tpu.region"() ({
        %run_scoped3A_549 = tpu.sem_alloc : memref<!tpu.dma_semaphore, #tpu.memory_space<semaphore_mem>>
        %dma_start3A_550 = arith.constant 0 : i32
        %dma_start3A_551 = arith.constant 0 : i32
        %dma_start3A_552 = tpu.memref_slice %arg7[%run_scoped3A, %dma_start3A_550, %dma_start3A_551] : memref<2x24x768xf32, #tpu.memory_space<vmem>> -> memref<1x8x768xf32, #tpu.memory_space<vmem>>
        %dma_start3A_553 = tpu.memref_squeeze %dma_start3A_552 : memref<1x8x768xf32, #tpu.memory_space<vmem>> -> memref<8x768xf32, #tpu.memory_space<vmem>>
        %dma_start3A_554 = arith.constant 0 : i32
        %dma_start3A_555 = tpu.memref_slice %arg5[%add3A_548, %dma_start3A_554] : memref<4672x768xf32, #tpu.memory_space<hbm>> -> memref<8x768xf32, #tpu.memory_space<hbm>>
        %dma_start3A_556 = arith.constant 0 : i32
        %dma_start3A_557 = tpu.memref_slice %arg5[%add3A_548, %dma_start3A_556] : memref<4672x768xf32, #tpu.memory_space<hbm>> -> memref<8x768xf32, #tpu.memory_space<hbm>>
        %dma_start3A_558 = arith.constant 0 : i32
        %dma_start3A_559 = arith.constant 0 : i32
        %dma_start3A_560 = tpu.memref_slice %arg7[%run_scoped3A, %dma_start3A_558, %dma_start3A_559] : memref<2x24x768xf32, #tpu.memory_space<vmem>> -> memref<1x8x768xf32, #tpu.memory_space<vmem>>
        %dma_start3A_561 = tpu.memref_squeeze %dma_start3A_560 : memref<1x8x768xf32, #tpu.memory_space<vmem>> -> memref<8x768xf32, #tpu.memory_space<vmem>>
        tpu.enqueue_dma source(%dma_start3A_561 : memref<8x768xf32, #tpu.memory_space<vmem>>) target(%dma_start3A_557 : memref<8x768xf32, #tpu.memory_space<hbm>>) target_semaphore(%run_scoped3A_549 : memref<!tpu.dma_semaphore, #tpu.memory_space<semaphore_mem>>)
        %dma_wait3A_562 = arith.constant 0 : i32
        %dma_wait3A_563 = arith.constant 0 : i32
        %dma_wait3A_564 = tpu.memref_slice %arg7[%run_scoped3A, %dma_wait3A_562, %dma_wait3A_563] : memref<2x24x768xf32, #tpu.memory_space<vmem>> -> memref<1x8x768xf32, #tpu.memory_space<vmem>>
        %dma_wait3A_565 = tpu.memref_squeeze %dma_wait3A_564 : memref<1x8x768xf32, #tpu.memory_space<vmem>> -> memref<8x768xf32, #tpu.memory_space<vmem>>
        %dma_wait3A_566 = arith.constant 0 : i32
        %dma_wait3A_567 = tpu.memref_slice %arg5[%add3A_548, %dma_wait3A_566] : memref<4672x768xf32, #tpu.memory_space<hbm>> -> memref<8x768xf32, #tpu.memory_space<hbm>>
        %dma_wait3A_568 = arith.constant 0 : i32
        %dma_wait3A_569 = tpu.memref_slice %arg5[%add3A_548, %dma_wait3A_568] : memref<4672x768xf32, #tpu.memory_space<hbm>> -> memref<8x768xf32, #tpu.memory_space<hbm>>
        %dma_wait3A_570 = arith.constant 0 : i32
        %dma_wait3A_571 = arith.constant 0 : i32
        %dma_wait3A_572 = tpu.memref_slice %arg7[%run_scoped3A, %dma_wait3A_570, %dma_wait3A_571] : memref<2x24x768xf32, #tpu.memory_space<vmem>> -> memref<1x8x768xf32, #tpu.memory_space<vmem>>
        %dma_wait3A_573 = tpu.memref_squeeze %dma_wait3A_572 : memref<1x8x768xf32, #tpu.memory_space<vmem>> -> memref<8x768xf32, #tpu.memory_space<vmem>>
        tpu.wait_dma2 semaphore(%run_scoped3A_549 : memref<!tpu.dma_semaphore, #tpu.memory_space<semaphore_mem>>) src(%dma_wait3A_573 : memref<8x768xf32, #tpu.memory_space<vmem>>) dst(%dma_wait3A_569 : memref<8x768xf32, #tpu.memory_space<hbm>>)
        tpu.yield
      }) : () -> ()
    } else {
    }
    return
  }
}

module attributes {stable_mosaic.version = 14 : i64} {
  func.func @_pos_body(%arg0: i32, %arg1: memref<1x584x584xbf16, #tpu.memory_space<vmem>>, %arg2: memref<577x768xf32, #tpu.memory_space<vmem>>, %arg3: memref<1x768xf32, #tpu.memory_space<vmem>>, %arg4: memref<1x384x384xi32, #tpu.memory_space<vmem>>, %arg5: memref<24x384xbf16, #tpu.memory_space<vmem>>, %arg6: memref<384x24xbf16, #tpu.memory_space<vmem>>, %arg7: memref<1x576x640xbf16, #tpu.memory_space<vmem>>, %arg8: memref<584x768xf32, #tpu.memory_space<vmem>>, %arg9: memref<1x1x640xi32, #tpu.memory_space<vmem>>) attributes {dimension_semantics = [#tpu.dimension_semantics<arbitrary>], iteration_bounds = array<i64: 8>, scalar_prefetch = 0 : i64, scratch_operands = 0 : i64, tpu.core_type = #tpu.core_type<tc>, window_params = [{transform_indices = @transform_0, window_bounds = array<i64: 1, 584, 584>}, {pipeline_mode = #tpu.pipeline_mode<synchronous>, transform_indices = @transform_1, window_bounds = array<i64: 577, 768>}, {pipeline_mode = #tpu.pipeline_mode<synchronous>, transform_indices = @transform_2, window_bounds = array<i64: 1, 768>}, {transform_indices = @transform_3, window_bounds = array<i64: 1, 384, 384>}, {pipeline_mode = #tpu.pipeline_mode<synchronous>, transform_indices = @transform_4, window_bounds = array<i64: 24, 384>}, {pipeline_mode = #tpu.pipeline_mode<synchronous>, transform_indices = @transform_5, window_bounds = array<i64: 384, 24>}, {transform_indices = @transform_6, window_bounds = array<i64: 1, 576, 640>}, {transform_indices = @transform_7, window_bounds = array<i64: 584, 768>}, {transform_indices = @transform_8, window_bounds = array<i64: 1, 1, 640>}]} {
    %get3A = arith.constant 0 : index
    %get3A_0 = arith.constant 0 : index
    %get3A_1 = vector.load %arg2[%get3A, %get3A_0] : memref<577x768xf32, #tpu.memory_space<vmem>>, vector<577x768xf32>
    %get3A_2 = arith.constant 0 : index
    %get3A_3 = arith.constant 0 : index
    %get3A_4 = vector.load %arg3[%get3A_2, %get3A_3] : memref<1x768xf32, #tpu.memory_space<vmem>>, vector<1x768xf32>
    %broadcast_in_dim3A = arith.constant 0.000000e+00 : f32
    %broadcast_in_dim3A_5 = vector.broadcast %broadcast_in_dim3A : f32 to vector<6x768xf32>
    %concatenate3A = tpu.concatenate %get3A_1, %get3A_4, %broadcast_in_dim3A_5 in 0 : vector<577x768xf32>, vector<1x768xf32>, vector<6x768xf32> -> vector<584x768xf32>
    %convert_element_type3A = arith.truncf %concatenate3A : vector<584x768xf32> to vector<584x768xbf16>
    %get3A_6 = arith.constant 0 : index
    %get3A_7 = arith.constant 0 : index
    %get3A_8 = arith.constant 0 : index
    %get3A_9 = vector.load %arg1[%get3A_6, %get3A_7, %get3A_8] : memref<1x584x584xbf16, #tpu.memory_space<vmem>>, vector<1x584x584xbf16>
    %get3A_10 = vector.shape_cast %get3A_9 : vector<1x584x584xbf16> to vector<584x584xbf16>
    %dot_general3A = arith.constant dense<0.000000e+00> : vector<584x768xf32>
    %dot_general3A_11 = tpu.matmul %get3A_10, %convert_element_type3A, %dot_general3A {dimension_numbers = #tpu.dot_dimension_numbers<[1], [0], [0], [1], [0, 0, 1, 1], [], []>, transpose_lhs_hint = false} : vector<584x584xbf16>, vector<584x768xbf16>, vector<584x768xf32> -> vector<584x768xf32>
    %swap3A = arith.constant 0 : index
    %swap3A_12 = arith.constant 0 : index
    %swap3A_13 = vector.load %arg8[%swap3A, %swap3A_12] : memref<584x768xf32, #tpu.memory_space<vmem>>, vector<584x768xf32>
    tpu.vector_store %arg8[%swap3A, %swap3A_12], %dot_general3A_11 {strides = array<i32>} : memref<584x768xf32, #tpu.memory_space<vmem>>, vector<584x768xf32>,
    %get3A_14 = arith.constant 0 : index
    %get3A_15 = arith.constant 0 : index
    %get3A_16 = arith.constant 0 : index
    %get3A_17 = vector.load %arg4[%get3A_14, %get3A_15, %get3A_16] : memref<1x384x384xi32, #tpu.memory_space<vmem>>, vector<1x384x384xi32>
    %get3A_18 = vector.shape_cast %get3A_17 : vector<1x384x384xi32> to vector<384x384xi32>
    %convert_element_type3A_19 = arith.sitofp %get3A_18 : vector<384x384xi32> to vector<384x384xbf16>
    %get3A_20 = arith.constant 0 : index
    %get3A_21 = arith.constant 0 : index
    %get3A_22 = vector.load %arg6[%get3A_20, %get3A_21] : memref<384x24xbf16, #tpu.memory_space<vmem>>, vector<384x24xbf16>
    %dot_general3A_23 = arith.constant dense<0.000000e+00> : vector<384x24xf32>
    %dot_general3A_24 = tpu.matmul %convert_element_type3A_19, %get3A_22, %dot_general3A_23 {dimension_numbers = #tpu.dot_dimension_numbers<[1], [0], [0], [1], [0, 0, 1, 1], [], []>, transpose_lhs_hint = false} : vector<384x384xbf16>, vector<384x24xbf16>, vector<384x24xf32> -> vector<384x24xf32>
    %get3A_25 = arith.constant 0 : index
    %get3A_26 = arith.constant 0 : index
    %get3A_27 = vector.load %arg5[%get3A_25, %get3A_26] : memref<24x384xbf16, #tpu.memory_space<vmem>>, vector<24x384xbf16>
    %convert_element_type3A_28 = arith.truncf %dot_general3A_24 : vector<384x24xf32> to vector<384x24xbf16>
    %dot_general3A_29 = arith.constant dense<0.000000e+00> : vector<24x24xf32>
    %dot_general3A_30 = tpu.matmul %get3A_27, %convert_element_type3A_28, %dot_general3A_29 {dimension_numbers = #tpu.dot_dimension_numbers<[1], [0], [0], [1], [0, 0, 1, 1], [], []>, transpose_lhs_hint = false} : vector<24x384xbf16>, vector<384x24xbf16>, vector<24x24xf32> -> vector<24x24xf32>
    %slice3A = vector.extract_strided_slice %dot_general3A_30 {offsets = [0, 0], sizes = [1, 24], strides = [1, 1]} : vector<24x24xf32> to vector<1x24xf32>
    %slice3A_31 = vector.extract_strided_slice %dot_general3A_30 {offsets = [1, 0], sizes = [1, 24], strides = [1, 1]} : vector<24x24xf32> to vector<1x24xf32>
    %slice3A_32 = vector.extract_strided_slice %dot_general3A_30 {offsets = [2, 0], sizes = [1, 24], strides = [1, 1]} : vector<24x24xf32> to vector<1x24xf32>
    %slice3A_33 = vector.extract_strided_slice %dot_general3A_30 {offsets = [3, 0], sizes = [1, 24], strides = [1, 1]} : vector<24x24xf32> to vector<1x24xf32>
    %slice3A_34 = vector.extract_strided_slice %dot_general3A_30 {offsets = [4, 0], sizes = [1, 24], strides = [1, 1]} : vector<24x24xf32> to vector<1x24xf32>
    %slice3A_35 = vector.extract_strided_slice %dot_general3A_30 {offsets = [5, 0], sizes = [1, 24], strides = [1, 1]} : vector<24x24xf32> to vector<1x24xf32>
    %slice3A_36 = vector.extract_strided_slice %dot_general3A_30 {offsets = [6, 0], sizes = [1, 24], strides = [1, 1]} : vector<24x24xf32> to vector<1x24xf32>
    %slice3A_37 = vector.extract_strided_slice %dot_general3A_30 {offsets = [7, 0], sizes = [1, 24], strides = [1, 1]} : vector<24x24xf32> to vector<1x24xf32>
    %slice3A_38 = vector.extract_strided_slice %dot_general3A_30 {offsets = [8, 0], sizes = [1, 24], strides = [1, 1]} : vector<24x24xf32> to vector<1x24xf32>
    %slice3A_39 = vector.extract_strided_slice %dot_general3A_30 {offsets = [9, 0], sizes = [1, 24], strides = [1, 1]} : vector<24x24xf32> to vector<1x24xf32>
    %slice3A_40 = vector.extract_strided_slice %dot_general3A_30 {offsets = [10, 0], sizes = [1, 24], strides = [1, 1]} : vector<24x24xf32> to vector<1x24xf32>
    %slice3A_41 = vector.extract_strided_slice %dot_general3A_30 {offsets = [11, 0], sizes = [1, 24], strides = [1, 1]} : vector<24x24xf32> to vector<1x24xf32>
    %slice3A_42 = vector.extract_strided_slice %dot_general3A_30 {offsets = [12, 0], sizes = [1, 24], strides = [1, 1]} : vector<24x24xf32> to vector<1x24xf32>
    %slice3A_43 = vector.extract_strided_slice %dot_general3A_30 {offsets = [13, 0], sizes = [1, 24], strides = [1, 1]} : vector<24x24xf32> to vector<1x24xf32>
    %slice3A_44 = vector.extract_strided_slice %dot_general3A_30 {offsets = [14, 0], sizes = [1, 24], strides = [1, 1]} : vector<24x24xf32> to vector<1x24xf32>
    %slice3A_45 = vector.extract_strided_slice %dot_general3A_30 {offsets = [15, 0], sizes = [1, 24], strides = [1, 1]} : vector<24x24xf32> to vector<1x24xf32>
    %slice3A_46 = vector.extract_strided_slice %dot_general3A_30 {offsets = [16, 0], sizes = [1, 24], strides = [1, 1]} : vector<24x24xf32> to vector<1x24xf32>
    %slice3A_47 = vector.extract_strided_slice %dot_general3A_30 {offsets = [17, 0], sizes = [1, 24], strides = [1, 1]} : vector<24x24xf32> to vector<1x24xf32>
    %slice3A_48 = vector.extract_strided_slice %dot_general3A_30 {offsets = [18, 0], sizes = [1, 24], strides = [1, 1]} : vector<24x24xf32> to vector<1x24xf32>
    %slice3A_49 = vector.extract_strided_slice %dot_general3A_30 {offsets = [19, 0], sizes = [1, 24], strides = [1, 1]} : vector<24x24xf32> to vector<1x24xf32>
    %slice3A_50 = vector.extract_strided_slice %dot_general3A_30 {offsets = [20, 0], sizes = [1, 24], strides = [1, 1]} : vector<24x24xf32> to vector<1x24xf32>
    %slice3A_51 = vector.extract_strided_slice %dot_general3A_30 {offsets = [21, 0], sizes = [1, 24], strides = [1, 1]} : vector<24x24xf32> to vector<1x24xf32>
    %slice3A_52 = vector.extract_strided_slice %dot_general3A_30 {offsets = [22, 0], sizes = [1, 24], strides = [1, 1]} : vector<24x24xf32> to vector<1x24xf32>
    %slice3A_53 = vector.extract_strided_slice %dot_general3A_30 {offsets = [23, 0], sizes = [1, 24], strides = [1, 1]} : vector<24x24xf32> to vector<1x24xf32>
    %concatenate3A_54 = tpu.concatenate %slice3A, %slice3A_31, %slice3A_32, %slice3A_33, %slice3A_34, %slice3A_35, %slice3A_36, %slice3A_37, %slice3A_38, %slice3A_39, %slice3A_40, %slice3A_41, %slice3A_42, %slice3A_43, %slice3A_44, %slice3A_45, %slice3A_46, %slice3A_47, %slice3A_48, %slice3A_49, %slice3A_50, %slice3A_51, %slice3A_52, %slice3A_53 in 1 : vector<1x24xf32>, vector<1x24xf32>, vector<1x24xf32>, vector<1x24xf32>, vector<1x24xf32>, vector<1x24xf32>, vector<1x24xf32>, vector<1x24xf32>, vector<1x24xf32>, vector<1x24xf32>, vector<1x24xf32>, vector<1x24xf32>, vector<1x24xf32>, vector<1x24xf32>, vector<1x24xf32>, vector<1x24xf32>, vector<1x24xf32>, vector<1x24xf32>, vector<1x24xf32>, vector<1x24xf32>, vector<1x24xf32>, vector<1x24xf32>, vector<1x24xf32>, vector<1x24xf32> -> vector<1x576xf32>
    %convert_element_type3A_55 = arith.truncf %concatenate3A_54 : vector<1x576xf32> to vector<1x576xbf16>
    %get3A_56 = arith.constant 0 : index
    %get3A_57 = arith.constant 0 : index
    %get3A_58 = arith.constant 0 : index
    %get3A_59 = vector.load %arg7[%get3A_56, %get3A_57, %get3A_58] : memref<1x576x640xbf16, #tpu.memory_space<vmem>>, vector<1x576x640xbf16>
    %get3A_60 = vector.shape_cast %get3A_59 : vector<1x576x640xbf16> to vector<576x640xbf16>
    %dot_general3A_61 = arith.constant dense<0.000000e+00> : vector<1x640xf32>
    %dot_general3A_62 = tpu.matmul %convert_element_type3A_55, %get3A_60, %dot_general3A_61 {dimension_numbers = #tpu.dot_dimension_numbers<[1], [0], [0], [1], [0, 0, 1, 1], [], []>, transpose_lhs_hint = false} : vector<1x576xbf16>, vector<576x640xbf16>, vector<1x640xf32> -> vector<1x640xf32>
    %iota3A = tpu.iota {dimensions = array<i32: 1>} : vector<1x640xi32>
    %eq3A = arith.constant 0 : i32
    %eq3A_63 = vector.broadcast %eq3A : i32 to vector<1x640xi32>
    %eq3A_64 = arith.cmpi eq, %iota3A, %eq3A_63 : vector<1x640xi32>
    %jit3A = arith.constant 1.000000e+00 : f32
    %jit3A_65 = arith.constant 0.000000e+00 : f32
    %broadcast_in_dim3A_66 = vector.broadcast %jit3A : f32 to vector<1x640xf32>
    %broadcast_in_dim3A_67 = vector.broadcast %jit3A_65 : f32 to vector<1x640xf32>
    %select_n3A = arith.select %eq3A_64, %broadcast_in_dim3A_66, %broadcast_in_dim3A_67 : vector<1x640xi1>, vector<1x640xf32>
    %add3A = arith.addf %dot_general3A_62, %select_n3A : vector<1x640xf32>
    %convert_element_type3A_68 = arith.fptosi %add3A : vector<1x640xf32> to vector<1x640xi32>
    %swap3A_69 = arith.constant 0 : index
    %swap3A_70 = arith.constant 0 : index
    %swap3A_71 = arith.constant 0 : index
    %swap3A_72 = vector.load %arg9[%swap3A_69, %swap3A_70, %swap3A_71] : memref<1x1x640xi32, #tpu.memory_space<vmem>>, vector<1x1x640xi32>
    %swap3A_73 = vector.shape_cast %swap3A_72 : vector<1x1x640xi32> to vector<1x640xi32>
    %swap3A_74 = vector.shape_cast %convert_element_type3A_68 : vector<1x640xi32> to vector<1x1x640xi32>
    tpu.vector_store %arg9[%swap3A_69, %swap3A_70, %swap3A_71], %swap3A_74 {strides = array<i32>} : memref<1x1x640xi32, #tpu.memory_space<vmem>>, vector<1x1x640xi32>,
    return
  }
  func.func @transform_0(%arg0: i32) -> (i32, i32, i32) {
    %c0_i32 = arith.constant 0 : i32
    %c0_i32_0 = arith.constant 0 : i32
    %c0_i32_1 = arith.constant 0 : i32
    return %arg0, %c0_i32, %c0_i32_0 : i32, i32, i32
  }
  func.func @transform_1(%arg0: i32) -> (i32, i32) {
    %c0_i32 = arith.constant 0 : i32
    %c0_i32_0 = arith.constant 0 : i32
    %c0_i32_1 = arith.constant 0 : i32
    return %c0_i32, %c0_i32_0 : i32, i32
  }
  func.func @transform_2(%arg0: i32) -> (i32, i32) {
    %c0_i32 = arith.constant 0 : i32
    %c0_i32_0 = arith.constant 0 : i32
    %c0_i32_1 = arith.constant 0 : i32
    return %c0_i32, %c0_i32_0 : i32, i32
  }
  func.func @transform_3(%arg0: i32) -> (i32, i32, i32) {
    %c0_i32 = arith.constant 0 : i32
    %c0_i32_0 = arith.constant 0 : i32
    %c0_i32_1 = arith.constant 0 : i32
    return %arg0, %c0_i32, %c0_i32_0 : i32, i32, i32
  }
  func.func @transform_4(%arg0: i32) -> (i32, i32) {
    %c0_i32 = arith.constant 0 : i32
    %c0_i32_0 = arith.constant 0 : i32
    %c0_i32_1 = arith.constant 0 : i32
    return %c0_i32, %c0_i32_0 : i32, i32
  }
  func.func @transform_5(%arg0: i32) -> (i32, i32) {
    %c0_i32 = arith.constant 0 : i32
    %c0_i32_0 = arith.constant 0 : i32
    %c0_i32_1 = arith.constant 0 : i32
    return %c0_i32, %c0_i32_0 : i32, i32
  }
  func.func @transform_6(%arg0: i32) -> (i32, i32, i32) {
    %c0_i32 = arith.constant 0 : i32
    %c0_i32_0 = arith.constant 0 : i32
    %c0_i32_1 = arith.constant 0 : i32
    return %arg0, %c0_i32, %c0_i32_0 : i32, i32, i32
  }
  func.func @transform_7(%arg0: i32) -> (i32, i32) {
    %c0_i32 = arith.constant 0 : i32
    %c0_i32_0 = arith.constant 0 : i32
    return %arg0, %c0_i32 : i32, i32
  }
  func.func @transform_8(%arg0: i32) -> (i32, i32, i32) {
    %c0_i32 = arith.constant 0 : i32
    %c0_i32_0 = arith.constant 0 : i32
    %c0_i32_1 = arith.constant 0 : i32
    return %arg0, %c0_i32, %c0_i32_0 : i32, i32, i32
  }
}

module attributes {stable_mosaic.version = 14 : i64} {
  func.func @_emb_body(%arg0: i32, %arg1: memref<1x3x384x384xf32, #tpu.memory_space<vmem>>, %arg2: memref<768x768xbf16, #tpu.memory_space<vmem>>, %arg3: memref<1x768xf32, #tpu.memory_space<vmem>>, %arg4: memref<584x768xf32, #tpu.memory_space<vmem>>) attributes {dimension_semantics = [#tpu.dimension_semantics<arbitrary>], iteration_bounds = array<i64: 8>, scalar_prefetch = 0 : i64, scratch_operands = 0 : i64, tpu.core_type = #tpu.core_type<tc>, window_params = [{transform_indices = @transform_0, window_bounds = array<i64: 1, 3, 384, 384>}, {pipeline_mode = #tpu.pipeline_mode<synchronous>, transform_indices = @transform_1, window_bounds = array<i64: 768, 768>}, {pipeline_mode = #tpu.pipeline_mode<synchronous>, transform_indices = @transform_2, window_bounds = array<i64: 1, 768>}, {transform_indices = @transform_3, window_bounds = array<i64: 584, 768>}]} {
    %get3A = arith.constant 0 : index
    %get3A_0 = arith.constant 0 : index
    %get3A_1 = arith.constant 0 : index
    %get3A_2 = arith.constant 0 : index
    %get3A_3 = vector.load %arg1[%get3A, %get3A_0, %get3A_1, %get3A_2] : memref<1x3x384x384xf32, #tpu.memory_space<vmem>>, vector<1x3x384x384xf32>
    %get3A_4 = vector.shape_cast %get3A_3 : vector<1x3x384x384xf32> to vector<3x384x384xf32>
    %convert_element_type3A = arith.truncf %get3A_4 : vector<3x384x384xf32> to vector<3x384x384xbf16>
    %reshape3A = vector.shape_cast %convert_element_type3A : vector<3x384x384xbf16> to vector<3x24x16x24x16xbf16>
    %transpose3A = tpu.transpose %reshape3A, [1, 3, 0, 2, 4] : vector<3x24x16x24x16xbf16> -> vector<24x24x3x16x16xbf16>
    %reshape3A_5 = vector.shape_cast %transpose3A : vector<24x24x3x16x16xbf16> to vector<576x768xbf16>
    %get3A_6 = arith.constant 0 : index
    %get3A_7 = arith.constant 0 : index
    %get3A_8 = vector.load %arg2[%get3A_6, %get3A_7] : memref<768x768xbf16, #tpu.memory_space<vmem>>, vector<768x768xbf16>
    %dot_general3A = arith.constant dense<0.000000e+00> : vector<576x768xf32>
    %dot_general3A_9 = tpu.matmul %reshape3A_5, %get3A_8, %dot_general3A {dimension_numbers = #tpu.dot_dimension_numbers<[1], [1], [0], [0], [0, 0, 1, 0], [], []>, transpose_lhs_hint = false} : vector<576x768xbf16>, vector<768x768xbf16>, vector<576x768xf32> -> vector<576x768xf32>
    %get3A_10 = arith.constant 0 : index
    %get3A_11 = arith.constant 0 : index
    %get3A_12 = vector.load %arg3[%get3A_10, %get3A_11] : memref<1x768xf32, #tpu.memory_space<vmem>>, vector<1x768xf32>
    %add3A = vector.broadcast %get3A_12 : vector<1x768xf32> to vector<576x768xf32>
    %add3A_13 = arith.addf %dot_general3A_9, %add3A : vector<576x768xf32>
    %swap3A = arith.constant 0 : index
    %swap3A_14 = arith.constant 0 : index
    %swap3A_15 = vector.load %arg4[%swap3A, %swap3A_14] : memref<584x768xf32, #tpu.memory_space<vmem>>, vector<576x768xf32>
    tpu.vector_store %arg4[%swap3A, %swap3A_14], %add3A_13 {strides = array<i32>} : memref<584x768xf32, #tpu.memory_space<vmem>>, vector<576x768xf32>,
    %broadcast_in_dim3A = arith.constant 0.000000e+00 : f32
    %broadcast_in_dim3A_16 = vector.broadcast %broadcast_in_dim3A : f32 to vector<8x768xf32>
    %swap3A_17 = arith.constant 576 : index
    %swap3A_18 = arith.constant 0 : index
    %swap3A_19 = vector.load %arg4[%swap3A_17, %swap3A_18] : memref<584x768xf32, #tpu.memory_space<vmem>>, vector<8x768xf32>
    tpu.vector_store %arg4[%swap3A_17, %swap3A_18], %broadcast_in_dim3A_16 {strides = array<i32>} : memref<584x768xf32, #tpu.memory_space<vmem>>, vector<8x768xf32>,
    return
  }
  func.func @transform_0(%arg0: i32) -> (i32, i32, i32, i32) {
    %c0_i32 = arith.constant 0 : i32
    %c0_i32_0 = arith.constant 0 : i32
    %c0_i32_1 = arith.constant 0 : i32
    %c0_i32_2 = arith.constant 0 : i32
    return %arg0, %c0_i32, %c0_i32_0, %c0_i32_1 : i32, i32, i32, i32
  }
  func.func @transform_1(%arg0: i32) -> (i32, i32) {
    %c0_i32 = arith.constant 0 : i32
    %c0_i32_0 = arith.constant 0 : i32
    %c0_i32_1 = arith.constant 0 : i32
    return %c0_i32, %c0_i32_0 : i32, i32
  }
  func.func @transform_2(%arg0: i32) -> (i32, i32) {
    %c0_i32 = arith.constant 0 : i32
    %c0_i32_0 = arith.constant 0 : i32
    %c0_i32_1 = arith.constant 0 : i32
    return %c0_i32, %c0_i32_0 : i32, i32
  }
  func.func @transform_3(%arg0: i32) -> (i32, i32) {
    %c0_i32 = arith.constant 0 : i32
    %c0_i32_0 = arith.constant 0 : i32
    return %arg0, %c0_i32 : i32, i32
  }
}

</mosaic_0001>

<sc_bundles>
// kernel: kernel.5.cloned.1.call-start
scs
__scs_entry_jumppad:
0x0: {  	(pc) =	sbr.rel $0x88, $3  }
0x1: {  	(tag) =	ssettag $0x0;
	lr =	simm.s32 $0x1  }
0x2: {  	[smem:$0x3F9B] =	sst lr;
	_ =	strace $0xD0000000  }
0x3: {  	_ = 	snop  }
0x4: {  	_ = 	snop  }
0x5: {  	_ = 	snop  }
0x6: {  	_ = 	snop  }
0x7: {  	_ = 	snop  }
__scs_overlays_trampoline_lowered:
0x8: {  	[smem:$0x3FAA] =	sst s0  }
0x9: {  	[smem:$0x3FAB] =	sst s1  }
0xa: {  	[smem:$0x3FAC] =	sst s2  }
0xb: {  	[smem:$0x3FAD] =	sst s3  }
0xc: {  	[smem:$0x3FAE] =	sst s4  }
0xd: {  	[smem:$0x3FAF] =	sst s5  }
0xe: {  	[smem:$0x3FB0] =	sst s6  }
0xf: {  	[smem:$0x3FB1] =	sst s7  }
0x10: {  	[smem:$0x3FB2] =	sst s8  }
0x11: {  	[smem:$0x3FB3] =	sst s9;
	s0 =	simm.s32 @!p0 $0x0  }
0x12: {  	s1 =	sld [smem:$0x3F99];
	s0 =	simm.s32 @p0 $0x1  }
0x13: {  	[smem:$0x3FB4] =	sst s0;
	s0 =	simm.s32 @!p1 $0x0  }
0x14: {  	s2 =	sld [smem:$0x3F98];
	s0 =	simm.s32 @p1 $0x1  }
0x15: {  	[smem:$0x3FB5] =	sst s0;
	s0 =	simm.s32 @!p2 $0x0  }
0x16: {  	s3 =	sld [smem:$0x3FDB];
	s0 =	simm.s32 @p2 $0x1  }
0x17: {  	s4 =	simm.s32 $0x1BF5;
	[smem:$0x3FB7] =	sst s0  }
0x18: {  	s0 =	sld [smem:$0x3F9A];
	_ =	swait.ge [sflag:s4], $0x0  }
0x19: {  	s7 =	sld [smem:$0x3F9B]  }
0x1a: {  	s8 =	sadd.s32 $0xFFFFE003, lr  }
0x1b: {  	s9 =	sadd.s32 $0xFFFFFEF7, lr;
	s5 =	simm.s32 $0xFFFFFFFF;
	p2 =	slt.u32 s8, $0xFFFFF086  }
0x1c: {  	p1 =	slt.u32 s9, $0xF7A;
	s5 =	simm.s32 @!p2 $0x0  }
0x1d: {  	s5 =	simm.s32 @p1 $0x1;
	p0 =	seq.s32 s7, s2  }
0x1e: {  	s7 =	smul.u32 @!p0 $0xF7A, s2;
	p2 =	seq.s32 @!p0 s5, $0x0  }
0x1f: {  	s9 =	smul.u32 $0xF7A, s1;
	s8 =	simm.s32 @!p0 $0x1BF5;
	p2 =	por !p2, p0  }
0x20: {  	[sflag:s8] =	ssyncset.s32 @!p0 $0xFFFFF086;
	s6 =	sadd.s32 @!p0 s3, s7;
	s7 =	simm.s32 @!p0 $0x108  }
0x21: {  	s3 =	sadd.s32 s3, s9;
	s6 =	sadd.s32 @!p0 $0x88, s6;
	s7 =	simm.s32 @p2 $0x1082  }
0x22: {  	[simem:s7], [sflag:s8] =	dma.local @!p0 [hbm:s6], $0xF7A  }
0x23: {  	s9 =	sor.u32 $0xD0000000, s2;
	s6 =	simm.s32 $0x108;
	_ =	swait.ge @!p0 [sflag:s8], $0x0  }
0x24: {  	s3 =	sadd.s32 $0x88, s3;
	s6 =	simm.s32 @!p1 $0x1082;
	[sflag:s4] =	ssyncset.s32 $0xFFFFF086  }
0x25: {  	[simem:s6], [sflag:s4] =	dma.local [hbm:s3], $0xF7A  }
0x26: {  	[smem:$0x3F9B] =	sst s1;
	(tag) =	ssettag s2;
	_ =	strace s9  }
0x27: {  	s1 =	sld [smem:$0x3FAB]  }
0x28: {  	s2 =	sld [smem:$0x3FAC]  }
0x29: {  	s4 =	sld [smem:$0x3FAE]  }
0x2a: {  	p0 =	seq.s32 s5, $0x0;
	s5 =	sld [smem:$0x3FAF]  }
0x2b: {  	s6 =	sld [smem:$0x3FB0]  }
0x2c: {  	s7 =	sld [smem:$0x3FB1]  }
0x2d: {  	s3 =	simm.s32 $0x108;
	s8 =	sld [smem:$0x3FB2]  }
0x2e: {  	s3 =	simm.s32 @!p0 $0x1082;
	s9 =	sld [smem:$0x3FB3]  }
0x2f: {  	lr =	sadd.s32 s0, s3;
	s0 =	sld [smem:$0x3FAA]  }
0x30: {  	s3 =	sld [smem:$0x3FAD]  }
0x31: {  	[smem:$0x3FB6] =	sst s10  }
0x32: {  	s10 =	sld [smem:$0x3FB4];
	_ =	sdelay $0x3  }
0x33: {  	p0 =	seq.s32 s10, $0x1;
	s10 =	sld [smem:$0x3FB6];
	_ =	sdelay $0x3  }
0x34: {  	[smem:$0x3FB6] =	sst s10  }
0x35: {  	s10 =	sld [smem:$0x3FB5];
	_ =	sdelay $0x3  }
0x36: {  	p1 =	seq.s32 s10, $0x1;
	s10 =	sld [smem:$0x3FB6];
	_ =	sdelay $0x3  }
0x37: {  	[smem:$0x3FB6] =	sst s10  }
0x38: {  	s10 =	sld [smem:$0x3FB7]  }
0x39: {  	_ = 	snop;
	(pc) =	sbr.ind lr, $3  }
0x3a: {  	_ = 	snop  }
0x3b: {  	_ = 	snop  }
0x3c: {  	p2 =	seq.s32 s10, $0x1;
	s10 =	sld [smem:$0x3FB6]  }
0x3d: {  	_ =	shalt  }
0x3e: {  	_ =	shalt  }
0x3f: {  	_ =	shalt  }
0x40: {  	_ =	shalt  }
0x41: {  	_ =	shalt  }
0x42: {  	_ =	shalt  }
0x43: {  	_ =	shalt  }
0x44: {  	_ =	shalt  }
0x45: {  	_ =	shalt  }
0x46: {  	_ =	shalt  }
0x47: {  	_ =	shalt  }
0x48: {  	_ =	shalt  }
0x49: {  	_ =	shalt  }
0x4a: {  	_ =	shalt  }
0x4b: {  	_ =	shalt  }
0x4c: {  	_ =	shalt  }
0x4d: {  	_ =	shalt  }
0x4e: {  	_ =	shalt  }
0x4f: {  	_ =	shalt  }
0x50: {  	_ =	shalt  }
0x51: {  	_ =	shalt  }
0x52: {  	_ =	shalt  }
0x53: {  	_ =	shalt  }
0x54: {  	_ =	shalt  }
0x55: {  	_ =	shalt  }
0x56: {  	_ =	shalt  }
0x57: {  	_ =	shalt  }
0x58: {  	_ =	shalt  }
0x59: {  	_ =	shalt  }
0x5a: {  	_ =	shalt  }
0x5b: {  	_ =	shalt  }
0x5c: {  	_ =	shalt  }
0x5d: {  	_ =	shalt  }
0x5e: {  	_ =	shalt  }
0x5f: {  	_ =	shalt  }
0x60: {  	_ =	shalt  }
0x61: {  	_ =	shalt  }
0x62: {  	_ =	shalt  }
0x63: {  	_ =	shalt  }
0x64: {  	_ =	shalt  }
0x65: {  	_ =	shalt  }
0x66: {  	_ =	shalt  }
0x67: {  	_ =	shalt  }
0x68: {  	_ =	shalt  }
0x69: {  	_ =	shalt  }
0x6a: {  	_ =	shalt  }
0x6b: {  	_ =	shalt  }
0x6c: {  	_ =	shalt  }
0x6d: {  	_ =	shalt  }
0x6e: {  	_ =	shalt  }
0x6f: {  	_ =	shalt  }
0x70: {  	_ =	shalt  }
0x71: {  	_ =	shalt  }
0x72: {  	_ =	shalt  }
0x73: {  	_ =	shalt  }
0x74: {  	_ =	shalt  }
0x75: {  	_ =	shalt  }
0x76: {  	_ =	shalt  }
0x77: {  	_ =	shalt  }
0x78: {  	_ =	shalt  }
0x79: {  	_ =	shalt  }
0x7a: {  	_ =	shalt  }
0x7b: {  	_ =	shalt  }
0x7c: {  	_ =	shalt  }
0x7d: {  	_ =	shalt  }
0x7e: {  	_ =	shalt  }
0x7f: {  	_ =	shalt  }
0x80: {  	_ =	shalt  }
0x81: {  	_ =	shalt  }
0x82: {  	_ =	shalt  }
0x83: {  	_ =	shalt  }
0x84: {  	_ =	shalt  }
0x85: {  	_ =	shalt  }
0x86: {  	_ =	shalt  }
0x87: {  	_ =	shalt  }
.Lfunc_end0:
.L_simem_size_0:
called_computation_lowered:
.L_overlay_start_0:
0x88: {  	s2 =	sld [smem:$0x3FD9]  }
0x89: {  	s3 =	sld [smem:$0x3FFE];
	_ =	sdelay $0x1  }
0x8a: {  	s1 =	srdreg.scid  }
0x8b: {  	s0 =	sand.u32 $0x1, s1  }
0x8c: {  	s14 =	sshll.u32 s0, $0xA;
	s2 =	sadd.s32 s3, s2  }
0x8d: {  	s2 =	sadd.s32 s2, s14  }
0x8e: {  	[smem:$0x3FC2] =	sst s2  }
0x8f: {  	_ = 	snop  }
0x90: {  	s2 =	sld [smem:$0x3FD0];
	_ =	sdelay $0x2  }
0x91: {  	s15 =	simm.s32 $0xA;
	s4 =	simm.s32 $0x10  }
0x92: {  	[smem:s4], [sflag:s15] =	dma.local [hbm:s2], $0x1  }
0x93: {  	_ =	swait.eq [sflag:s15], $0x1  }
0x94: {  	[sflag:s15] =	ssyncset.done $0x0  }
0x95: {  	[sflag:s15] =	ssyncadd.s32 $0xFFFFFFFF  }
0x96: {  	s16 =	sld [smem:$0x12];
	(tm) =	ssettm $0x1  }
0x97: {  	s17 =	sld [smem:$0x3FFB];
	_ =	sdelay $0x3  }
0x98: {  	_ =	strace s17  }
0x99: {  	s3 =	sld [smem:$0x3FFC];
	_ =	sdelay $0x3  }
0x9a: {  	_ =	strace s3  }
0x9b: {  	s3 =	sld [smem:$0x3FFD];
	_ =	sdelay $0x3  }
0x9c: {  	_ =	strace s3  }
0x9d: {  	_ =	strace $0x8FFFFFFF  }
0x9e: {  	s18 =	sld [smem:$0x3FDB];
	_ =	sdelay $0x1  }
0x9f: {  	s19 =	simm.s32 $_scs_section_size  }
0xa0: {  	s5 =	simm.s32 $_size__tile_overlayer_lowered;
	s6 =	simm.s32 $_tile_overlayer_lowered  }
0xa1: {  	s22 =	simm.s32 $0x1BFF;
	s21 =	sshll.u32 s6, $0x1;
	s3 =	sadd.s32 s19, s18  }
0xa2: {  	s7 =	simm.s32 $0x0;
	s20 =	sshll.u32 s5, $0x1;
	s5 =	sadd.s32 s21, s3  }
0xa3: {  	[timem:s7], [sflag:s22] =	dma.local [hbm:s5], s20  }
0xa4: {  	_ =	swait.ge [sflag:s22], s20  }
0xa5: {  	s4 =	ssub.s32 $0x0, s20;
	[sflag:s22] =	ssyncset.done $0x0  }
0xa6: {  	[sflag:s22] =	ssyncadd.s32 s4;
	_ =	sdelay $0x1  }
0xa7: {  	s23 =	simm.s32 $0x1B8B  }
0xa8: {  	_ =	swait.ge [sflag:s23], $0x1  }
0xa9: {  	[sflag:s23] =	ssyncset.done $0x0  }
0xaa: {  	s25 =	simm.s32 $0x1B8E;
	s24 =	sld [smem:$0x3FFE];
	[sflag:s23] =	ssyncadd.s32 $0xFFFFFFFF  }
0xab: {  	s26 =	simm.s32 $execute0_lowered;
	[smem:$0x3FD2] =	sst s25  }
0xac: {  	s5 =	sshll.u32 s26, $0x1;
	_ =	strace $0x80000046;
	[dreg:$0x1] =	wrdreg $0xFFFFFFFF  }
0xad: {  	s28 =	simm.s32 $_size_execute0_lowered;
	s3 =	sadd.s32 s3, s5;
	[dreg:$0x0] =	wrdreg $0x0  }
0xae: {  	s5 =	sshll.u32 s28, $0x1;
	[dreg:$0x2] =	wrdreg s3  }
0xaf: {  	[dreg:$0x3] =	wrdreg s5  }
0xb0: {  	[dreg:$0x4] =	wrdreg $0xC0  }
0xb1: {  	_ =	task [dreg:s7], $0x5FFFF  }
0xb2: {  	[dreg:$0x1] =	wrdreg $0xFFFFFFFF  }
0xb3: {  	[dreg:$0x0] =	wrdreg $0x60  }
0xb4: {  	[dreg:$0x2] =	wrdreg s24  }
0xb5: {  	[dreg:$0x3] =	wrdreg s16  }
0xb6: {  	[dreg:$0x4] =	wrdreg $0x9  }
0xb7: {  	_ =	task.clear_ibuf [dreg:s7], $0x5FFFF;
	_ =	strace $0x90000046  }
0xb8: {  	s29 =	simm.s32 $0x9;
	_ =	strace $0x80000048  }
0xb9: {  	_ =	swait.ge [sflag:s29], $0x1  }
0xba: {  	[sflag:s29] =	ssyncadd.s32 $0xFFFFFFFF  }
0xbb: {  	_ =	strace $0x90000048  }
0xbc: {  	_ =	sfence  }
0xbd: {  	s30 =	sld [smem:$0x0];
	_ =	sdelay $0x2  }
0xbe: {  	s31 =	sshll.u32 s1, $0xD;
	s1 =	sshrl.u32 s1, $0x2  }
0xbf: {  	s3 =	sand.u32 $0x4000, s31;
	s1 =	sadd.s32 s1, s30  }
0xc0: {  	s0 =	sor.u32 s3, s0;
	s1 =	sshll.u32 s1, $0x11  }
0xc1: {  	s0 =	sor.u32 s1, s0  }
0xc2: {  	s0 =	sadd.s32 $0x8F2B, s0  }
0xc3: {  	[sflag:s0] =	ssyncadd.remote.s32 $0x1  }
0xc4: {  	_ =	sfence.sel $0xFFFF  }
0xc5: {  	[dreg:$0x0] =	wrdreg $0xFFFFFFFF;
	(pc) =	sbr.abs _section_cstart, $3  }
0xc6: {  	[dreg:$0x1] =	wrdreg $0xFFFFFFFF  }
0xc7: {  	_ =	task.clear_ibuf [dreg:s7], $0x2FFFF;
	_ =	strace $0x9FFFFFFF  }
0xc8: {  	(tm) =	ssettm $0x7FFFFFFF  }
0xc9: {  	_ =	shalt  }
tec
execute0_lowered:
.L_overlay_start_1:
0x0: {  	(tag) =	ssettag $0x1  }
0x1: {  	s0 =	rddreg [dreg:$0x0];
	s1 =	srdreg.scid  }
0x2: {  	s7 =	stileid.u32;
	s4 =	rddreg [dreg:$0x1];
	s2 =	simm.s32 $0x0  }
0x3: {  	s28 =	simm.s32 $0x0;
	s1 =	sand.u32 $0x1, s1;
	s3 =	sshll.u32 s7, $0x1  }
0x4: {  	[smem:$0x7FF] =	sst s2;
	p0 =	slt.u32 s7, $0xC;
	s9 =	sadd.s32 $0x6F600, s0  }
0x5: {  	s10 =	sadd.s32 $0xDCE00, s0;
	s7 =	sadd.s32 $0x2000, s0;
	s3 =	sor.u32 s1, s3  }
0x6: {  	_ =	strace $0x80000047;
	s1 =	ssub.s32 $0x2, s1;
	s5 =	smul.u32 $0x98, s3  }
0x7: {  	s6 =	smul.u32 $0x90, s3;
	s3 =	sadd.s32 $0x1E00, s0;
	s30 =	sshrl.u32 s1, $0x1  }
0x8: {  	s1 =	ssub.s32 s1, s30;
	s8 =	sadd.s32 $0xFFFFFF40, s5;
	s5 =	sadd.s32 $0xFFFFFFD0, s5  }
0x9: {  	s8 =	smov.u32 @p0 s6;
	s6 =	sadd.s32 $0x1F00, s0;
	s5 =	sshrl.u32 s5, $0x3  }
0xa: {  	s31 =	sshrl.u32 s8, $0x3;
	s12 =	sadd.s32 $0x18, s8;
	s14 =	sadd.s32 $0x30, s8  }
0xb: {  	s18 =	sadd.s32 $0x48, s8;
	s20 =	sadd.s32 $0x60, s8;
	s23 =	smul.u32 $0x300, s5  }
0xc: {  	s8 =	sadd.s32 $0x78, s8;
	s5 =	simm.s32 $0xE900;
	s11 =	smul.u32 $0x300, s31  }
0xd: {  	s4 =	sadd.s32 s4, s31;
	s13 =	sshrl.u32 s12, $0x3;
	s12 =	sshrl.u32 s14, $0x3  }
0xe: {  	s8 =	sshrl.u32 s8, $0x3;
	[dreg:$0x3] =	wrdreg s4;
	s4 =	smul.u32 $0x300, s13  }
0xf: {  	s31 =	smax.u32 s1, $0x1;
	s14 =	simm.s32 $0x1;
	s16 =	smul.u32 $0x300, s12  }
0x10: {  	s12 =	sshrl.u32 s20, $0x3;
	s21 =	smul.u32 $0x300, s8;
	s30 =	sadd.s32 s9, s23  }
0x11: {  	[dreg:$0x12] =	wrdreg s31;
	s20 =	simm.s32 $0xD900;
	s8 =	simm.s32 $0xF100  }
0x12: {  	s13 =	simm.s32 $0x11900;
	s15 =	sadd.s32 s9, s11;
	[dreg:$0x10] =	wrdreg s30  }
0x13: {  	s11 =	sadd.s32 s10, s11;
	s12 =	smul.u32 $0x300, s12;
	[dreg:$0x4] =	wrdreg s15  }
0x14: {  	s17 =	sadd.s32 s9, s4;
	[dreg:$0x6] =	wrdreg s11;
	s19 =	sadd.s32 s9, s16  }
0x15: {  	s11 =	sshrl.u32 s18, $0x3;
	s4 =	sadd.s32 s10, s4;
	[dreg:$0x5] =	wrdreg s17  }
0x16: {  	s0 =	sadd.s32 s10, s16;
	s26 =	sadd.s32 s9, s21;
	[dreg:$0x7] =	wrdreg s19  }
0x17: {  	s15 =	simm.s32 $0x3;
	s16 =	simm.s32 $0x5;
	[dreg:$0x8] =	wrdreg s4  }
0x18: {  	s18 =	simm.s32 $0x4;
	s11 =	smul.u32 $0x300, s11;
	[dreg:$0xa] =	wrdreg s0  }
0x19: {  	s24 =	sadd.s32 s9, s12;
	[dreg:$0xd] =	wrdreg s26;
	s29 =	sadd.s32 s10, s12  }
0x1a: {  	s4 =	sadd.s32 s10, s21;
	s0 =	sadd.s32 s10, s23;
	s23 =	simm.s32 $0x100  }
0x1b: {  	s26 =	simm.s32 $0xA100;
	s19 =	simm.s32 $0x4900;
	[dreg:$0xb] =	wrdreg s24  }
0x1c: {  	s12 =	simm.s32 $0x11100;
	s17 =	simm.s32 $0x2;
	[dreg:$0xe] =	wrdreg s29  }
.Ltmp0:
0x1d: {  	s21 =	simm.s32 $0x6;
	[dreg:$0xf] =	wrdreg s4;
	(pc) =	sbr.rel .LBB2_1-.Ltmp0, $4  }
0x1e: {  	[dreg:$0x11] =	wrdreg s0;
	s24 =	simm.s32 $0x9100;
	s4 =	simm.s32 $0xE100  }
0x1f: {  	v2 =	vlaneseq.u32;
	s22 =	sadd.s32 s9, s11;
	s25 =	sadd.s32 s10, s11;
	s9 =	simm.s32 $0xF900  }
0x20: {  	vm0 =	vmmov $0xffff;
	v1 =	vshrl.u32 v2, $0x3;
	s10 =	simm.s32 $0x10100;
	s11 =	simm.s32 $0x10900;
	[dreg:$0x9] =	wrdreg s22  }
0x21: {  	v0 =	vand.u32 $0x7, v2;
	v2 =	vor.u32 $0x8, v2;
	v1 =	vmul.u32 $0x8, v1;
	[dreg:$0xc] =	wrdreg s25;
	s22 =	simm.s32 $0x7;
	s25 =	simm.s32 $0x9900  }
.LBB2_16:
0x22: {  	v10 =	vld [tilespmem:s30+$0x9150]  }
0x23: {  	v11 =	vld [tilespmem:s30+$0x100]  }
0x24: {  	v12 =	vld [tilespmem:s30+$0x110]  }
0x25: {  	[tilespmem:s29+$0x160] =	vst v8;
	v13 =	vld [tilespmem:s30+$0x120]  }
0x26: {  	v8 =	vld [tilespmem:s30+$0x9160]  }
0x27: {  	[tilespmem:s29+$0x170] =	vst v9;
	v14 =	vld [tilespmem:s30+$0x130]  }
0x28: {  	v9 =	vld [tilespmem:s30+$0x9170]  }
0x29: {  	v59 =	vld [tilespmem:s30+$0x150]  }
0x2a: {  	v15 =	vld [tilespmem:s30+$0x140];
	v3 =	vadd.f32 v3, v11  }
0x2b: {  	v61 =	vld [tilespmem:s30+$0x170];
	v5 =	vadd.f32 v5, v12  }
0x2c: {  	v60 =	vld [tilespmem:s30+$0x160];
	v4 =	vadd.f32 v4, v14;
	[tilespmem:s30+$0x100] =	vst v3  }
0x2d: {  	v3 =	vadd.f32 v6, v13;
	[tilespmem:s30+$0x110] =	vst v5  }
0x2e: {  	v62 =	vadd.f32 v10, v59;
	[tilespmem:s30+$0x130] =	vst v4  }
0x2f: {  	[tilespmem:s30+$0x120] =	vst v3;
	v3 =	vadd.f32 v7, v15  }
0x30: {  	v63 =	vadd.f32 v9, v61;
	[tilespmem:s30+$0x150] =	vst v62  }
0x31: {  	[tilespmem:s30+$0x140] =	vst v3;
	v3 =	vadd.f32 v8, v60  }
0x32: {  	[tilespmem:s30+$0x170] =	vst v63  }
0x33: {  	s0 =	rddreg [dreg:$0x11];
	[tilespmem:s30+$0x160] =	vst v3  }
0x34: {  	[hbm4b:s0+s2] =	stream.linear.scatter [tilespmem:s23], [sflag:$0x7], $0x1800, $0x38;
	[tilespmem:$0x12100] =	vst v63  }
0x35: {  	_ =	swait.ge [sflag:s22], $0x1800  }
0x36: {  	[sflag:s22] =	ssyncset.done $0x0  }
0x37: {  	[sflag:s22] =	ssyncadd.s32 $0xFFFFE800  }
.LBB2_17:
0x38: {  	s28 =	sadd.s32 $0x1, s28;
	s0 =	rddreg [dreg:$0x12]  }
0x39: {  	p1 =	sne.s32 s28, s0  }
.Ltmp1:
0x3a: {  	_ = 	snop;
	(pc) =	sbr.rel @!p1 .LBB2_18-.Ltmp1, $1  }
0x3b: {  	_ =	sdelay $0x3  }
.LBB2_1:
0x3c: {  	s0 =	rddreg [dreg:$0x3]  }
0x3d: {  	[tilespmem:s2], [sflag:$0x7] =	stream.linear.gather [hbm4b:s0+s2], $0x98, $0x38;
	[tilespmem:$0x12100] =	vst v63  }
0x3e: {  	_ =	swait.ge [sflag:s22], $0x98  }
0x3f: {  	[sflag:s22] =	ssyncset.done $0x0  }
0x40: {  	s1 =	rddreg [dreg:$0x4];
	[sflag:s22] =	ssyncadd.s32 $0xFFFFFF68  }
0x41: {  	[tilespmem:s23], [sflag:$0x1] =	stream.linear.gather [hbm4b:s1+s2], $0x4800, $0x38;
	[tilespmem:$0x12100] =	vst v63  }
0x42: {  	v3 =	vld [tilespmem:$0x0];
	_ =	sdelay $0x4  }
0x43: {  	v4 =	vshrl.u32 v3, $0x3  }
0x44: {  	v4 =	vmul.u32 $0x30, v4  }
0x45: {  	v3 =	vand.u32 $0x7, v3  }
0x46: {  	v3 =	vor.u32 v3, v4  }
0x47: {  	v4 =	vperm.xlane v3, v0;
	_ =	sdelay $0x1  }
0x48: {  	v4 =	vadd.s32 v1, v4;
	_ =	sdelay $0x3  }
0x49: {  	v3 =	vperm.xlane v3, v2  }
0x4a: {  	[tilespmem:s24], [sflag:$0x3] =	stream.indirect_vreg.gather [hbm4b:s3+s2], $0x80, v4, vm0, $0xb8;
	[tilespmem:$0x12100] =	vst v63  }
0x4b: {  	v3 =	vadd.s32 v1, v3  }
0x4c: {  	[tilespmem:s25], [sflag:$0x3] =	stream.indirect_vreg.gather [hbm4b:s6+s2], $0x80, v4, vm0, $0xb8;
	[tilespmem:$0x12100] =	vst v63  }
0x4d: {  	_ = 	snop  }
0x4e: {  	[tilespmem:s26], [sflag:$0x3] =	stream.indirect_vreg.gather [hbm4b:s7+s2], $0x80, v4, vm0, $0xb8;
	[tilespmem:$0x12100] =	vst v63  }
0x4f: {  	s1 =	simm.s32 $0xA900  }
0x50: {  	[tilespmem:s1], [sflag:$0x3] =	stream.indirect_vreg.gather [hbm4b:s3+s2], $0x80, v3, vm0, $0xb8;
	[tilespmem:$0x12100] =	vst v63  }
0x51: {  	s1 =	simm.s32 $0xB100  }
0x52: {  	[tilespmem:s1], [sflag:$0x3] =	stream.indirect_vreg.gather [hbm4b:s6+s2], $0x80, v3, vm0, $0xb8;
	[tilespmem:$0x12100] =	vst v63  }
0x53: {  	s1 =	simm.s32 $0xB900  }
0x54: {  	[tilespmem:s1], [sflag:$0x3] =	stream.indirect_vreg.gather [hbm4b:s7+s2], $0x80, v3, vm0, $0xb8;
	[tilespmem:$0x12100] =	vst v63  }
0x55: {  	v3 =	vld.msk [tilespmem:$0x10], $0xff;
	_ =	sdelay $0x4  }
0x56: {  	v4 =	vshrl.u32 v3, $0x3  }
0x57: {  	v4 =	vmul.u32 $0x30, v4  }
0x58: {  	v3 =	vand.u32 $0x7, v3  }
0x59: {  	v3 =	vor.u32 v3, v4  }
0x5a: {  	v3 =	vperm.xlane v3, v0;
	_ =	sdelay $0x1  }
0x5b: {  	v3 =	vadd.s32 v1, v3;
	_ =	sdelay $0x3  }
0x5c: {  	s1 =	simm.s32 $0xC100  }
0x5d: {  	[tilespmem:s1], [sflag:$0x3] =	stream.indirect_vreg.gather [hbm4b:s3+s2], $0x80, v3, vm0, $0xb8;
	[tilespmem:$0x12100] =	vst v63  }
0x5e: {  	s1 =	simm.s32 $0xC900  }
0x5f: {  	[tilespmem:s1], [sflag:$0x3] =	stream.indirect_vreg.gather [hbm4b:s6+s2], $0x80, v3, vm0, $0xb8;
	[tilespmem:$0x12100] =	vst v63  }
0x60: {  	s1 =	simm.s32 $0xD100  }
0x61: {  	[tilespmem:s1], [sflag:$0x3] =	stream.indirect_vreg.gather [hbm4b:s7+s2], $0x80, v3, vm0, $0xb8;
	[tilespmem:$0x12100] =	vst v63  }
0x62: {  	s1 =	rddreg [dreg:$0x5]  }
0x63: {  	[tilespmem:s19], [sflag:$0x2] =	stream.linear.gather [hbm4b:s1+s2], $0x4800, $0x38;
	[tilespmem:$0x12100] =	vst v63  }
0x64: {  	v3 =	vld [tilespmem:$0x18];
	_ =	sdelay $0x4  }
0x65: {  	v4 =	vshrl.u32 v3, $0x3  }
0x66: {  	v4 =	vmul.u32 $0x30, v4  }
0x67: {  	v3 =	vand.u32 $0x7, v3  }
0x68: {  	v3 =	vor.u32 v3, v4  }
0x69: {  	v4 =	vperm.xlane v3, v0;
	_ =	sdelay $0x1  }
0x6a: {  	v4 =	vadd.s32 v1, v4;
	_ =	sdelay $0x3  }
0x6b: {  	v3 =	vperm.xlane v3, v2  }
0x6c: {  	[tilespmem:s20], [sflag:$0x4] =	stream.indirect_vreg.gather [hbm4b:s3+s2], $0x80, v4, vm0, $0xb8;
	[tilespmem:$0x12100] =	vst v63  }
0x6d: {  	v3 =	vadd.s32 v1, v3  }
0x6e: {  	[tilespmem:s4], [sflag:$0x4] =	stream.indirect_vreg.gather [hbm4b:s6+s2], $0x80, v4, vm0, $0xb8;
	[tilespmem:$0x12100] =	vst v63  }
0x6f: {  	_ = 	snop  }
0x70: {  	[tilespmem:s5], [sflag:$0x4] =	stream.indirect_vreg.gather [hbm4b:s7+s2], $0x80, v4, vm0, $0xb8;
	[tilespmem:$0x12100] =	vst v63  }
0x71: {  	_ = 	snop  }
0x72: {  	[tilespmem:s8], [sflag:$0x4] =	stream.indirect_vreg.gather [hbm4b:s3+s2], $0x80, v3, vm0, $0xb8;
	[tilespmem:$0x12100] =	vst v63  }
0x73: {  	_ = 	snop  }
0x74: {  	[tilespmem:s9], [sflag:$0x4] =	stream.indirect_vreg.gather [hbm4b:s6+s2], $0x80, v3, vm0, $0xb8;
	[tilespmem:$0x12100] =	vst v63  }
0x75: {  	_ = 	snop  }
0x76: {  	[tilespmem:s10], [sflag:$0x4] =	stream.indirect_vreg.gather [hbm4b:s7+s2], $0x80, v3, vm0, $0xb8;
	[tilespmem:$0x12100] =	vst v63  }
0x77: {  	v3 =	vld.msk [tilespmem:$0x28], $0xff;
	_ =	sdelay $0x4  }
0x78: {  	v4 =	vshrl.u32 v3, $0x3  }
0x79: {  	v4 =	vmul.u32 $0x30, v4  }
0x7a: {  	v3 =	vand.u32 $0x7, v3  }
0x7b: {  	v3 =	vor.u32 v3, v4  }
0x7c: {  	v3 =	vperm.xlane v3, v0;
	_ =	sdelay $0x1  }
0x7d: {  	v3 =	vadd.s32 v1, v3;
	_ =	sdelay $0x1  }
0x7e: {  	s29 =	smul.u32 $0xAB, s2;
	_ =	sdelay $0x1  }
0x7f: {  	s30 =	sshrl.u32 s29, $0xA  }
0x80: {  	[tilespmem:s11], [sflag:$0x4] =	stream.indirect_vreg.gather [hbm4b:s3+s2], $0x80, v3, vm0, $0xb8;
	[tilespmem:$0x12100] =	vst v63  }
0x81: {  	s30 =	sand.u32 $0x3F, s30  }
0x82: {  	[tilespmem:s12], [sflag:$0x4] =	stream.indirect_vreg.gather [hbm4b:s6+s2], $0x80, v3, vm0, $0xb8;
	[tilespmem:$0x12100] =	vst v63  }
0x83: {  	s31 =	smul.u32 $0x6, s30  }
0x84: {  	[tilespmem:s13], [sflag:$0x4] =	stream.indirect_vreg.gather [hbm4b:s7+s2], $0x80, v3, vm0, $0xb8;
	[tilespmem:$0x12100] =	vst v63  }
0x85: {  	_ =	swait.ge [sflag:s14], $0x4800  }
0x86: {  	s30 =	sshrl.u32 s30, $0x3;
	s31 =	ssub.s32 $0x0, s31;
	[sflag:s14] =	ssyncset.done $0x0  }
0x87: {  	s30 =	smul.u32 $0x1800, s30;
	s31 =	sand.u32 $0xFF, s31;
	[sflag:s14] =	ssyncadd.s32 $0xFFFFB800  }
0x88: {  	s29 =	sshrl.u32 s29, $0x3;
	s31 =	sshll.u32 s31, $0xA;
	_ =	swait.ge [sflag:s15], $0x4800  }
0x89: {  	s29 =	sand.u32 $0x380, s29;
	s30 =	sadd.s32 s31, s30;
	[sflag:s15] =	ssyncset.done $0x0  }
0x8a: {  	s29 =	sor.u32 s29, s30;
	[sflag:s15] =	ssyncadd.s32 $0xFFFFB800  }
0x8b: {  	v3 =	vld [tilespmem:s29+$0x9100]  }
0x8c: {  	v4 =	vld [tilespmem:s29+$0x9110]  }
0x8d: {  	v5 =	vld [tilespmem:s29+$0x9120]  }
0x8e: {  	v6 =	vld [tilespmem:s29+$0x9130]  }
0x8f: {  	s30 =	simm.s32 $0x1;
	v7 =	vld [tilespmem:s29+$0x9140]  }
0x90: {  	s30 =	smul.u32 $0xAB, s30;
	v8 =	vld [tilespmem:s29+$0x9150]  }
0x91: {  	v9 =	vld [tilespmem:s29+$0x100]  }
0x92: {  	s31 =	sshrl.u32 s30, $0xA;
	v10 =	vld [tilespmem:s29+$0x9160]  }
0x93: {  	s31 =	sand.u32 $0x3F, s31;
	v11 =	vld [tilespmem:s29+$0x110]  }
0x94: {  	s1 =	smul.u32 $0x6, s31;
	v12 =	vld [tilespmem:s29+$0x9170]  }
0x95: {  	v13 =	vld [tilespmem:s29+$0x120]  }
0x96: {  	s31 =	sshrl.u32 s31, $0x3;
	s1 =	ssub.s32 $0x1, s1;
	v14 =	vld [tilespmem:s29+$0x130]  }
0x97: {  	s31 =	smul.u32 $0x1800, s31;
	s1 =	sand.u32 $0xFF, s1;
	v3 =	vadd.f32 v3, v9;
	v9 =	vld [tilespmem:s29+$0x140]  }
0x98: {  	s30 =	sshrl.u32 s30, $0x3;
	s1 =	sshll.u32 s1, $0xA;
	v15 =	vld [tilespmem:s29+$0x150]  }
0x99: {  	s30 =	sand.u32 $0x380, s30;
	s1 =	sadd.s32 s1, s31;
	v4 =	vadd.f32 v4, v11;
	v11 =	vld [tilespmem:s29+$0x160]  }
0x9a: {  	s30 =	sor.u32 s30, s1;
	v16 =	vld [tilespmem:s29+$0x170];
	v13 =	vadd.f32 v5, v13;
	[tilespmem:s29+$0x100] =	vst v3  }
0x9b: {  	v3 =	vld [tilespmem:s30+$0x9100];
	[tilespmem:s29+$0x110] =	vst v4;
	v4 =	vadd.f32 v6, v14  }
0x9c: {  	v5 =	vld [tilespmem:s30+$0x9110];
	[tilespmem:s29+$0x120] =	vst v13;
	v7 =	vadd.f32 v7, v9  }
0x9d: {  	v6 =	vld [tilespmem:s30+$0x9120];
	[tilespmem:s29+$0x130] =	vst v4;
	v9 =	vadd.f32 v8, v15  }
0x9e: {  	v8 =	vadd.f32 v10, v11;
	v4 =	vld [tilespmem:s30+$0x9130];
	[tilespmem:s29+$0x140] =	vst v7  }
0x9f: {  	s31 =	simm.s32 $0x2;
	v7 =	vld [tilespmem:s30+$0x9140];
	[tilespmem:s29+$0x150] =	vst v9;
	v9 =	vadd.f32 v12, v16  }
.LBB2_2:
0xa0: {  	s1 =	smul.u32 $0xAB, s31;
	p1 =	sne.s32 s31, $0x8F;
	v10 =	vld [tilespmem:s30+$0x9150];
	[tilespmem:s29+$0x160] =	vst v8  }
0xa1: {  	v8 =	vld [tilespmem:s30+$0x9160];
	[tilespmem:s29+$0x170] =	vst v9;
	s29 =	smov.u32 s30  }
0xa2: {  	s30 =	sshrl.u32 s1, $0xA;
	v9 =	vld [tilespmem:s29+$0x9170]  }
0xa3: {  	s30 =	sand.u32 $0x3F, s30;
	v11 =	vld [tilespmem:s29+$0x100]  }
0xa4: {  	s0 =	smul.u32 $0x6, s30;
	v12 =	vld [tilespmem:s29+$0x110]  }
0xa5: {  	v13 =	vld [tilespmem:s29+$0x120]  }
0xa6: {  	s30 =	sshrl.u32 s30, $0x3;
	s0 =	ssub.s32 s31, s0;
	v14 =	vld [tilespmem:s29+$0x130]  }
0xa7: {  	s30 =	smul.u32 $0x1800, s30;
	s0 =	sand.u32 $0xFF, s0;
	v15 =	vld [tilespmem:s29+$0x140]  }
0xa8: {  	s1 =	sshrl.u32 s1, $0x3;
	s0 =	sshll.u32 s0, $0xA;
	v3 =	vadd.f32 v3, v11;
	v11 =	vld [tilespmem:s29+$0x150]  }
0xa9: {  	s1 =	sand.u32 $0x380, s1;
	s0 =	sadd.s32 s0, s30;
	v5 =	vadd.f32 v5, v12;
	v12 =	vld [tilespmem:s29+$0x160]  }
0xaa: {  	s30 =	sor.u32 s1, s0;
	[tilespmem:s29+$0x100] =	vst v3;
	v6 =	vadd.f32 v6, v13;
	v13 =	vld [tilespmem:s29+$0x170]  }
.Ltmp2:
0xab: {  	v3 =	vld [tilespmem:s30+$0x9100];
	[tilespmem:s29+$0x110] =	vst v5;
	v4 =	vadd.f32 v4, v14;
	(pc) =	sbr.rel @p1 .LBB2_2-.Ltmp2, $4  }
0xac: {  	v5 =	vld [tilespmem:s30+$0x9110];
	[tilespmem:s29+$0x120] =	vst v6;
	v7 =	vadd.f32 v7, v15  }
0xad: {  	v6 =	vld [tilespmem:s30+$0x9120];
	[tilespmem:s29+$0x130] =	vst v4;
	v10 =	vadd.f32 v10, v11  }
0xae: {  	v4 =	vld [tilespmem:s30+$0x9130];
	[tilespmem:s29+$0x140] =	vst v7;
	v8 =	vadd.f32 v8, v12  }
0xaf: {  	s31 =	sadd.s32 $0x1, s31;
	v7 =	vld [tilespmem:s30+$0x9140];
	[tilespmem:s29+$0x150] =	vst v10;
	v9 =	vadd.f32 v9, v13  }
0xb0: {  	v10 =	vld [tilespmem:s30+$0x9150]  }
0xb1: {  	v11 =	vld [tilespmem:s30+$0x100]  }
0xb2: {  	v12 =	vld [tilespmem:s30+$0x110]  }
0xb3: {  	[tilespmem:s29+$0x160] =	vst v8;
	v13 =	vld [tilespmem:s30+$0x120]  }
0xb4: {  	v8 =	vld [tilespmem:s30+$0x9160]  }
0xb5: {  	[tilespmem:s29+$0x170] =	vst v9;
	v14 =	vld [tilespmem:s30+$0x130]  }
0xb6: {  	v9 =	vld [tilespmem:s30+$0x9170]  }
0xb7: {  	v15 =	vld [tilespmem:s30+$0x140]  }
0xb8: {  	v3 =	vadd.f32 v3, v11;
	v11 =	vld [tilespmem:s30+$0x150]  }
0xb9: {  	v59 =	vld [tilespmem:s30+$0x160];
	v5 =	vadd.f32 v5, v12  }
0xba: {  	[tilespmem:s30+$0x100] =	vst v3;
	v3 =	vadd.f32 v6, v13;
	v6 =	vld [tilespmem:s30+$0x170]  }
0xbb: {  	v4 =	vadd.f32 v4, v14;
	[tilespmem:s30+$0x110] =	vst v5  }
0xbc: {  	[tilespmem:s30+$0x120] =	vst v3;
	v3 =	vadd.f32 v7, v15  }
0xbd: {  	[tilespmem:s30+$0x130] =	vst v4;
	v4 =	vadd.f32 v10, v11  }
0xbe: {  	[tilespmem:s30+$0x140] =	vst v3;
	v3 =	vadd.f32 v8, v59  }
0xbf: {  	[tilespmem:s30+$0x150] =	vst v4;
	v4 =	vadd.f32 v9, v6  }
0xc0: {  	[tilespmem:s30+$0x160] =	vst v3  }
0xc1: {  	s0 =	simm.s32 $0x0;
	s1 =	rddreg [dreg:$0x6];
	[tilespmem:s30+$0x170] =	vst v4  }
0xc2: {  	[hbm4b:s1+s0] =	stream.linear.scatter [tilespmem:s23], [sflag:$0x5], $0x4800, $0x38;
	[tilespmem:$0x12100] =	vst v63  }
0xc3: {  	_ =	swait.ge [sflag:s16], $0x4800  }
0xc4: {  	[sflag:s16] =	ssyncset.done $0x0  }
0xc5: {  	s1 =	rddreg [dreg:$0x7];
	[sflag:s16] =	ssyncadd.s32 $0xFFFFB800  }
0xc6: {  	[tilespmem:s23], [sflag:$0x1] =	stream.linear.gather [hbm4b:s1+s0], $0x4800, $0x38;
	[tilespmem:$0x12100] =	vst v63  }
0xc7: {  	v3 =	vld [tilespmem:$0x30];
	_ =	sdelay $0x4  }
0xc8: {  	v4 =	vshrl.u32 v3, $0x3  }
0xc9: {  	v4 =	vmul.u32 $0x30, v4  }
0xca: {  	v3 =	vand.u32 $0x7, v3  }
0xcb: {  	v3 =	vor.u32 v3, v4  }
0xcc: {  	v4 =	vperm.xlane v3, v0;
	_ =	sdelay $0x1  }
0xcd: {  	v4 =	vadd.s32 v1, v4;
	_ =	sdelay $0x3  }
0xce: {  	v3 =	vperm.xlane v3, v2  }
0xcf: {  	[tilespmem:s24], [sflag:$0x3] =	stream.indirect_vreg.gather [hbm4b:s3+s0], $0x80, v4, vm0, $0xb8;
	[tilespmem:$0x12100] =	vst v63  }
0xd0: {  	v3 =	vadd.s32 v1, v3  }
0xd1: {  	[tilespmem:s25], [sflag:$0x3] =	stream.indirect_vreg.gather [hbm4b:s6+s0], $0x80, v4, vm0, $0xb8;
	[tilespmem:$0x12100] =	vst v63  }
0xd2: {  	_ = 	snop  }
0xd3: {  	[tilespmem:s26], [sflag:$0x3] =	stream.indirect_vreg.gather [hbm4b:s7+s0], $0x80, v4, vm0, $0xb8;
	[tilespmem:$0x12100] =	vst v63  }
0xd4: {  	s1 =	simm.s32 $0xA900  }
0xd5: {  	[tilespmem:s1], [sflag:$0x3] =	stream.indirect_vreg.gather [hbm4b:s3+s0], $0x80, v3, vm0, $0xb8;
	[tilespmem:$0x12100] =	vst v63  }
0xd6: {  	s1 =	simm.s32 $0xB100  }
0xd7: {  	[tilespmem:s1], [sflag:$0x3] =	stream.indirect_vreg.gather [hbm4b:s6+s0], $0x80, v3, vm0, $0xb8;
	[tilespmem:$0x12100] =	vst v63  }
0xd8: {  	s1 =	simm.s32 $0xB900  }
0xd9: {  	[tilespmem:s1], [sflag:$0x3] =	stream.indirect_vreg.gather [hbm4b:s7+s0], $0x80, v3, vm0, $0xb8;
	[tilespmem:$0x12100] =	vst v63  }
0xda: {  	v3 =	vld.msk [tilespmem:$0x40], $0xff;
	_ =	sdelay $0x4  }
0xdb: {  	v4 =	vshrl.u32 v3, $0x3  }
0xdc: {  	v4 =	vmul.u32 $0x30, v4  }
0xdd: {  	v3 =	vand.u32 $0x7, v3  }
0xde: {  	v3 =	vor.u32 v3, v4  }
0xdf: {  	v3 =	vperm.xlane v3, v0;
	_ =	sdelay $0x1  }
0xe0: {  	v3 =	vadd.s32 v1, v3;
	_ =	sdelay $0x3  }
0xe1: {  	s1 =	simm.s32 $0xC100  }
0xe2: {  	[tilespmem:s1], [sflag:$0x3] =	stream.indirect_vreg.gather [hbm4b:s3+s0], $0x80, v3, vm0, $0xb8;
	[tilespmem:$0x12100] =	vst v63  }
0xe3: {  	s1 =	simm.s32 $0xC900  }
0xe4: {  	[tilespmem:s1], [sflag:$0x3] =	stream.indirect_vreg.gather [hbm4b:s6+s0], $0x80, v3, vm0, $0xb8;
	[tilespmem:$0x12100] =	vst v63  }
0xe5: {  	s29 =	simm.s32 $0xD100;
	s1 =	smul.u32 $0xAB, s0  }
0xe6: {  	[tilespmem:s29], [sflag:$0x3] =	stream.indirect_vreg.gather [hbm4b:s7+s0], $0x80, v3, vm0, $0xb8;
	[tilespmem:$0x12100] =	vst v63  }
0xe7: {  	s0 =	sshrl.u32 s1, $0xA  }
0xe8: {  	s0 =	sand.u32 $0x3F, s0  }
0xe9: {  	s29 =	smul.u32 $0x6, s0  }
0xea: {  	_ =	swait.ge [sflag:s17], $0x4800  }
0xeb: {  	[sflag:s17] =	ssyncset.done $0x0;
	s0 =	sshrl.u32 s0, $0x3;
	s29 =	ssub.s32 $0x0, s29  }
0xec: {  	[sflag:s17] =	ssyncadd.s32 $0xFFFFB800;
	s0 =	smul.u32 $0x1800, s0;
	s29 =	sand.u32 $0xFF, s29  }
0xed: {  	s1 =	sshrl.u32 s1, $0x3;
	_ =	swait.ge [sflag:s18], $0x4800;
	s29 =	sshll.u32 s29, $0xA  }
0xee: {  	s1 =	sand.u32 $0x380, s1;
	[sflag:s18] =	ssyncset.done $0x0;
	s0 =	sadd.s32 s0, s29  }
0xef: {  	[sflag:s18] =	ssyncadd.s32 $0xFFFFB800;
	s29 =	sor.u32 s1, s0  }
0xf0: {  	v3 =	vld [tilespmem:s29+$0xD900]  }
0xf1: {  	v4 =	vld [tilespmem:s29+$0xD910]  }
0xf2: {  	v5 =	vld [tilespmem:s29+$0xD920]  }
0xf3: {  	v6 =	vld [tilespmem:s29+$0xD930]  }
0xf4: {  	s1 =	simm.s32 $0x1;
	v7 =	vld [tilespmem:s29+$0xD940]  }
0xf5: {  	s0 =	smul.u32 $0xAB, s1;
	v8 =	vld [tilespmem:s29+$0xD950]  }
0xf6: {  	v9 =	vld [tilespmem:s29+$0x4900]  }
0xf7: {  	v10 =	vld [tilespmem:s29+$0xD960];
	s1 =	sshrl.u32 s0, $0xA  }
0xf8: {  	v11 =	vld [tilespmem:s29+$0x4910];
	s1 =	sand.u32 $0x3F, s1  }
0xf9: {  	v60 =	vld [tilespmem:s29+$0xD970];
	s30 =	smul.u32 $0x6, s1  }
0xfa: {  	v61 =	vld [tilespmem:s29+$0x4920]  }
0xfb: {  	v62 =	vld [tilespmem:s29+$0x4930];
	s1 =	sshrl.u32 s1, $0x3;
	s30 =	ssub.s32 $0x1, s30  }
0xfc: {  	s1 =	smul.u32 $0x1800, s1;
	v3 =	vadd.f32 v3, v9;
	v9 =	vld [tilespmem:s29+$0x4940];
	s30 =	sand.u32 $0xFF, s30  }
0xfd: {  	v63 =	vld [tilespmem:s29+$0x4950];
	s0 =	sshrl.u32 s0, $0x3;
	s30 =	sshll.u32 s30, $0xA  }
0xfe: {  	s0 =	sand.u32 $0x380, s0;
	v4 =	vadd.f32 v4, v11;
	v11 =	vld [tilespmem:s29+$0x4960];
	s1 =	sadd.s32 s1, s30  }
0xff: {  	v16 =	vld [tilespmem:s29+$0x4970];
	v13 =	vadd.f32 v5, v61;
	[tilespmem:s29+$0x4900] =	vst v3;
	s30 =	sor.u32 s0, s1  }
0x100: {  	v3 =	vld [tilespmem:s30+$0xD900];
	[tilespmem:s29+$0x4910] =	vst v4;
	v4 =	vadd.f32 v6, v62  }
0x101: {  	v7 =	vadd.f32 v7, v9;
	v5 =	vld [tilespmem:s30+$0xD910];
	[tilespmem:s29+$0x4920] =	vst v13  }
0x102: {  	v9 =	vadd.f32 v8, v63;
	v6 =	vld [tilespmem:s30+$0xD920];
	[tilespmem:s29+$0x4930] =	vst v4  }
0x103: {  	v8 =	vadd.f32 v10, v11;
	v4 =	vld [tilespmem:s30+$0xD930];
	[tilespmem:s29+$0x4940] =	vst v7  }
0x104: {  	s31 =	simm.s32 $0x2;
	v7 =	vld [tilespmem:s30+$0xD940];
	[tilespmem:s29+$0x4950] =	vst v9;
	v9 =	vadd.f32 v60, v16  }
.LBB2_4:
0x105: {  	s0 =	smul.u32 $0xAB, s31;
	p1 =	sne.s32 s31, $0x8F;
	v10 =	vld [tilespmem:s30+$0xD950];
	[tilespmem:s29+$0x4960] =	vst v8  }
0x106: {  	v8 =	vld [tilespmem:s30+$0xD960];
	[tilespmem:s29+$0x4970] =	vst v9;
	s29 =	smov.u32 s30  }
0x107: {  	s1 =	sshrl.u32 s0, $0xA;
	v9 =	vld [tilespmem:s29+$0xD970]  }
0x108: {  	s1 =	sand.u32 $0x3F, s1;
	v11 =	vld [tilespmem:s29+$0x4900]  }
0x109: {  	s30 =	smul.u32 $0x6, s1;
	v12 =	vld [tilespmem:s29+$0x4910]  }
0x10a: {  	v13 =	vld [tilespmem:s29+$0x4920]  }
0x10b: {  	s1 =	sshrl.u32 s1, $0x3;
	s30 =	ssub.s32 s31, s30;
	v14 =	vld [tilespmem:s29+$0x4930]  }
0x10c: {  	s1 =	smul.u32 $0x1800, s1;
	s30 =	sand.u32 $0xFF, s30;
	v15 =	vld [tilespmem:s29+$0x4940]  }
0x10d: {  	s0 =	sshrl.u32 s0, $0x3;
	s30 =	sshll.u32 s30, $0xA;
	v3 =	vadd.f32 v3, v11;
	v11 =	vld [tilespmem:s29+$0x4950]  }
0x10e: {  	s0 =	sand.u32 $0x380, s0;
	s1 =	sadd.s32 s1, s30;
	v5 =	vadd.f32 v5, v12;
	v12 =	vld [tilespmem:s29+$0x4960]  }
0x10f: {  	s30 =	sor.u32 s0, s1;
	[tilespmem:s29+$0x4900] =	vst v3;
	v6 =	vadd.f32 v6, v13;
	v13 =	vld [tilespmem:s29+$0x4970]  }
.Ltmp3:
0x110: {  	v3 =	vld [tilespmem:s30+$0xD900];
	[tilespmem:s29+$0x4910] =	vst v5;
	v4 =	vadd.f32 v4, v14;
	(pc) =	sbr.rel @p1 .LBB2_4-.Ltmp3, $4  }
0x111: {  	v5 =	vld [tilespmem:s30+$0xD910];
	[tilespmem:s29+$0x4920] =	vst v6;
	v7 =	vadd.f32 v7, v15  }
0x112: {  	v6 =	vld [tilespmem:s30+$0xD920];
	[tilespmem:s29+$0x4930] =	vst v4;
	v10 =	vadd.f32 v10, v11  }
0x113: {  	v4 =	vld [tilespmem:s30+$0xD930];
	[tilespmem:s29+$0x4940] =	vst v7;
	v8 =	vadd.f32 v8, v12  }
0x114: {  	s31 =	sadd.s32 $0x1, s31;
	v7 =	vld [tilespmem:s30+$0xD940];
	[tilespmem:s29+$0x4950] =	vst v10;
	v9 =	vadd.f32 v9, v13  }
0x115: {  	v10 =	vld [tilespmem:s30+$0xD950]  }
0x116: {  	v11 =	vld [tilespmem:s30+$0x4900]  }
0x117: {  	v12 =	vld [tilespmem:s30+$0x4910]  }
0x118: {  	[tilespmem:s29+$0x4960] =	vst v8;
	v13 =	vld [tilespmem:s30+$0x4920]  }
0x119: {  	v8 =	vld [tilespmem:s30+$0xD960]  }
0x11a: {  	[tilespmem:s29+$0x4970] =	vst v9;
	v14 =	vld [tilespmem:s30+$0x4930]  }
0x11b: {  	v9 =	vld [tilespmem:s30+$0xD970]  }
0x11c: {  	v15 =	vld [tilespmem:s30+$0x4940]  }
0x11d: {  	v3 =	vadd.f32 v3, v11;
	v11 =	vld [tilespmem:s30+$0x4950]  }
0x11e: {  	v59 =	vld [tilespmem:s30+$0x4960];
	v5 =	vadd.f32 v5, v12  }
0x11f: {  	[tilespmem:s30+$0x4900] =	vst v3;
	v3 =	vadd.f32 v6, v13;
	v6 =	vld [tilespmem:s30+$0x4970]  }
0x120: {  	v4 =	vadd.f32 v4, v14;
	[tilespmem:s30+$0x4910] =	vst v5  }
0x121: {  	[tilespmem:s30+$0x4920] =	vst v3;
	v3 =	vadd.f32 v7, v15  }
0x122: {  	[tilespmem:s30+$0x4930] =	vst v4;
	v4 =	vadd.f32 v10, v11  }
0x123: {  	[tilespmem:s30+$0x4940] =	vst v3;
	v3 =	vadd.f32 v8, v59  }
0x124: {  	[tilespmem:s30+$0x4950] =	vst v4;
	v4 =	vadd.f32 v9, v6  }
0x125: {  	[tilespmem:s30+$0x4960] =	vst v3  }
0x126: {  	s0 =	simm.s32 $0x0;
	s1 =	rddreg [dreg:$0x8];
	[tilespmem:s30+$0x4970] =	vst v4  }
0x127: {  	[hbm4b:s1+s0] =	stream.linear.scatter [tilespmem:s19], [sflag:$0x6], $0x4800, $0x38;
	[tilespmem:$0x12100] =	vst v63  }
0x128: {  	_ =	swait.ge [sflag:s21], $0x4800  }
0x129: {  	[sflag:s21] =	ssyncset.done $0x0  }
0x12a: {  	s1 =	rddreg [dreg:$0x9];
	[sflag:s21] =	ssyncadd.s32 $0xFFFFB800  }
0x12b: {  	[tilespmem:s19], [sflag:$0x2] =	stream.linear.gather [hbm4b:s1+s0], $0x4800, $0x38;
	[tilespmem:$0x12100] =	vst v63  }
0x12c: {  	v3 =	vld [tilespmem:$0x48];
	_ =	sdelay $0x4  }
0x12d: {  	v4 =	vshrl.u32 v3, $0x3  }
0x12e: {  	v4 =	vmul.u32 $0x30, v4  }
0x12f: {  	v3 =	vand.u32 $0x7, v3  }
0x130: {  	v3 =	vor.u32 v3, v4  }
0x131: {  	v4 =	vperm.xlane v3, v0;
	_ =	sdelay $0x1  }
0x132: {  	v4 =	vadd.s32 v1, v4;
	_ =	sdelay $0x3  }
0x133: {  	v3 =	vperm.xlane v3, v2  }
0x134: {  	[tilespmem:s20], [sflag:$0x4] =	stream.indirect_vreg.gather [hbm4b:s3+s0], $0x80, v4, vm0, $0xb8;
	[tilespmem:$0x12100] =	vst v63  }
0x135: {  	v3 =	vadd.s32 v1, v3  }
0x136: {  	[tilespmem:s4], [sflag:$0x4] =	stream.indirect_vreg.gather [hbm4b:s6+s0], $0x80, v4, vm0, $0xb8;
	[tilespmem:$0x12100] =	vst v63  }
0x137: {  	_ = 	snop  }
0x138: {  	[tilespmem:s5], [sflag:$0x4] =	stream.indirect_vreg.gather [hbm4b:s7+s0], $0x80, v4, vm0, $0xb8;
	[tilespmem:$0x12100] =	vst v63  }
0x139: {  	_ = 	snop  }
0x13a: {  	[tilespmem:s8], [sflag:$0x4] =	stream.indirect_vreg.gather [hbm4b:s3+s0], $0x80, v3, vm0, $0xb8;
	[tilespmem:$0x12100] =	vst v63  }
0x13b: {  	_ = 	snop  }
0x13c: {  	[tilespmem:s9], [sflag:$0x4] =	stream.indirect_vreg.gather [hbm4b:s6+s0], $0x80, v3, vm0, $0xb8;
	[tilespmem:$0x12100] =	vst v63  }
0x13d: {  	_ = 	snop  }
0x13e: {  	[tilespmem:s10], [sflag:$0x4] =	stream.indirect_vreg.gather [hbm4b:s7+s0], $0x80, v3, vm0, $0xb8;
	[tilespmem:$0x12100] =	vst v63  }
0x13f: {  	v3 =	vld.msk [tilespmem:$0x58], $0xff;
	_ =	sdelay $0x4  }
0x140: {  	v4 =	vshrl.u32 v3, $0x3  }
0x141: {  	v4 =	vmul.u32 $0x30, v4  }
0x142: {  	v3 =	vand.u32 $0x7, v3  }
0x143: {  	v3 =	vor.u32 v3, v4  }
0x144: {  	v3 =	vperm.xlane v3, v0;
	_ =	sdelay $0x1  }
0x145: {  	v3 =	vadd.s32 v1, v3;
	_ =	sdelay $0x4  }
0x146: {  	[tilespmem:s11], [sflag:$0x4] =	stream.indirect_vreg.gather [hbm4b:s3+s0], $0x80, v3, vm0, $0xb8;
	[tilespmem:$0x12100] =	vst v63  }
0x147: {  	_ = 	snop  }
0x148: {  	[tilespmem:s12], [sflag:$0x4] =	stream.indirect_vreg.gather [hbm4b:s6+s0], $0x80, v3, vm0, $0xb8;
	[tilespmem:$0x12100] =	vst v63  }
0x149: {  	s1 =	smul.u32 $0xAB, s0  }
0x14a: {  	[tilespmem:s13], [sflag:$0x4] =	stream.indirect_vreg.gather [hbm4b:s7+s0], $0x80, v3, vm0, $0xb8;
	[tilespmem:$0x12100] =	vst v63  }
0x14b: {  	s0 =	sshrl.u32 s1, $0xA  }
0x14c: {  	s0 =	sand.u32 $0x3F, s0  }
0x14d: {  	s29 =	smul.u32 $0x6, s0  }
0x14e: {  	_ =	swait.ge [sflag:s14], $0x4800  }
0x14f: {  	[sflag:s14] =	ssyncset.done $0x0;
	s0 =	sshrl.u32 s0, $0x3;
	s29 =	ssub.s32 $0x0, s29  }
0x150: {  	[sflag:s14] =	ssyncadd.s32 $0xFFFFB800;
	s0 =	smul.u32 $0x1800, s0;
	s29 =	sand.u32 $0xFF, s29  }
0x151: {  	s1 =	sshrl.u32 s1, $0x3;
	_ =	swait.ge [sflag:s15], $0x4800;
	s29 =	sshll.u32 s29, $0xA  }
0x152: {  	s1 =	sand.u32 $0x380, s1;
	[sflag:s15] =	ssyncset.done $0x0;
	s0 =	sadd.s32 s29, s0  }
0x153: {  	[sflag:s15] =	ssyncadd.s32 $0xFFFFB800;
	s29 =	sor.u32 s1, s0  }
0x154: {  	v3 =	vld [tilespmem:s29+$0x9100]  }
0x155: {  	v4 =	vld [tilespmem:s29+$0x9110]  }
0x156: {  	v5 =	vld [tilespmem:s29+$0x9120]  }
0x157: {  	v6 =	vld [tilespmem:s29+$0x9130]  }
0x158: {  	s1 =	simm.s32 $0x1;
	v7 =	vld [tilespmem:s29+$0x9140]  }
0x159: {  	s0 =	smul.u32 $0xAB, s1;
	v8 =	vld [tilespmem:s29+$0x9150]  }
0x15a: {  	v9 =	vld [tilespmem:s29+$0x100]  }
0x15b: {  	v10 =	vld [tilespmem:s29+$0x9160];
	s1 =	sshrl.u32 s0, $0xA  }
0x15c: {  	v11 =	vld [tilespmem:s29+$0x110];
	s1 =	sand.u32 $0x3F, s1  }
0x15d: {  	v60 =	vld [tilespmem:s29+$0x9170];
	s30 =	smul.u32 $0x6, s1  }
0x15e: {  	v61 =	vld [tilespmem:s29+$0x120]  }
0x15f: {  	v62 =	vld [tilespmem:s29+$0x130];
	s1 =	sshrl.u32 s1, $0x3;
	s30 =	ssub.s32 $0x1, s30  }
0x160: {  	s1 =	smul.u32 $0x1800, s1;
	v3 =	vadd.f32 v3, v9;
	v9 =	vld [tilespmem:s29+$0x140];
	s30 =	sand.u32 $0xFF, s30  }
0x161: {  	v63 =	vld [tilespmem:s29+$0x150];
	s0 =	sshrl.u32 s0, $0x3;
	s30 =	sshll.u32 s30, $0xA  }
0x162: {  	s0 =	sand.u32 $0x380, s0;
	v4 =	vadd.f32 v4, v11;
	v11 =	vld [tilespmem:s29+$0x160];
	s1 =	sadd.s32 s30, s1  }
0x163: {  	v16 =	vld [tilespmem:s29+$0x170];
	v13 =	vadd.f32 v5, v61;
	[tilespmem:s29+$0x100] =	vst v3;
	s30 =	sor.u32 s0, s1  }
0x164: {  	v3 =	vld [tilespmem:s30+$0x9100];
	[tilespmem:s29+$0x110] =	vst v4;
	v4 =	vadd.f32 v6, v62  }
0x165: {  	v7 =	vadd.f32 v7, v9;
	v5 =	vld [tilespmem:s30+$0x9110];
	[tilespmem:s29+$0x120] =	vst v13  }
0x166: {  	v9 =	vadd.f32 v8, v63;
	v6 =	vld [tilespmem:s30+$0x9120];
	[tilespmem:s29+$0x130] =	vst v4  }
0x167: {  	v8 =	vadd.f32 v10, v11;
	v4 =	vld [tilespmem:s30+$0x9130];
	[tilespmem:s29+$0x140] =	vst v7  }
0x168: {  	s31 =	simm.s32 $0x2;
	v7 =	vld [tilespmem:s30+$0x9140];
	[tilespmem:s29+$0x150] =	vst v9;
	v9 =	vadd.f32 v60, v16  }
.LBB2_6:
0x169: {  	s0 =	smul.u32 $0xAB, s31;
	p1 =	sne.s32 s31, $0x8F;
	v10 =	vld [tilespmem:s30+$0x9150];
	[tilespmem:s29+$0x160] =	vst v8  }
0x16a: {  	v8 =	vld [tilespmem:s30+$0x9160];
	[tilespmem:s29+$0x170] =	vst v9;
	s29 =	smov.u32 s30  }
0x16b: {  	s1 =	sshrl.u32 s0, $0xA;
	v9 =	vld [tilespmem:s29+$0x9170]  }
0x16c: {  	s1 =	sand.u32 $0x3F, s1;
	v11 =	vld [tilespmem:s29+$0x100]  }
0x16d: {  	s30 =	smul.u32 $0x6, s1;
	v12 =	vld [tilespmem:s29+$0x110]  }
0x16e: {  	v13 =	vld [tilespmem:s29+$0x120]  }
0x16f: {  	s1 =	sshrl.u32 s1, $0x3;
	s30 =	ssub.s32 s31, s30;
	v14 =	vld [tilespmem:s29+$0x130]  }
0x170: {  	s1 =	smul.u32 $0x1800, s1;
	s30 =	sand.u32 $0xFF, s30;
	v15 =	vld [tilespmem:s29+$0x140]  }
0x171: {  	s0 =	sshrl.u32 s0, $0x3;
	s30 =	sshll.u32 s30, $0xA;
	v3 =	vadd.f32 v3, v11;
	v11 =	vld [tilespmem:s29+$0x150]  }
0x172: {  	s0 =	sand.u32 $0x380, s0;
	s1 =	sadd.s32 s30, s1;
	v5 =	vadd.f32 v5, v12;
	v12 =	vld [tilespmem:s29+$0x160]  }
0x173: {  	s30 =	sor.u32 s0, s1;
	[tilespmem:s29+$0x100] =	vst v3;
	v6 =	vadd.f32 v6, v13;
	v13 =	vld [tilespmem:s29+$0x170]  }
.Ltmp4:
0x174: {  	v3 =	vld [tilespmem:s30+$0x9100];
	[tilespmem:s29+$0x110] =	vst v5;
	v4 =	vadd.f32 v4, v14;
	(pc) =	sbr.rel @p1 .LBB2_6-.Ltmp4, $4  }
0x175: {  	v5 =	vld [tilespmem:s30+$0x9110];
	[tilespmem:s29+$0x120] =	vst v6;
	v7 =	vadd.f32 v7, v15  }
0x176: {  	v6 =	vld [tilespmem:s30+$0x9120];
	[tilespmem:s29+$0x130] =	vst v4;
	v10 =	vadd.f32 v10, v11  }
0x177: {  	v4 =	vld [tilespmem:s30+$0x9130];
	[tilespmem:s29+$0x140] =	vst v7;
	v8 =	vadd.f32 v8, v12  }
0x178: {  	s31 =	sadd.s32 $0x1, s31;
	v7 =	vld [tilespmem:s30+$0x9140];
	[tilespmem:s29+$0x150] =	vst v10;
	v9 =	vadd.f32 v9, v13  }
0x179: {  	v10 =	vld [tilespmem:s30+$0x9150]  }
0x17a: {  	v11 =	vld [tilespmem:s30+$0x100]  }
0x17b: {  	v12 =	vld [tilespmem:s30+$0x110]  }
0x17c: {  	[tilespmem:s29+$0x160] =	vst v8;
	v13 =	vld [tilespmem:s30+$0x120]  }
0x17d: {  	v8 =	vld [tilespmem:s30+$0x9160]  }
0x17e: {  	[tilespmem:s29+$0x170] =	vst v9;
	v14 =	vld [tilespmem:s30+$0x130]  }
0x17f: {  	v9 =	vld [tilespmem:s30+$0x9170]  }
0x180: {  	v15 =	vld [tilespmem:s30+$0x140]  }
0x181: {  	v3 =	vadd.f32 v3, v11;
	v11 =	vld [tilespmem:s30+$0x150]  }
0x182: {  	v59 =	vld [tilespmem:s30+$0x160];
	v5 =	vadd.f32 v5, v12  }
0x183: {  	[tilespmem:s30+$0x100] =	vst v3;
	v3 =	vadd.f32 v6, v13;
	v6 =	vld [tilespmem:s30+$0x170]  }
0x184: {  	v4 =	vadd.f32 v4, v14;
	[tilespmem:s30+$0x110] =	vst v5  }
0x185: {  	[tilespmem:s30+$0x120] =	vst v3;
	v3 =	vadd.f32 v7, v15  }
0x186: {  	[tilespmem:s30+$0x130] =	vst v4;
	v4 =	vadd.f32 v10, v11  }
0x187: {  	[tilespmem:s30+$0x140] =	vst v3;
	v3 =	vadd.f32 v8, v59  }
0x188: {  	[tilespmem:s30+$0x150] =	vst v4;
	v4 =	vadd.f32 v9, v6  }
0x189: {  	[tilespmem:s30+$0x160] =	vst v3  }
0x18a: {  	s0 =	simm.s32 $0x0;
	s1 =	rddreg [dreg:$0xa];
	[tilespmem:s30+$0x170] =	vst v4  }
0x18b: {  	[hbm4b:s1+s0] =	stream.linear.scatter [tilespmem:s23], [sflag:$0x5], $0x4800, $0x38;
	[tilespmem:$0x12100] =	vst v63  }
0x18c: {  	_ =	swait.ge [sflag:s16], $0x4800  }
0x18d: {  	[sflag:s16] =	ssyncset.done $0x0  }
0x18e: {  	s1 =	rddreg [dreg:$0xb];
	[sflag:s16] =	ssyncadd.s32 $0xFFFFB800  }
0x18f: {  	[tilespmem:s23], [sflag:$0x1] =	stream.linear.gather [hbm4b:s1+s0], $0x4800, $0x38;
	[tilespmem:$0x12100] =	vst v63  }
0x190: {  	v3 =	vld [tilespmem:$0x60];
	_ =	sdelay $0x4  }
0x191: {  	v4 =	vshrl.u32 v3, $0x3  }
0x192: {  	v4 =	vmul.u32 $0x30, v4  }
0x193: {  	v3 =	vand.u32 $0x7, v3  }
0x194: {  	v3 =	vor.u32 v3, v4  }
0x195: {  	v4 =	vperm.xlane v3, v0;
	_ =	sdelay $0x1  }
0x196: {  	v4 =	vadd.s32 v1, v4;
	_ =	sdelay $0x3  }
0x197: {  	v3 =	vperm.xlane v3, v2  }
0x198: {  	[tilespmem:s24], [sflag:$0x3] =	stream.indirect_vreg.gather [hbm4b:s3+s0], $0x80, v4, vm0, $0xb8;
	[tilespmem:$0x12100] =	vst v63  }
0x199: {  	v3 =	vadd.s32 v1, v3  }
0x19a: {  	[tilespmem:s25], [sflag:$0x3] =	stream.indirect_vreg.gather [hbm4b:s6+s0], $0x80, v4, vm0, $0xb8;
	[tilespmem:$0x12100] =	vst v63  }
0x19b: {  	_ = 	snop  }
0x19c: {  	[tilespmem:s26], [sflag:$0x3] =	stream.indirect_vreg.gather [hbm4b:s7+s0], $0x80, v4, vm0, $0xb8;
	[tilespmem:$0x12100] =	vst v63  }
0x19d: {  	s1 =	simm.s32 $0xA900  }
0x19e: {  	[tilespmem:s1], [sflag:$0x3] =	stream.indirect_vreg.gather [hbm4b:s3+s0], $0x80, v3, vm0, $0xb8;
	[tilespmem:$0x12100] =	vst v63  }
0x19f: {  	s1 =	simm.s32 $0xB100  }
0x1a0: {  	[tilespmem:s1], [sflag:$0x3] =	stream.indirect_vreg.gather [hbm4b:s6+s0], $0x80, v3, vm0, $0xb8;
	[tilespmem:$0x12100] =	vst v63  }
0x1a1: {  	s1 =	simm.s32 $0xB900  }
0x1a2: {  	[tilespmem:s1], [sflag:$0x3] =	stream.indirect_vreg.gather [hbm4b:s7+s0], $0x80, v3, vm0, $0xb8;
	[tilespmem:$0x12100] =	vst v63  }
0x1a3: {  	v3 =	vld.msk [tilespmem:$0x70], $0xff;
	_ =	sdelay $0x4  }
0x1a4: {  	v4 =	vshrl.u32 v3, $0x3  }
0x1a5: {  	v4 =	vmul.u32 $0x30, v4  }
0x1a6: {  	v3 =	vand.u32 $0x7, v3  }
0x1a7: {  	v3 =	vor.u32 v3, v4  }
0x1a8: {  	v3 =	vperm.xlane v3, v0;
	_ =	sdelay $0x1  }
0x1a9: {  	v3 =	vadd.s32 v1, v3;
	_ =	sdelay $0x3  }
0x1aa: {  	s1 =	simm.s32 $0xC100  }
0x1ab: {  	[tilespmem:s1], [sflag:$0x3] =	stream.indirect_vreg.gather [hbm4b:s3+s0], $0x80, v3, vm0, $0xb8;
	[tilespmem:$0x12100] =	vst v63  }
0x1ac: {  	s1 =	simm.s32 $0xC900  }
0x1ad: {  	[tilespmem:s1], [sflag:$0x3] =	stream.indirect_vreg.gather [hbm4b:s6+s0], $0x80, v3, vm0, $0xb8;
	[tilespmem:$0x12100] =	vst v63  }
0x1ae: {  	s29 =	simm.s32 $0xD100;
	s1 =	smul.u32 $0xAB, s0  }
0x1af: {  	[tilespmem:s29], [sflag:$0x3] =	stream.indirect_vreg.gather [hbm4b:s7+s0], $0x80, v3, vm0, $0xb8;
	[tilespmem:$0x12100] =	vst v63  }
0x1b0: {  	s0 =	sshrl.u32 s1, $0xA  }
0x1b1: {  	s0 =	sand.u32 $0x3F, s0  }
0x1b2: {  	s29 =	smul.u32 $0x6, s0  }
0x1b3: {  	_ =	swait.ge [sflag:s17], $0x4800  }
0x1b4: {  	[sflag:s17] =	ssyncset.done $0x0;
	s0 =	sshrl.u32 s0, $0x3;
	s29 =	ssub.s32 $0x0, s29  }
0x1b5: {  	[sflag:s17] =	ssyncadd.s32 $0xFFFFB800;
	s0 =	smul.u32 $0x1800, s0;
	s29 =	sand.u32 $0xFF, s29  }
0x1b6: {  	s1 =	sshrl.u32 s1, $0x3;
	_ =	swait.ge [sflag:s18], $0x4800;
	s29 =	sshll.u32 s29, $0xA  }
0x1b7: {  	s1 =	sand.u32 $0x380, s1;
	[sflag:s18] =	ssyncset.done $0x0;
	s0 =	sadd.s32 s0, s29  }
0x1b8: {  	[sflag:s18] =	ssyncadd.s32 $0xFFFFB800;
	s29 =	sor.u32 s1, s0  }
0x1b9: {  	v3 =	vld [tilespmem:s29+$0xD900]  }
0x1ba: {  	v4 =	vld [tilespmem:s29+$0xD910]  }
0x1bb: {  	v5 =	vld [tilespmem:s29+$0xD920]  }
0x1bc: {  	v6 =	vld [tilespmem:s29+$0xD930]  }
0x1bd: {  	s1 =	simm.s32 $0x1;
	v7 =	vld [tilespmem:s29+$0xD940]  }
0x1be: {  	s0 =	smul.u32 $0xAB, s1;
	v8 =	vld [tilespmem:s29+$0xD950]  }
0x1bf: {  	v9 =	vld [tilespmem:s29+$0x4900]  }
0x1c0: {  	v10 =	vld [tilespmem:s29+$0xD960];
	s1 =	sshrl.u32 s0, $0xA  }
0x1c1: {  	v11 =	vld [tilespmem:s29+$0x4910];
	s1 =	sand.u32 $0x3F, s1  }
0x1c2: {  	v60 =	vld [tilespmem:s29+$0xD970];
	s30 =	smul.u32 $0x6, s1  }
0x1c3: {  	v61 =	vld [tilespmem:s29+$0x4920]  }
0x1c4: {  	v62 =	vld [tilespmem:s29+$0x4930];
	s1 =	sshrl.u32 s1, $0x3;
	s30 =	ssub.s32 $0x1, s30  }
0x1c5: {  	s1 =	smul.u32 $0x1800, s1;
	v3 =	vadd.f32 v3, v9;
	v9 =	vld [tilespmem:s29+$0x4940];
	s30 =	sand.u32 $0xFF, s30  }
0x1c6: {  	v63 =	vld [tilespmem:s29+$0x4950];
	s0 =	sshrl.u32 s0, $0x3;
	s30 =	sshll.u32 s30, $0xA  }
0x1c7: {  	s0 =	sand.u32 $0x380, s0;
	v4 =	vadd.f32 v4, v11;
	v11 =	vld [tilespmem:s29+$0x4960];
	s1 =	sadd.s32 s1, s30  }
0x1c8: {  	v16 =	vld [tilespmem:s29+$0x4970];
	v13 =	vadd.f32 v5, v61;
	[tilespmem:s29+$0x4900] =	vst v3;
	s30 =	sor.u32 s0, s1  }
0x1c9: {  	v3 =	vld [tilespmem:s30+$0xD900];
	[tilespmem:s29+$0x4910] =	vst v4;
	v4 =	vadd.f32 v6, v62  }
0x1ca: {  	v7 =	vadd.f32 v7, v9;
	v5 =	vld [tilespmem:s30+$0xD910];
	[tilespmem:s29+$0x4920] =	vst v13  }
0x1cb: {  	v9 =	vadd.f32 v8, v63;
	v6 =	vld [tilespmem:s30+$0xD920];
	[tilespmem:s29+$0x4930] =	vst v4  }
0x1cc: {  	v8 =	vadd.f32 v10, v11;
	v4 =	vld [tilespmem:s30+$0xD930];
	[tilespmem:s29+$0x4940] =	vst v7  }
0x1cd: {  	s31 =	simm.s32 $0x2;
	v7 =	vld [tilespmem:s30+$0xD940];
	[tilespmem:s29+$0x4950] =	vst v9;
	v9 =	vadd.f32 v60, v16  }
.LBB2_8:
0x1ce: {  	s0 =	smul.u32 $0xAB, s31;
	p1 =	sne.s32 s31, $0x8F;
	v10 =	vld [tilespmem:s30+$0xD950];
	[tilespmem:s29+$0x4960] =	vst v8  }
0x1cf: {  	v8 =	vld [tilespmem:s30+$0xD960];
	[tilespmem:s29+$0x4970] =	vst v9;
	s29 =	smov.u32 s30  }
0x1d0: {  	s1 =	sshrl.u32 s0, $0xA;
	v9 =	vld [tilespmem:s29+$0xD970]  }
0x1d1: {  	s1 =	sand.u32 $0x3F, s1;
	v11 =	vld [tilespmem:s29+$0x4900]  }
0x1d2: {  	s30 =	smul.u32 $0x6, s1;
	v12 =	vld [tilespmem:s29+$0x4910]  }
0x1d3: {  	v13 =	vld [tilespmem:s29+$0x4920]  }
0x1d4: {  	s1 =	sshrl.u32 s1, $0x3;
	s30 =	ssub.s32 s31, s30;
	v14 =	vld [tilespmem:s29+$0x4930]  }
0x1d5: {  	s1 =	smul.u32 $0x1800, s1;
	s30 =	sand.u32 $0xFF, s30;
	v15 =	vld [tilespmem:s29+$0x4940]  }
0x1d6: {  	s0 =	sshrl.u32 s0, $0x3;
	s30 =	sshll.u32 s30, $0xA;
	v3 =	vadd.f32 v3, v11;
	v11 =	vld [tilespmem:s29+$0x4950]  }
0x1d7: {  	s0 =	sand.u32 $0x380, s0;
	s1 =	sadd.s32 s1, s30;
	v5 =	vadd.f32 v5, v12;
	v12 =	vld [tilespmem:s29+$0x4960]  }
0x1d8: {  	s30 =	sor.u32 s0, s1;
	[tilespmem:s29+$0x4900] =	vst v3;
	v6 =	vadd.f32 v6, v13;
	v13 =	vld [tilespmem:s29+$0x4970]  }
.Ltmp5:
0x1d9: {  	v3 =	vld [tilespmem:s30+$0xD900];
	[tilespmem:s29+$0x4910] =	vst v5;
	v4 =	vadd.f32 v4, v14;
	(pc) =	sbr.rel @p1 .LBB2_8-.Ltmp5, $4  }
0x1da: {  	v5 =	vld [tilespmem:s30+$0xD910];
	[tilespmem:s29+$0x4920] =	vst v6;
	v7 =	vadd.f32 v7, v15  }
0x1db: {  	v6 =	vld [tilespmem:s30+$0xD920];
	[tilespmem:s29+$0x4930] =	vst v4;
	v10 =	vadd.f32 v10, v11  }
0x1dc: {  	v4 =	vld [tilespmem:s30+$0xD930];
	[tilespmem:s29+$0x4940] =	vst v7;
	v8 =	vadd.f32 v8, v12  }
0x1dd: {  	s31 =	sadd.s32 $0x1, s31;
	v7 =	vld [tilespmem:s30+$0xD940];
	[tilespmem:s29+$0x4950] =	vst v10;
	v9 =	vadd.f32 v9, v13  }
0x1de: {  	v10 =	vld [tilespmem:s30+$0xD950]  }
0x1df: {  	v11 =	vld [tilespmem:s30+$0x4900]  }
0x1e0: {  	v12 =	vld [tilespmem:s30+$0x4910]  }
0x1e1: {  	[tilespmem:s29+$0x4960] =	vst v8;
	v13 =	vld [tilespmem:s30+$0x4920]  }
0x1e2: {  	v8 =	vld [tilespmem:s30+$0xD960]  }
0x1e3: {  	[tilespmem:s29+$0x4970] =	vst v9;
	v14 =	vld [tilespmem:s30+$0x4930]  }
0x1e4: {  	v9 =	vld [tilespmem:s30+$0xD970]  }
0x1e5: {  	v15 =	vld [tilespmem:s30+$0x4940]  }
0x1e6: {  	v3 =	vadd.f32 v3, v11;
	v11 =	vld [tilespmem:s30+$0x4950]  }
0x1e7: {  	v59 =	vld [tilespmem:s30+$0x4960];
	v5 =	vadd.f32 v5, v12  }
0x1e8: {  	[tilespmem:s30+$0x4900] =	vst v3;
	v3 =	vadd.f32 v6, v13;
	v6 =	vld [tilespmem:s30+$0x4970]  }
0x1e9: {  	v4 =	vadd.f32 v4, v14;
	[tilespmem:s30+$0x4910] =	vst v5  }
0x1ea: {  	[tilespmem:s30+$0x4920] =	vst v3;
	v3 =	vadd.f32 v7, v15  }
0x1eb: {  	[tilespmem:s30+$0x4930] =	vst v4;
	v4 =	vadd.f32 v10, v11  }
0x1ec: {  	[tilespmem:s30+$0x4940] =	vst v3;
	v3 =	vadd.f32 v8, v59  }
0x1ed: {  	[tilespmem:s30+$0x4950] =	vst v4;
	v4 =	vadd.f32 v9, v6  }
0x1ee: {  	[tilespmem:s30+$0x4960] =	vst v3  }
0x1ef: {  	s0 =	simm.s32 $0x0;
	s1 =	rddreg [dreg:$0xc];
	[tilespmem:s30+$0x4970] =	vst v4  }
0x1f0: {  	[hbm4b:s1+s0] =	stream.linear.scatter [tilespmem:s19], [sflag:$0x6], $0x4800, $0x38;
	[tilespmem:$0x12100] =	vst v63  }
0x1f1: {  	_ =	swait.ge [sflag:s21], $0x4800  }
0x1f2: {  	[sflag:s21] =	ssyncset.done $0x0  }
0x1f3: {  	s1 =	rddreg [dreg:$0xd];
	[sflag:s21] =	ssyncadd.s32 $0xFFFFB800  }
0x1f4: {  	[tilespmem:s19], [sflag:$0x2] =	stream.linear.gather [hbm4b:s1+s0], $0x4800, $0x38;
	[tilespmem:$0x12100] =	vst v63  }
0x1f5: {  	v3 =	vld [tilespmem:$0x78];
	_ =	sdelay $0x4  }
0x1f6: {  	v4 =	vshrl.u32 v3, $0x3  }
0x1f7: {  	v4 =	vmul.u32 $0x30, v4  }
0x1f8: {  	v3 =	vand.u32 $0x7, v3  }
0x1f9: {  	v3 =	vor.u32 v3, v4  }
0x1fa: {  	v4 =	vperm.xlane v3, v0;
	_ =	sdelay $0x1  }
0x1fb: {  	v4 =	vadd.s32 v1, v4;
	_ =	sdelay $0x3  }
0x1fc: {  	v3 =	vperm.xlane v3, v2  }
0x1fd: {  	[tilespmem:s20], [sflag:$0x4] =	stream.indirect_vreg.gather [hbm4b:s3+s0], $0x80, v4, vm0, $0xb8;
	[tilespmem:$0x12100] =	vst v63  }
0x1fe: {  	v3 =	vadd.s32 v1, v3  }
0x1ff: {  	[tilespmem:s4], [sflag:$0x4] =	stream.indirect_vreg.gather [hbm4b:s6+s0], $0x80, v4, vm0, $0xb8;
	[tilespmem:$0x12100] =	vst v63  }
0x200: {  	_ = 	snop  }
0x201: {  	[tilespmem:s5], [sflag:$0x4] =	stream.indirect_vreg.gather [hbm4b:s7+s0], $0x80, v4, vm0, $0xb8;
	[tilespmem:$0x12100] =	vst v63  }
0x202: {  	_ = 	snop  }
0x203: {  	[tilespmem:s8], [sflag:$0x4] =	stream.indirect_vreg.gather [hbm4b:s3+s0], $0x80, v3, vm0, $0xb8;
	[tilespmem:$0x12100] =	vst v63  }
0x204: {  	_ = 	snop  }
0x205: {  	[tilespmem:s9], [sflag:$0x4] =	stream.indirect_vreg.gather [hbm4b:s6+s0], $0x80, v3, vm0, $0xb8;
	[tilespmem:$0x12100] =	vst v63  }
0x206: {  	_ = 	snop  }
0x207: {  	[tilespmem:s10], [sflag:$0x4] =	stream.indirect_vreg.gather [hbm4b:s7+s0], $0x80, v3, vm0, $0xb8;
	[tilespmem:$0x12100] =	vst v63  }
0x208: {  	v3 =	vld.msk [tilespmem:$0x88], $0xff;
	_ =	sdelay $0x4  }
0x209: {  	v4 =	vshrl.u32 v3, $0x3  }
0x20a: {  	v4 =	vmul.u32 $0x30, v4  }
0x20b: {  	v3 =	vand.u32 $0x7, v3  }
0x20c: {  	v3 =	vor.u32 v3, v4  }
0x20d: {  	v3 =	vperm.xlane v3, v0;
	_ =	sdelay $0x1  }
0x20e: {  	v3 =	vadd.s32 v1, v3;
	_ =	sdelay $0x4  }
0x20f: {  	[tilespmem:s11], [sflag:$0x4] =	stream.indirect_vreg.gather [hbm4b:s3+s0], $0x80, v3, vm0, $0xb8;
	[tilespmem:$0x12100] =	vst v63  }
0x210: {  	_ = 	snop  }
0x211: {  	[tilespmem:s12], [sflag:$0x4] =	stream.indirect_vreg.gather [hbm4b:s6+s0], $0x80, v3, vm0, $0xb8;
	[tilespmem:$0x12100] =	vst v63  }
0x212: {  	s1 =	smul.u32 $0xAB, s0  }
0x213: {  	[tilespmem:s13], [sflag:$0x4] =	stream.indirect_vreg.gather [hbm4b:s7+s0], $0x80, v3, vm0, $0xb8;
	[tilespmem:$0x12100] =	vst v63  }
0x214: {  	s0 =	sshrl.u32 s1, $0xA  }
0x215: {  	s0 =	sand.u32 $0x3F, s0  }
0x216: {  	s29 =	smul.u32 $0x6, s0  }
0x217: {  	_ =	swait.ge [sflag:s14], $0x4800  }
0x218: {  	[sflag:s14] =	ssyncset.done $0x0;
	s0 =	sshrl.u32 s0, $0x3;
	s29 =	ssub.s32 $0x0, s29  }
0x219: {  	[sflag:s14] =	ssyncadd.s32 $0xFFFFB800;
	s0 =	smul.u32 $0x1800, s0;
	s29 =	sand.u32 $0xFF, s29  }
0x21a: {  	s1 =	sshrl.u32 s1, $0x3;
	_ =	swait.ge [sflag:s15], $0x4800;
	s29 =	sshll.u32 s29, $0xA  }
0x21b: {  	s1 =	sand.u32 $0x380, s1;
	[sflag:s15] =	ssyncset.done $0x0;
	s0 =	sadd.s32 s29, s0  }
0x21c: {  	[sflag:s15] =	ssyncadd.s32 $0xFFFFB800;
	s29 =	sor.u32 s1, s0  }
0x21d: {  	v3 =	vld [tilespmem:s29+$0x9100]  }
0x21e: {  	v4 =	vld [tilespmem:s29+$0x9110]  }
0x21f: {  	v5 =	vld [tilespmem:s29+$0x9120]  }
0x220: {  	v6 =	vld [tilespmem:s29+$0x9130]  }
0x221: {  	s1 =	simm.s32 $0x1;
	v7 =	vld [tilespmem:s29+$0x9140]  }
0x222: {  	s0 =	smul.u32 $0xAB, s1;
	v8 =	vld [tilespmem:s29+$0x9150]  }
0x223: {  	v9 =	vld [tilespmem:s29+$0x100]  }
0x224: {  	v10 =	vld [tilespmem:s29+$0x9160];
	s1 =	sshrl.u32 s0, $0xA  }
0x225: {  	v11 =	vld [tilespmem:s29+$0x110];
	s1 =	sand.u32 $0x3F, s1  }
0x226: {  	v60 =	vld [tilespmem:s29+$0x9170];
	s30 =	smul.u32 $0x6, s1  }
0x227: {  	v61 =	vld [tilespmem:s29+$0x120]  }
0x228: {  	v62 =	vld [tilespmem:s29+$0x130];
	s1 =	sshrl.u32 s1, $0x3;
	s30 =	ssub.s32 $0x1, s30  }
0x229: {  	s1 =	smul.u32 $0x1800, s1;
	v3 =	vadd.f32 v3, v9;
	v9 =	vld [tilespmem:s29+$0x140];
	s30 =	sand.u32 $0xFF, s30  }
0x22a: {  	v63 =	vld [tilespmem:s29+$0x150];
	s0 =	sshrl.u32 s0, $0x3;
	s30 =	sshll.u32 s30, $0xA  }
0x22b: {  	s0 =	sand.u32 $0x380, s0;
	v4 =	vadd.f32 v4, v11;
	v11 =	vld [tilespmem:s29+$0x160];
	s1 =	sadd.s32 s30, s1  }
0x22c: {  	v16 =	vld [tilespmem:s29+$0x170];
	v13 =	vadd.f32 v5, v61;
	[tilespmem:s29+$0x100] =	vst v3;
	s30 =	sor.u32 s0, s1  }
0x22d: {  	v3 =	vld [tilespmem:s30+$0x9100];
	[tilespmem:s29+$0x110] =	vst v4;
	v4 =	vadd.f32 v6, v62  }
0x22e: {  	v7 =	vadd.f32 v7, v9;
	v5 =	vld [tilespmem:s30+$0x9110];
	[tilespmem:s29+$0x120] =	vst v13  }
0x22f: {  	v9 =	vadd.f32 v8, v63;
	v6 =	vld [tilespmem:s30+$0x9120];
	[tilespmem:s29+$0x130] =	vst v4  }
0x230: {  	v8 =	vadd.f32 v10, v11;
	v4 =	vld [tilespmem:s30+$0x9130];
	[tilespmem:s29+$0x140] =	vst v7  }
0x231: {  	s31 =	simm.s32 $0x2;
	v7 =	vld [tilespmem:s30+$0x9140];
	[tilespmem:s29+$0x150] =	vst v9;
	v9 =	vadd.f32 v60, v16  }
.LBB2_10:
0x232: {  	s0 =	smul.u32 $0xAB, s31;
	p1 =	sne.s32 s31, $0x8F;
	v10 =	vld [tilespmem:s30+$0x9150];
	[tilespmem:s29+$0x160] =	vst v8  }
0x233: {  	v8 =	vld [tilespmem:s30+$0x9160];
	[tilespmem:s29+$0x170] =	vst v9;
	s29 =	smov.u32 s30  }
0x234: {  	s1 =	sshrl.u32 s0, $0xA;
	v9 =	vld [tilespmem:s29+$0x9170]  }
0x235: {  	s1 =	sand.u32 $0x3F, s1;
	v11 =	vld [tilespmem:s29+$0x100]  }
0x236: {  	s30 =	smul.u32 $0x6, s1;
	v12 =	vld [tilespmem:s29+$0x110]  }
0x237: {  	v13 =	vld [tilespmem:s29+$0x120]  }
0x238: {  	s1 =	sshrl.u32 s1, $0x3;
	s30 =	ssub.s32 s31, s30;
	v14 =	vld [tilespmem:s29+$0x130]  }
0x239: {  	s1 =	smul.u32 $0x1800, s1;
	s30 =	sand.u32 $0xFF, s30;
	v15 =	vld [tilespmem:s29+$0x140]  }
0x23a: {  	s0 =	sshrl.u32 s0, $0x3;
	s30 =	sshll.u32 s30, $0xA;
	v3 =	vadd.f32 v3, v11;
	v11 =	vld [tilespmem:s29+$0x150]  }
0x23b: {  	s0 =	sand.u32 $0x380, s0;
	s1 =	sadd.s32 s30, s1;
	v5 =	vadd.f32 v5, v12;
	v12 =	vld [tilespmem:s29+$0x160]  }
0x23c: {  	s30 =	sor.u32 s0, s1;
	[tilespmem:s29+$0x100] =	vst v3;
	v6 =	vadd.f32 v6, v13;
	v13 =	vld [tilespmem:s29+$0x170]  }
.Ltmp6:
0x23d: {  	v3 =	vld [tilespmem:s30+$0x9100];
	[tilespmem:s29+$0x110] =	vst v5;
	v4 =	vadd.f32 v4, v14;
	(pc) =	sbr.rel @p1 .LBB2_10-.Ltmp6, $4  }
0x23e: {  	v5 =	vld [tilespmem:s30+$0x9110];
	[tilespmem:s29+$0x120] =	vst v6;
	v7 =	vadd.f32 v7, v15  }
0x23f: {  	v6 =	vld [tilespmem:s30+$0x9120];
	[tilespmem:s29+$0x130] =	vst v4;
	v10 =	vadd.f32 v10, v11  }
0x240: {  	v4 =	vld [tilespmem:s30+$0x9130];
	[tilespmem:s29+$0x140] =	vst v7;
	v8 =	vadd.f32 v8, v12  }
0x241: {  	s31 =	sadd.s32 $0x1, s31;
	v7 =	vld [tilespmem:s30+$0x9140];
	[tilespmem:s29+$0x150] =	vst v10;
	v9 =	vadd.f32 v9, v13  }
0x242: {  	v10 =	vld [tilespmem:s30+$0x9150]  }
0x243: {  	v11 =	vld [tilespmem:s30+$0x100]  }
0x244: {  	v12 =	vld [tilespmem:s30+$0x110]  }
0x245: {  	[tilespmem:s29+$0x160] =	vst v8;
	v13 =	vld [tilespmem:s30+$0x120]  }
0x246: {  	v8 =	vld [tilespmem:s30+$0x9160]  }
0x247: {  	[tilespmem:s29+$0x170] =	vst v9;
	v14 =	vld [tilespmem:s30+$0x130]  }
0x248: {  	v9 =	vld [tilespmem:s30+$0x9170]  }
0x249: {  	v15 =	vld [tilespmem:s30+$0x140]  }
0x24a: {  	v3 =	vadd.f32 v3, v11;
	v11 =	vld [tilespmem:s30+$0x150]  }
0x24b: {  	v59 =	vld [tilespmem:s30+$0x160];
	v5 =	vadd.f32 v5, v12  }
0x24c: {  	[tilespmem:s30+$0x100] =	vst v3;
	v3 =	vadd.f32 v6, v13;
	v6 =	vld [tilespmem:s30+$0x170]  }
0x24d: {  	v4 =	vadd.f32 v4, v14;
	[tilespmem:s30+$0x110] =	vst v5  }
0x24e: {  	[tilespmem:s30+$0x120] =	vst v3;
	v3 =	vadd.f32 v7, v15  }
0x24f: {  	[tilespmem:s30+$0x130] =	vst v4;
	v4 =	vadd.f32 v10, v11  }
0x250: {  	[tilespmem:s30+$0x140] =	vst v3;
	v3 =	vadd.f32 v8, v59  }
0x251: {  	[tilespmem:s30+$0x150] =	vst v4;
	v4 =	vadd.f32 v9, v6  }
0x252: {  	s0 =	simm.s32 $0x0;
	[tilespmem:s30+$0x160] =	vst v3  }
0x253: {  	s1 =	smul.u32 $0xAB, s0;
	s29 =	rddreg [dreg:$0xe];
	[tilespmem:s30+$0x170] =	vst v4  }
0x254: {  	[hbm4b:s29+s0] =	stream.linear.scatter [tilespmem:s23], [sflag:$0x5], $0x4800, $0x38;
	[tilespmem:$0x12100] =	vst v63  }
0x255: {  	s0 =	sshrl.u32 s1, $0xA  }
0x256: {  	s0 =	sand.u32 $0x3F, s0  }
0x257: {  	s29 =	smul.u32 $0x6, s0  }
0x258: {  	_ =	swait.ge [sflag:s17], $0x4800  }
0x259: {  	[sflag:s17] =	ssyncset.done $0x0;
	s0 =	sshrl.u32 s0, $0x3;
	s29 =	ssub.s32 $0x0, s29  }
0x25a: {  	[sflag:s17] =	ssyncadd.s32 $0xFFFFB800;
	s0 =	smul.u32 $0x1800, s0;
	s29 =	sand.u32 $0xFF, s29  }
0x25b: {  	s1 =	sshrl.u32 s1, $0x3;
	_ =	swait.ge [sflag:s18], $0x4800;
	s29 =	sshll.u32 s29, $0xA  }
0x25c: {  	s1 =	sand.u32 $0x380, s1;
	[sflag:s18] =	ssyncset.done $0x0;
	s0 =	sadd.s32 s0, s29  }
0x25d: {  	[sflag:s18] =	ssyncadd.s32 $0xFFFFB800;
	s29 =	sor.u32 s1, s0  }
0x25e: {  	v3 =	vld [tilespmem:s29+$0xD900]  }
0x25f: {  	v4 =	vld [tilespmem:s29+$0xD910]  }
0x260: {  	v5 =	vld [tilespmem:s29+$0xD920]  }
0x261: {  	v6 =	vld [tilespmem:s29+$0xD930]  }
0x262: {  	s1 =	simm.s32 $0x1;
	v7 =	vld [tilespmem:s29+$0xD940]  }
0x263: {  	s0 =	smul.u32 $0xAB, s1;
	v8 =	vld [tilespmem:s29+$0xD950]  }
0x264: {  	v9 =	vld [tilespmem:s29+$0x4900]  }
0x265: {  	v10 =	vld [tilespmem:s29+$0xD960];
	s1 =	sshrl.u32 s0, $0xA  }
0x266: {  	v11 =	vld [tilespmem:s29+$0x4910];
	s1 =	sand.u32 $0x3F, s1  }
0x267: {  	v60 =	vld [tilespmem:s29+$0xD970];
	s30 =	smul.u32 $0x6, s1  }
0x268: {  	v61 =	vld [tilespmem:s29+$0x4920]  }
0x269: {  	v62 =	vld [tilespmem:s29+$0x4930];
	s1 =	sshrl.u32 s1, $0x3;
	s30 =	ssub.s32 $0x1, s30  }
0x26a: {  	s1 =	smul.u32 $0x1800, s1;
	v3 =	vadd.f32 v3, v9;
	v9 =	vld [tilespmem:s29+$0x4940];
	s30 =	sand.u32 $0xFF, s30  }
0x26b: {  	v63 =	vld [tilespmem:s29+$0x4950];
	s0 =	sshrl.u32 s0, $0x3;
	s30 =	sshll.u32 s30, $0xA  }
0x26c: {  	s0 =	sand.u32 $0x380, s0;
	v4 =	vadd.f32 v4, v11;
	v11 =	vld [tilespmem:s29+$0x4960];
	s1 =	sadd.s32 s1, s30  }
0x26d: {  	v16 =	vld [tilespmem:s29+$0x4970];
	v13 =	vadd.f32 v5, v61;
	[tilespmem:s29+$0x4900] =	vst v3;
	s30 =	sor.u32 s0, s1  }
0x26e: {  	v3 =	vld [tilespmem:s30+$0xD900];
	[tilespmem:s29+$0x4910] =	vst v4;
	v4 =	vadd.f32 v6, v62  }
0x26f: {  	v7 =	vadd.f32 v7, v9;
	v5 =	vld [tilespmem:s30+$0xD910];
	[tilespmem:s29+$0x4920] =	vst v13  }
0x270: {  	v9 =	vadd.f32 v8, v63;
	v6 =	vld [tilespmem:s30+$0xD920];
	[tilespmem:s29+$0x4930] =	vst v4  }
0x271: {  	v8 =	vadd.f32 v10, v11;
	v4 =	vld [tilespmem:s30+$0xD930];
	[tilespmem:s29+$0x4940] =	vst v7  }
0x272: {  	s31 =	simm.s32 $0x2;
	v7 =	vld [tilespmem:s30+$0xD940];
	[tilespmem:s29+$0x4950] =	vst v9;
	v9 =	vadd.f32 v60, v16  }
.LBB2_12:
0x273: {  	s0 =	smul.u32 $0xAB, s31;
	p1 =	sne.s32 s31, $0x8F;
	v10 =	vld [tilespmem:s30+$0xD950];
	[tilespmem:s29+$0x4960] =	vst v8  }
0x274: {  	v8 =	vld [tilespmem:s30+$0xD960];
	[tilespmem:s29+$0x4970] =	vst v9;
	s29 =	smov.u32 s30  }
0x275: {  	s1 =	sshrl.u32 s0, $0xA;
	v9 =	vld [tilespmem:s29+$0xD970]  }
0x276: {  	s1 =	sand.u32 $0x3F, s1;
	v11 =	vld [tilespmem:s29+$0x4900]  }
0x277: {  	s30 =	smul.u32 $0x6, s1;
	v12 =	vld [tilespmem:s29+$0x4910]  }
0x278: {  	v13 =	vld [tilespmem:s29+$0x4920]  }
0x279: {  	s1 =	sshrl.u32 s1, $0x3;
	s30 =	ssub.s32 s31, s30;
	v14 =	vld [tilespmem:s29+$0x4930]  }
0x27a: {  	s1 =	smul.u32 $0x1800, s1;
	s30 =	sand.u32 $0xFF, s30;
	v15 =	vld [tilespmem:s29+$0x4940]  }
0x27b: {  	s0 =	sshrl.u32 s0, $0x3;
	s30 =	sshll.u32 s30, $0xA;
	v3 =	vadd.f32 v3, v11;
	v11 =	vld [tilespmem:s29+$0x4950]  }
0x27c: {  	s0 =	sand.u32 $0x380, s0;
	s1 =	sadd.s32 s1, s30;
	v5 =	vadd.f32 v5, v12;
	v12 =	vld [tilespmem:s29+$0x4960]  }
0x27d: {  	s30 =	sor.u32 s0, s1;
	[tilespmem:s29+$0x4900] =	vst v3;
	v6 =	vadd.f32 v6, v13;
	v13 =	vld [tilespmem:s29+$0x4970]  }
.Ltmp7:
0x27e: {  	v3 =	vld [tilespmem:s30+$0xD900];
	[tilespmem:s29+$0x4910] =	vst v5;
	v4 =	vadd.f32 v4, v14;
	(pc) =	sbr.rel @p1 .LBB2_12-.Ltmp7, $4  }
0x27f: {  	v5 =	vld [tilespmem:s30+$0xD910];
	[tilespmem:s29+$0x4920] =	vst v6;
	v7 =	vadd.f32 v7, v15  }
0x280: {  	v6 =	vld [tilespmem:s30+$0xD920];
	[tilespmem:s29+$0x4930] =	vst v4;
	v10 =	vadd.f32 v10, v11  }
0x281: {  	v4 =	vld [tilespmem:s30+$0xD930];
	[tilespmem:s29+$0x4940] =	vst v7;
	v8 =	vadd.f32 v8, v12  }
0x282: {  	s31 =	sadd.s32 $0x1, s31;
	v7 =	vld [tilespmem:s30+$0xD940];
	[tilespmem:s29+$0x4950] =	vst v10;
	v9 =	vadd.f32 v9, v13  }
0x283: {  	v10 =	vld [tilespmem:s30+$0xD950]  }
0x284: {  	v11 =	vld [tilespmem:s30+$0x4900]  }
0x285: {  	v12 =	vld [tilespmem:s30+$0x4910]  }
0x286: {  	[tilespmem:s29+$0x4960] =	vst v8;
	v13 =	vld [tilespmem:s30+$0x4920]  }
0x287: {  	v8 =	vld [tilespmem:s30+$0xD960]  }
0x288: {  	[tilespmem:s29+$0x4970] =	vst v9;
	v14 =	vld [tilespmem:s30+$0x4930]  }
0x289: {  	v9 =	vld [tilespmem:s30+$0xD970]  }
0x28a: {  	v59 =	vld [tilespmem:s30+$0x4950]  }
0x28b: {  	v15 =	vld [tilespmem:s30+$0x4940];
	v3 =	vadd.f32 v3, v11  }
0x28c: {  	v61 =	vld [tilespmem:s30+$0x4970];
	v5 =	vadd.f32 v5, v12  }
0x28d: {  	v60 =	vld [tilespmem:s30+$0x4960];
	v4 =	vadd.f32 v4, v14;
	[tilespmem:s30+$0x4900] =	vst v3  }
0x28e: {  	v3 =	vadd.f32 v6, v13;
	[tilespmem:s30+$0x4910] =	vst v5  }
0x28f: {  	v62 =	vadd.f32 v10, v59;
	[tilespmem:s30+$0x4930] =	vst v4  }
0x290: {  	[tilespmem:s30+$0x4920] =	vst v3;
	v3 =	vadd.f32 v7, v15  }
0x291: {  	v63 =	vadd.f32 v9, v61;
	[tilespmem:s30+$0x4950] =	vst v62  }
0x292: {  	[tilespmem:s30+$0x4940] =	vst v3;
	v3 =	vadd.f32 v8, v60  }
0x293: {  	[tilespmem:s30+$0x4970] =	vst v63  }
0x294: {  	s0 =	rddreg [dreg:$0xf];
	[tilespmem:s30+$0x4960] =	vst v3  }
0x295: {  	[hbm4b:s0+s2] =	stream.linear.scatter [tilespmem:s19], [sflag:$0x6], $0x4800, $0x38;
	[tilespmem:$0x12100] =	vst v63  }
0x296: {  	_ =	swait.ge [sflag:s16], $0x4800  }
.Ltmp8:
0x297: {  	[sflag:s16] =	ssyncset.done $0x0;
	(pc) =	sbr.rel @p0 .LBB2_17-.Ltmp8, $4  }
0x298: {  	[sflag:s16] =	ssyncadd.s32 $0xFFFFB800  }
0x299: {  	_ =	swait.ge [sflag:s21], $0x4800  }
0x29a: {  	[sflag:s21] =	ssyncset.done $0x0  }
0x29b: {  	[sflag:s21] =	ssyncadd.s32 $0xFFFFB800  }
0x29c: {  	s0 =	simm.s32 $0x0;
	s1 =	rddreg [dreg:$0x10]  }
0x29d: {  	[tilespmem:s23], [sflag:$0x1] =	stream.linear.gather [hbm4b:s1+s0], $0x1800, $0x38;
	[tilespmem:$0x12100] =	vst v63  }
0x29e: {  	v3 =	vld.msk [tilespmem:$0x90], $0xff;
	_ =	sdelay $0x4  }
0x29f: {  	v4 =	vshrl.u32 v3, $0x3  }
0x2a0: {  	v4 =	vmul.u32 $0x30, v4  }
0x2a1: {  	v3 =	vand.u32 $0x7, v3  }
0x2a2: {  	v3 =	vor.u32 v3, v4  }
0x2a3: {  	v3 =	vperm.xlane v3, v0;
	_ =	sdelay $0x1  }
0x2a4: {  	v3 =	vadd.s32 v1, v3;
	_ =	sdelay $0x4  }
0x2a5: {  	[tilespmem:s24], [sflag:$0x3] =	stream.indirect_vreg.gather [hbm4b:s3+s0], $0x80, v3, vm0, $0xb8;
	[tilespmem:$0x12100] =	vst v63  }
0x2a6: {  	_ = 	snop  }
0x2a7: {  	[tilespmem:s25], [sflag:$0x3] =	stream.indirect_vreg.gather [hbm4b:s6+s0], $0x80, v3, vm0, $0xb8;
	[tilespmem:$0x12100] =	vst v63  }
0x2a8: {  	s1 =	smul.u32 $0xAB, s0  }
0x2a9: {  	[tilespmem:s26], [sflag:$0x3] =	stream.indirect_vreg.gather [hbm4b:s7+s0], $0x80, v3, vm0, $0xb8;
	[tilespmem:$0x12100] =	vst v63  }
0x2aa: {  	s0 =	sshrl.u32 s1, $0xA  }
0x2ab: {  	s0 =	sand.u32 $0x3F, s0  }
0x2ac: {  	s29 =	smul.u32 $0x6, s0  }
0x2ad: {  	_ =	swait.ge [sflag:s14], $0x1800  }
0x2ae: {  	[sflag:s14] =	ssyncset.done $0x0;
	s0 =	sshrl.u32 s0, $0x3;
	s29 =	ssub.s32 $0x0, s29  }
0x2af: {  	[sflag:s14] =	ssyncadd.s32 $0xFFFFE800;
	s0 =	smul.u32 $0x1800, s0;
	s29 =	sand.u32 $0xFF, s29  }
0x2b0: {  	s1 =	sshrl.u32 s1, $0x3;
	_ =	swait.ge [sflag:s15], $0x1800;
	s29 =	sshll.u32 s29, $0xA  }
0x2b1: {  	s1 =	sand.u32 $0x380, s1;
	[sflag:s15] =	ssyncset.done $0x0;
	s0 =	sadd.s32 s29, s0  }
0x2b2: {  	[sflag:s15] =	ssyncadd.s32 $0xFFFFE800;
	s29 =	sor.u32 s1, s0  }
0x2b3: {  	v3 =	vld [tilespmem:s29+$0x9100]  }
0x2b4: {  	v4 =	vld [tilespmem:s29+$0x9110]  }
0x2b5: {  	v5 =	vld [tilespmem:s29+$0x9120]  }
0x2b6: {  	v6 =	vld [tilespmem:s29+$0x9130]  }
0x2b7: {  	s1 =	simm.s32 $0x1;
	v7 =	vld [tilespmem:s29+$0x9140]  }
0x2b8: {  	s0 =	smul.u32 $0xAB, s1;
	v8 =	vld [tilespmem:s29+$0x9150]  }
0x2b9: {  	v9 =	vld [tilespmem:s29+$0x100]  }
0x2ba: {  	v10 =	vld [tilespmem:s29+$0x9160];
	s1 =	sshrl.u32 s0, $0xA  }
0x2bb: {  	v11 =	vld [tilespmem:s29+$0x110];
	s1 =	sand.u32 $0x3F, s1  }
0x2bc: {  	v12 =	vld [tilespmem:s29+$0x9170];
	s30 =	smul.u32 $0x6, s1  }
0x2bd: {  	v13 =	vld [tilespmem:s29+$0x120]  }
0x2be: {  	v14 =	vld [tilespmem:s29+$0x130];
	s1 =	sshrl.u32 s1, $0x3;
	s30 =	ssub.s32 $0x1, s30  }
0x2bf: {  	s1 =	smul.u32 $0x1800, s1;
	v3 =	vadd.f32 v3, v9;
	v9 =	vld [tilespmem:s29+$0x140];
	s30 =	sand.u32 $0xFF, s30  }
0x2c0: {  	v15 =	vld [tilespmem:s29+$0x150];
	s0 =	sshrl.u32 s0, $0x3;
	s30 =	sshll.u32 s30, $0xA  }
0x2c1: {  	s0 =	sand.u32 $0x380, s0;
	v4 =	vadd.f32 v4, v11;
	v11 =	vld [tilespmem:s29+$0x160];
	s1 =	sadd.s32 s30, s1  }
0x2c2: {  	v16 =	vld [tilespmem:s29+$0x170];
	v13 =	vadd.f32 v5, v13;
	[tilespmem:s29+$0x100] =	vst v3;
	s30 =	sor.u32 s0, s1  }
0x2c3: {  	v3 =	vld [tilespmem:s30+$0x9100];
	[tilespmem:s29+$0x110] =	vst v4;
	v4 =	vadd.f32 v6, v14  }
0x2c4: {  	v7 =	vadd.f32 v7, v9;
	v5 =	vld [tilespmem:s30+$0x9110];
	[tilespmem:s29+$0x120] =	vst v13  }
0x2c5: {  	v9 =	vadd.f32 v8, v15;
	v6 =	vld [tilespmem:s30+$0x9120];
	[tilespmem:s29+$0x130] =	vst v4  }
0x2c6: {  	v8 =	vadd.f32 v10, v11;
	v4 =	vld [tilespmem:s30+$0x9130];
	[tilespmem:s29+$0x140] =	vst v7  }
0x2c7: {  	s31 =	simm.s32 $0x2;
	v7 =	vld [tilespmem:s30+$0x9140];
	[tilespmem:s29+$0x150] =	vst v9;
	v9 =	vadd.f32 v12, v16  }
.LBB2_15:
0x2c8: {  	s0 =	smul.u32 $0xAB, s31;
	p1 =	sne.s32 s31, $0x2F;
	v10 =	vld [tilespmem:s30+$0x9150];
	[tilespmem:s29+$0x160] =	vst v8  }
0x2c9: {  	v8 =	vld [tilespmem:s30+$0x9160];
	[tilespmem:s29+$0x170] =	vst v9;
	s29 =	smov.u32 s30  }
0x2ca: {  	s1 =	sshrl.u32 s0, $0xA;
	v9 =	vld [tilespmem:s29+$0x9170]  }
0x2cb: {  	s1 =	sand.u32 $0x3F, s1;
	v11 =	vld [tilespmem:s29+$0x100]  }
0x2cc: {  	s30 =	smul.u32 $0x6, s1;
	v12 =	vld [tilespmem:s29+$0x110]  }
0x2cd: {  	v13 =	vld [tilespmem:s29+$0x120]  }
0x2ce: {  	s1 =	sshrl.u32 s1, $0x3;
	s30 =	ssub.s32 s31, s30;
	v14 =	vld [tilespmem:s29+$0x130]  }
0x2cf: {  	s1 =	smul.u32 $0x1800, s1;
	s30 =	sand.u32 $0xFF, s30;
	v15 =	vld [tilespmem:s29+$0x140]  }
0x2d0: {  	s0 =	sshrl.u32 s0, $0x3;
	s30 =	sshll.u32 s30, $0xA;
	v3 =	vadd.f32 v3, v11;
	v11 =	vld [tilespmem:s29+$0x150]  }
0x2d1: {  	s0 =	sand.u32 $0x380, s0;
	s1 =	sadd.s32 s30, s1;
	v5 =	vadd.f32 v5, v12;
	v12 =	vld [tilespmem:s29+$0x160]  }
0x2d2: {  	s30 =	sor.u32 s0, s1;
	[tilespmem:s29+$0x100] =	vst v3;
	v6 =	vadd.f32 v6, v13;
	v13 =	vld [tilespmem:s29+$0x170]  }
.Ltmp9:
0x2d3: {  	v3 =	vld [tilespmem:s30+$0x9100];
	[tilespmem:s29+$0x110] =	vst v5;
	v4 =	vadd.f32 v4, v14;
	(pc) =	sbr.rel @p1 .LBB2_15-.Ltmp9, $4  }
0x2d4: {  	v5 =	vld [tilespmem:s30+$0x9110];
	[tilespmem:s29+$0x120] =	vst v6;
	v7 =	vadd.f32 v7, v15  }
0x2d5: {  	v6 =	vld [tilespmem:s30+$0x9120];
	[tilespmem:s29+$0x130] =	vst v4;
	v10 =	vadd.f32 v10, v11  }
0x2d6: {  	v4 =	vld [tilespmem:s30+$0x9130];
	[tilespmem:s29+$0x140] =	vst v7;
	v8 =	vadd.f32 v8, v12  }
0x2d7: {  	s31 =	sadd.s32 $0x1, s31;
	v7 =	vld [tilespmem:s30+$0x9140];
	[tilespmem:s29+$0x150] =	vst v10;
	v9 =	vadd.f32 v9, v13  }
.Ltmp10:
0x2d8: {  	_ = 	snop;
	(pc) =	sbr.rel .LBB2_16-.Ltmp10, $1  }
0x2d9: {  	_ =	sdelay $0x3  }
.LBB2_18:
0x2da: {  	_ =	sfence.sel $0x180000  }
0x2db: {  	[bflag:$0x0] =	sbarrier.arrive $0xFFFF  }
0x2dc: {  	_ =	strace $0x90000047  }
0x2dd: {  	s0 =	stileid.u32;
	[bflag:$0x2] =	sbarrier.arrive $0xFFFF  }
0x2de: {  	p0 =	sne.s32 s0, $0x0;
	s0 =	rddreg [dreg:$0x2]  }
0x2df: {  	s0 =	sadd.s32 @!p0 $0x100000, s0  }
0x2e0: {  	[sflag:s0] =	ssyncadd.tile.s32 @!p0 $0x1;
	_ =	shalt  }
.Lfunc_end2:
_tile_overlayer_lowered:
.L_overlay_start_2:
0x2e1: {  	(tag) =	ssettag $0x2  }
0x2e2: {  	s0 =	rddreg [dreg:$0x0];
	s2 =	stileid.u32  }
0x2e3: {  	s1 =	rddreg [dreg:$0x1];
	p0 =	sne.s32 s2, $0x0  }
0x2e4: {  	s3 =	rddreg [dreg:$0x2];
	[bflag:$0x3] =	sbarrier.arrive $0xFFFF;
	s2 =	simm.s32 @!p0 $0x1C07  }
0x2e5: {  	[timem:s3], [sflag:s2] =	dma.local @!p0 [hbm:s0], s1  }
0x2e6: {  	s0 =	simm.s32 @!p0 $0x7  }
0x2e7: {  	_ =	swait.ge @!p0 [sflag:s0], s1  }
0x2e8: {  	s1 =	ssub.s32 @!p0 $0x0, s1;
	[sflag:s0] =	ssyncset.done @!p0 $0x0  }
0x2e9: {  	[sflag:s0] =	ssyncadd.s32 @!p0 s1  }
0x2ea: {  	[bflag:$0x3] =	sbarrier.arrive $0xFFFF  }
0x2eb: {  	_ =	shalt  }

</sc_bundles>
